<compile_context>
chip_gen: v7x
topology: tpu7x:2x2x1
jax: 0.10.2.dev20260603
libtpu: 0.0.44.dev20260713+nightly
codegen_flags: <defaults>
</compile_context>

<pallas_src>
import functools

import jax
import jax.numpy as jnp
from jax import lax
from jax.experimental import pallas as pl
from jax.experimental.pallas import tpu as pltpu
from jax.experimental.pallas import tpu_sc as plsc

BATCH = 16384
CLASSES = 100
D = 128
PADD = D + 1
LANES = 16
NUM_CORES = 2
NUM_SUBCORES = 16
NW = NUM_CORES * NUM_SUBCORES
SPW = BATCH // NW
CHUNK = 64
NCHUNK = SPW // CHUNK
NBLK = CHUNK // LANES
NK = D // LANES


def _rsqrt_newton(x):
    i = lax.bitcast_convert_type(x, jnp.int32)
    i = jnp.int32(0x5F3759DF) - lax.shift_right_logical(i, 1)
    y = lax.bitcast_convert_type(i, jnp.float32)
    for _ in range(3):
        y = y * (1.5 - 0.5 * x * y * y)
    return y


_MESH = plsc.VectorSubcoreMesh(
    core_axis_name="c", subcore_axis_name="s",
    num_cores=NUM_CORES, num_subcores=NUM_SUBCORES)


@functools.partial(
    pl.kernel,
    out_type=jax.ShapeDtypeStruct((NW, LANES), jnp.float32),
    mesh=_MESH,
    scratch_types=[
        pltpu.VMEM((CLASSES * D,), jnp.float32),
        pltpu.VMEM((CLASSES * PADD + 7,), jnp.float32),
        pltpu.VMEM((SPW,), jnp.int32),
        pltpu.VMEM((CHUNK, D), jnp.float32),
        pltpu.VMEM((CHUNK, D), jnp.float32),
        pltpu.VMEM((CHUNK, D), jnp.float32),
        pltpu.VMEM((CHUNK, D), jnp.float32),
        pltpu.VMEM((LANES,), jnp.float32),
        pltpu.SemaphoreType.DMA,
        pltpu.SemaphoreType.DMA,
    ],
    compiler_params=pltpu.CompilerParams(needs_layout_passes=False),
)
def _clop_sc(zi_hbm, zj_hbm, lbl_hbm, anc_hbm, out_hbm,
             anc_raw, anc_v, lbl_v, zi0, zi1, zj0, zj1, res_v, sem0, sem1):
    wid = lax.axis_index("s") * NUM_CORES + lax.axis_index("c")
    base = wid * SPW

    pltpu.sync_copy(anc_hbm, anc_raw)
    pltpu.sync_copy(lbl_hbm.at[pl.ds(base, SPW)], lbl_v)

    lane = lax.iota(jnp.int32, LANES)

    def relayout(r, carry):
        for k in range(NK):
            v = anc_raw[pl.ds(r * D + k * LANES, LANES)]
            plsc.store_scatter(anc_v, [r * PADD + (lane + k * LANES)], v)
        return carry

    plsc.parallel_loop(0, CLASSES, unroll=2, carry=jnp.int32(0))(relayout)

    zib = (zi0, zi1)
    zjb = (zj0, zj1)
    sems = (sem0, sem1)

    def start(g):
        b = g % 2
        off = base + g * CHUNK
        hi = pltpu.async_copy(
            zi_hbm.at[pl.ds(off, CHUNK), :], zib[b], sems[b])
        hj = pltpu.async_copy(
            zj_hbm.at[pl.ds(off, CHUNK), :], zjb[b], sems[b])
        return (hi, hj)

    pend = [None, None]
    pend[0] = start(0)

    zero = jnp.zeros((LANES,), jnp.float32)
    acc = zero
    cnt = zero

    for g in range(NCHUNK):
        b = g % 2
        if g + 1 < NCHUNK:
            pend[(g + 1) % 2] = start(g + 1)
        for h in pend[b]:
            h.wait()

        def block(t, carry, _g=g, _b=b):
            acc, cnt = carry
            lbl = lbl_v[pl.ds(_g * CHUNK + t * LANES, LANES)]
            valid = lbl >= 0
            ancbase = jnp.maximum(lbl, 0) * PADD
            rows = lane + t * LANES

            def dstep(d, dcarry, _rows=rows, _ancbase=ancbase):
                ssi, ssj, di, dj = dcarry
                rot = (d + lane) & (D - 1)
                vi = plsc.load_gather(zib[_b], [_rows, rot])
                vj = plsc.load_gather(zjb[_b], [_rows, rot])
                av = plsc.load_gather(anc_v, [_ancbase + rot])
                return (ssi + vi * vi, ssj + vj * vj,
                        di + vi * av, dj + vj * av)

            ssi, ssj, di, dj = plsc.parallel_loop(
                0, D, unroll=4, carry=(zero, zero, zero, zero))(dstep)

            ri = jnp.minimum(_rsqrt_newton(ssi), 1e12)
            rj = jnp.minimum(_rsqrt_newton(ssj), 1e12)
            per = 1.0 - 0.5 * (di * ri + dj * rj)
            acc = acc + jnp.where(valid, per, 0.0)
            cnt = cnt + jnp.where(valid, 1.0, 0.0)
            return (acc, cnt)

        acc, cnt = lax.fori_loop(0, NBLK, block, (acc, cnt))

    tsum = jnp.sum(acc)
    tcnt = jnp.sum(cnt)
    res_v[...] = jnp.where(lane == 0, tsum,
                           jnp.where(lane == 1, tcnt, 0.0))
    pltpu.sync_copy(res_v, out_hbm.at[wid])


@jax.jit
def kernel(z_i, z_j, labels, anchors):
    parts = _clop_sc(z_i, z_j, labels, anchors.reshape(-1))
    total = jnp.sum(parts[:, 0])
    count = jnp.sum(parts[:, 1])
    return total / jnp.maximum(count, 1.0)

# --- scband reference (transcript-rebuilt; emitter-appended) ---
"""Pipeline reference for scband-cloploss-77713138254255 (READ-ONLY COPY).

The authoritative reference and input builder live on the scoring server;
editing this copy changes nothing except your own understanding.
"""

import jax, jax.numpy as jnp
import numpy as np

BATCH = 16384
NUM_CLASSES = 100
EMBED_DIM = 128
LAMBDA = 1.0
EPS = 1e-12


def _make_anchors():
    # SVD-initialized orthonormal anchors, mirroring torch.svd init:
    # random (C, D) matrix -> V (D, C) -> anchors = V[:, :C].T == Vh[:C, :]
    rng = np.random.RandomState(0)
    random_matrix = rng.randn(NUM_CLASSES, EMBED_DIM).astype(np.float32)
    _, _, Vh = np.linalg.svd(random_matrix, full_matrices=False)
    return jnp.asarray(Vh[:NUM_CLASSES, :], dtype=jnp.float32)


def setup_inputs(seed: int = 0) -> dict:
    key = jax.random.key(seed)
    k1, k2, k3 = jax.random.split(key, 3)
    z_i = jax.random.normal(k1, (BATCH, EMBED_DIM), dtype=jnp.float32)
    z_j = jax.random.normal(k2, (BATCH, EMBED_DIM), dtype=jnp.float32)
    labels = jax.random.randint(k3, (BATCH,), 0, NUM_CLASSES, dtype=jnp.int32)
    anchors = _make_anchors()
    return {"z_i": z_i, "z_j": z_j, "labels": labels, "anchors": anchors}


def _normalize(x):
    # torch F.normalize: x / clamp_min(||x||_2, eps)
    n = jnp.linalg.norm(x, axis=1, keepdims=True)
    return x / jnp.maximum(n, EPS)


def reference(z_i, z_j, labels, anchors):
    valid = labels != -1
    zi = _normalize(z_i)
    zj = _normalize(z_j)
    safe_labels = jnp.where(valid, labels, 0)
    anchors_sel = jnp.take(anchors, safe_labels, axis=0)  # gather per-sample anchor
    cos = (jnp.sum(zi * anchors_sel, axis=1) + jnp.sum(zj * anchors_sel, axis=1)) / 2.0
    per_sample = 1.0 - cos
    cnt = jnp.sum(valid.astype(jnp.float32))
    loss = jnp.sum(jnp.where(valid, per_sample, 0.0)) / jnp.maximum(cnt, 1.0)
    return loss * LAMBDA

if __name__ == "__main__":
    import jax
    _d = setup_inputs()
    print(jax.jit(kernel)(*tuple(_d.values())))

</pallas_src>

<mosaic_0001>
#map = affine_map<(d0, d1) -> (0, 0)>
#map1 = affine_map<(d0, d1) -> (0)>
module attributes {stable_mosaic.version = 14 : i64} {
  func.func @_clop_sc(%arg0: i32, %arg1: i32, %arg2: memref<16384x128xf32, #tpu.memory_space<hbm>>, %arg3: memref<16384x128xf32, #tpu.memory_space<hbm>>, %arg4: memref<16384xi32, #tpu.memory_space<hbm>>, %arg5: memref<12800xf32, #tpu.memory_space<hbm>>, %arg6: memref<32x16xf32, #tpu.memory_space<hbm>>, %arg7: memref<12800xf32, #tpu.memory_space<vmem>>, %arg8: memref<12907xf32, #tpu.memory_space<vmem>>, %arg9: memref<512xi32, #tpu.memory_space<vmem>>, %arg10: memref<64x128xf32, #tpu.memory_space<vmem>>, %arg11: memref<64x128xf32, #tpu.memory_space<vmem>>, %arg12: memref<64x128xf32, #tpu.memory_space<vmem>>, %arg13: memref<64x128xf32, #tpu.memory_space<vmem>>, %arg14: memref<16xf32, #tpu.memory_space<vmem>>, %arg15: memref<!tpu.dma_semaphore, #tpu.memory_space<semaphore_mem>>, %arg16: memref<!tpu.dma_semaphore, #tpu.memory_space<semaphore_mem>>) attributes {dimension_semantics = [#tpu.dimension_semantics<core_parallel>, #tpu.dimension_semantics<subcore_parallel>], iteration_bounds = array<i64: 2, 16>, scalar_prefetch = 0 : i64, scratch_operands = 10 : i64, tpu.core_type = #tpu.core_type<sc_vector_subcore>, window_params = [{transform_indices = #map}, {transform_indices = #map}, {transform_indices = #map1}, {transform_indices = #map1}, {transform_indices = #map}]} {
    %mul3A = arith.constant 2 : i32
    %mul3A_0 = arith.muli %arg1, %mul3A : i32
    %add3A = arith.addi %mul3A_0, %arg0 : i32
    %mul3A_1 = arith.constant 512 : i32
    %mul3A_2 = arith.muli %add3A, %mul3A_1 : i32
    "tpu.region"() ({
      %run_scoped3A = tpu.sem_alloc : memref<!tpu.dma_semaphore, #tpu.memory_space<semaphore_mem>>
      tpu.enqueue_dma source(%arg5 : memref<12800xf32, #tpu.memory_space<hbm>>) target(%arg7 : memref<12800xf32, #tpu.memory_space<vmem>>) target_semaphore(%run_scoped3A : memref<!tpu.dma_semaphore, #tpu.memory_space<semaphore_mem>>)
      tpu.wait_dma2 semaphore(%run_scoped3A : memref<!tpu.dma_semaphore, #tpu.memory_space<semaphore_mem>>) src(%arg5 : memref<12800xf32, #tpu.memory_space<hbm>>) dst(%arg7 : memref<12800xf32, #tpu.memory_space<vmem>>)
      tpu.yield
    }) : () -> ()
    "tpu.region"() ({
      %run_scoped3A = tpu.sem_alloc : memref<!tpu.dma_semaphore, #tpu.memory_space<semaphore_mem>>
      %dma_start3A_214 = tpu.memref_slice %arg4[%mul3A_2] : memref<16384xi32, #tpu.memory_space<hbm>> -> memref<512xi32, #tpu.memory_space<hbm>>
      %dma_start3A_215 = tpu.memref_slice %arg4[%mul3A_2] : memref<16384xi32, #tpu.memory_space<hbm>> -> memref<512xi32, #tpu.memory_space<hbm>>
      tpu.enqueue_dma source(%dma_start3A_215 : memref<512xi32, #tpu.memory_space<hbm>>) target(%arg9 : memref<512xi32, #tpu.memory_space<vmem>>) target_semaphore(%run_scoped3A : memref<!tpu.dma_semaphore, #tpu.memory_space<semaphore_mem>>)
      %dma_wait3A_216 = tpu.memref_slice %arg4[%mul3A_2] : memref<16384xi32, #tpu.memory_space<hbm>> -> memref<512xi32, #tpu.memory_space<hbm>>
      %dma_wait3A_217 = tpu.memref_slice %arg4[%mul3A_2] : memref<16384xi32, #tpu.memory_space<hbm>> -> memref<512xi32, #tpu.memory_space<hbm>>
      tpu.wait_dma2 semaphore(%run_scoped3A : memref<!tpu.dma_semaphore, #tpu.memory_space<semaphore_mem>>) src(%dma_wait3A_217 : memref<512xi32, #tpu.memory_space<hbm>>) dst(%arg9 : memref<512xi32, #tpu.memory_space<vmem>>)
      tpu.yield
    }) : () -> ()
    %iota3A = tpu.iota {dimensions = array<i32: 0>} : vector<16xi32>
    %parallel_loop3A = arith.constant 0 : i32
    %parallel_loop3A_3 = arith.constant 100 : i32
    %parallel_loop3A_4 = arith.constant 1 : i32
    %parallel_loop3A_5 = arith.constant 0 : i32
    %parallel_loop3A_6 = scf.for %parallel_loop3A_214 = %parallel_loop3A to %parallel_loop3A_3 step %parallel_loop3A_4 iter_args(%parallel_loop3A_215 = %parallel_loop3A_5) -> (i32)  : i32 {
      %parallel_loop3A_216 = arith.constant 128 : i32
      %parallel_loop3A_217 = arith.muli %parallel_loop3A_214, %parallel_loop3A_216 : i32
      %parallel_loop3A_218 = arith.constant 0 : i32
      %parallel_loop3A_219 = arith.addi %parallel_loop3A_217, %parallel_loop3A_218 : i32
      %parallel_loop3A_220 = arith.index_cast %parallel_loop3A_219 : i32 to index
      %parallel_loop3A_221 = tpu.vector_load %arg7[%parallel_loop3A_220] {strides = array<i32>} : memref<12800xf32, #tpu.memory_space<vmem>>, vector<16xf32>,
      %parallel_loop3A_222 = arith.constant 129 : i32
      %parallel_loop3A_223 = arith.muli %parallel_loop3A_214, %parallel_loop3A_222 : i32
      %parallel_loop3A_224 = arith.constant 0 : i32
      %parallel_loop3A_225 = vector.broadcast %parallel_loop3A_224 : i32 to vector<16xi32>
      %parallel_loop3A_226 = arith.addi %iota3A, %parallel_loop3A_225 : vector<16xi32>
      %parallel_loop3A_227 = vector.broadcast %parallel_loop3A_223 : i32 to vector<16xi32>
      %parallel_loop3A_228 = arith.addi %parallel_loop3A_227, %parallel_loop3A_226 : vector<16xi32>
      tpu.vector_store_idx %arg8[%parallel_loop3A_228], %parallel_loop3A_221 : memref<12907xf32, #tpu.memory_space<vmem>>[vector<16xi32>], vector<16xf32>,
      %parallel_loop3A_229 = arith.constant 128 : i32
      %parallel_loop3A_230 = arith.muli %parallel_loop3A_214, %parallel_loop3A_229 : i32
      %parallel_loop3A_231 = arith.constant 16 : i32
      %parallel_loop3A_232 = arith.addi %parallel_loop3A_230, %parallel_loop3A_231 : i32
      %parallel_loop3A_233 = arith.index_cast %parallel_loop3A_232 : i32 to index
      %parallel_loop3A_234 = tpu.vector_load %arg7[%parallel_loop3A_233] {strides = array<i32>} : memref<12800xf32, #tpu.memory_space<vmem>>, vector<16xf32>,
      %parallel_loop3A_235 = arith.constant 129 : i32
      %parallel_loop3A_236 = arith.muli %parallel_loop3A_214, %parallel_loop3A_235 : i32
      %parallel_loop3A_237 = arith.constant 16 : i32
      %parallel_loop3A_238 = vector.broadcast %parallel_loop3A_237 : i32 to vector<16xi32>
      %parallel_loop3A_239 = arith.addi %iota3A, %parallel_loop3A_238 : vector<16xi32>
      %parallel_loop3A_240 = vector.broadcast %parallel_loop3A_236 : i32 to vector<16xi32>
      %parallel_loop3A_241 = arith.addi %parallel_loop3A_240, %parallel_loop3A_239 : vector<16xi32>
      tpu.vector_store_idx %arg8[%parallel_loop3A_241], %parallel_loop3A_234 : memref<12907xf32, #tpu.memory_space<vmem>>[vector<16xi32>], vector<16xf32>,
      %parallel_loop3A_242 = arith.constant 128 : i32
      %parallel_loop3A_243 = arith.muli %parallel_loop3A_214, %parallel_loop3A_242 : i32
      %parallel_loop3A_244 = arith.constant 32 : i32
      %parallel_loop3A_245 = arith.addi %parallel_loop3A_243, %parallel_loop3A_244 : i32
      %parallel_loop3A_246 = arith.index_cast %parallel_loop3A_245 : i32 to index
      %parallel_loop3A_247 = tpu.vector_load %arg7[%parallel_loop3A_246] {strides = array<i32>} : memref<12800xf32, #tpu.memory_space<vmem>>, vector<16xf32>,
      %parallel_loop3A_248 = arith.constant 129 : i32
      %parallel_loop3A_249 = arith.muli %parallel_loop3A_214, %parallel_loop3A_248 : i32
      %parallel_loop3A_250 = arith.constant 32 : i32
      %parallel_loop3A_251 = vector.broadcast %parallel_loop3A_250 : i32 to vector<16xi32>
      %parallel_loop3A_252 = arith.addi %iota3A, %parallel_loop3A_251 : vector<16xi32>
      %parallel_loop3A_253 = vector.broadcast %parallel_loop3A_249 : i32 to vector<16xi32>
      %parallel_loop3A_254 = arith.addi %parallel_loop3A_253, %parallel_loop3A_252 : vector<16xi32>
      tpu.vector_store_idx %arg8[%parallel_loop3A_254], %parallel_loop3A_247 : memref<12907xf32, #tpu.memory_space<vmem>>[vector<16xi32>], vector<16xf32>,
      %parallel_loop3A_255 = arith.constant 128 : i32
      %parallel_loop3A_256 = arith.muli %parallel_loop3A_214, %parallel_loop3A_255 : i32
      %parallel_loop3A_257 = arith.constant 48 : i32
      %parallel_loop3A_258 = arith.addi %parallel_loop3A_256, %parallel_loop3A_257 : i32
      %parallel_loop3A_259 = arith.index_cast %parallel_loop3A_258 : i32 to index
      %parallel_loop3A_260 = tpu.vector_load %arg7[%parallel_loop3A_259] {strides = array<i32>} : memref<12800xf32, #tpu.memory_space<vmem>>, vector<16xf32>,
      %parallel_loop3A_261 = arith.constant 129 : i32
      %parallel_loop3A_262 = arith.muli %parallel_loop3A_214, %parallel_loop3A_261 : i32
      %parallel_loop3A_263 = arith.constant 48 : i32
      %parallel_loop3A_264 = vector.broadcast %parallel_loop3A_263 : i32 to vector<16xi32>
      %parallel_loop3A_265 = arith.addi %iota3A, %parallel_loop3A_264 : vector<16xi32>
      %parallel_loop3A_266 = vector.broadcast %parallel_loop3A_262 : i32 to vector<16xi32>
      %parallel_loop3A_267 = arith.addi %parallel_loop3A_266, %parallel_loop3A_265 : vector<16xi32>
      tpu.vector_store_idx %arg8[%parallel_loop3A_267], %parallel_loop3A_260 : memref<12907xf32, #tpu.memory_space<vmem>>[vector<16xi32>], vector<16xf32>,
      %parallel_loop3A_268 = arith.constant 128 : i32
      %parallel_loop3A_269 = arith.muli %parallel_loop3A_214, %parallel_loop3A_268 : i32
      %parallel_loop3A_270 = arith.constant 64 : i32
      %parallel_loop3A_271 = arith.addi %parallel_loop3A_269, %parallel_loop3A_270 : i32
      %parallel_loop3A_272 = arith.index_cast %parallel_loop3A_271 : i32 to index
      %parallel_loop3A_273 = tpu.vector_load %arg7[%parallel_loop3A_272] {strides = array<i32>} : memref<12800xf32, #tpu.memory_space<vmem>>, vector<16xf32>,
      %parallel_loop3A_274 = arith.constant 129 : i32
      %parallel_loop3A_275 = arith.muli %parallel_loop3A_214, %parallel_loop3A_274 : i32
      %parallel_loop3A_276 = arith.constant 64 : i32
      %parallel_loop3A_277 = vector.broadcast %parallel_loop3A_276 : i32 to vector<16xi32>
      %parallel_loop3A_278 = arith.addi %iota3A, %parallel_loop3A_277 : vector<16xi32>
      %parallel_loop3A_279 = vector.broadcast %parallel_loop3A_275 : i32 to vector<16xi32>
      %parallel_loop3A_280 = arith.addi %parallel_loop3A_279, %parallel_loop3A_278 : vector<16xi32>
      tpu.vector_store_idx %arg8[%parallel_loop3A_280], %parallel_loop3A_273 : memref<12907xf32, #tpu.memory_space<vmem>>[vector<16xi32>], vector<16xf32>,
      %parallel_loop3A_281 = arith.constant 128 : i32
      %parallel_loop3A_282 = arith.muli %parallel_loop3A_214, %parallel_loop3A_281 : i32
      %parallel_loop3A_283 = arith.constant 80 : i32
      %parallel_loop3A_284 = arith.addi %parallel_loop3A_282, %parallel_loop3A_283 : i32
      %parallel_loop3A_285 = arith.index_cast %parallel_loop3A_284 : i32 to index
      %parallel_loop3A_286 = tpu.vector_load %arg7[%parallel_loop3A_285] {strides = array<i32>} : memref<12800xf32, #tpu.memory_space<vmem>>, vector<16xf32>,
      %parallel_loop3A_287 = arith.constant 129 : i32
      %parallel_loop3A_288 = arith.muli %parallel_loop3A_214, %parallel_loop3A_287 : i32
      %parallel_loop3A_289 = arith.constant 80 : i32
      %parallel_loop3A_290 = vector.broadcast %parallel_loop3A_289 : i32 to vector<16xi32>
      %parallel_loop3A_291 = arith.addi %iota3A, %parallel_loop3A_290 : vector<16xi32>
      %parallel_loop3A_292 = vector.broadcast %parallel_loop3A_288 : i32 to vector<16xi32>
      %parallel_loop3A_293 = arith.addi %parallel_loop3A_292, %parallel_loop3A_291 : vector<16xi32>
      tpu.vector_store_idx %arg8[%parallel_loop3A_293], %parallel_loop3A_286 : memref<12907xf32, #tpu.memory_space<vmem>>[vector<16xi32>], vector<16xf32>,
      %parallel_loop3A_294 = arith.constant 128 : i32
      %parallel_loop3A_295 = arith.muli %parallel_loop3A_214, %parallel_loop3A_294 : i32
      %parallel_loop3A_296 = arith.constant 96 : i32
      %parallel_loop3A_297 = arith.addi %parallel_loop3A_295, %parallel_loop3A_296 : i32
      %parallel_loop3A_298 = arith.index_cast %parallel_loop3A_297 : i32 to index
      %parallel_loop3A_299 = tpu.vector_load %arg7[%parallel_loop3A_298] {strides = array<i32>} : memref<12800xf32, #tpu.memory_space<vmem>>, vector<16xf32>,
      %parallel_loop3A_300 = arith.constant 129 : i32
      %parallel_loop3A_301 = arith.muli %parallel_loop3A_214, %parallel_loop3A_300 : i32
      %parallel_loop3A_302 = arith.constant 96 : i32
      %parallel_loop3A_303 = vector.broadcast %parallel_loop3A_302 : i32 to vector<16xi32>
      %parallel_loop3A_304 = arith.addi %iota3A, %parallel_loop3A_303 : vector<16xi32>
      %parallel_loop3A_305 = vector.broadcast %parallel_loop3A_301 : i32 to vector<16xi32>
      %parallel_loop3A_306 = arith.addi %parallel_loop3A_305, %parallel_loop3A_304 : vector<16xi32>
      tpu.vector_store_idx %arg8[%parallel_loop3A_306], %parallel_loop3A_299 : memref<12907xf32, #tpu.memory_space<vmem>>[vector<16xi32>], vector<16xf32>,
      %parallel_loop3A_307 = arith.constant 128 : i32
      %parallel_loop3A_308 = arith.muli %parallel_loop3A_214, %parallel_loop3A_307 : i32
      %parallel_loop3A_309 = arith.constant 112 : i32
      %parallel_loop3A_310 = arith.addi %parallel_loop3A_308, %parallel_loop3A_309 : i32
      %parallel_loop3A_311 = arith.index_cast %parallel_loop3A_310 : i32 to index
      %parallel_loop3A_312 = tpu.vector_load %arg7[%parallel_loop3A_311] {strides = array<i32>} : memref<12800xf32, #tpu.memory_space<vmem>>, vector<16xf32>,
      %parallel_loop3A_313 = arith.constant 129 : i32
      %parallel_loop3A_314 = arith.muli %parallel_loop3A_214, %parallel_loop3A_313 : i32
      %parallel_loop3A_315 = arith.constant 112 : i32
      %parallel_loop3A_316 = vector.broadcast %parallel_loop3A_315 : i32 to vector<16xi32>
      %parallel_loop3A_317 = arith.addi %iota3A, %parallel_loop3A_316 : vector<16xi32>
      %parallel_loop3A_318 = vector.broadcast %parallel_loop3A_314 : i32 to vector<16xi32>
      %parallel_loop3A_319 = arith.addi %parallel_loop3A_318, %parallel_loop3A_317 : vector<16xi32>
      tpu.vector_store_idx %arg8[%parallel_loop3A_319], %parallel_loop3A_312 : memref<12907xf32, #tpu.memory_space<vmem>>[vector<16xi32>], vector<16xf32>,
      scf.yield %parallel_loop3A_215 : i32
    } {sc.loop_unroll_factor = 2 : i64, sc.parallel_access}
    %add3A_7 = arith.constant 0 : i32
    %add3A_8 = arith.addi %mul3A_2, %add3A_7 : i32
    %dma_start3A = arith.constant 0 : i32
    %dma_start3A_9 = tpu.memref_slice %arg2[%add3A_8, %dma_start3A] : memref<16384x128xf32, #tpu.memory_space<hbm>> -> memref<64x128xf32, #tpu.memory_space<hbm>>
    %dma_start3A_10 = arith.constant 0 : i32
    %dma_start3A_11 = tpu.memref_slice %arg2[%add3A_8, %dma_start3A_10] : memref<16384x128xf32, #tpu.memory_space<hbm>> -> memref<64x128xf32, #tpu.memory_space<hbm>>
    tpu.enqueue_dma source(%dma_start3A_11 : memref<64x128xf32, #tpu.memory_space<hbm>>) target(%arg10 : memref<64x128xf32, #tpu.memory_space<vmem>>) target_semaphore(%arg15 : memref<!tpu.dma_semaphore, #tpu.memory_space<semaphore_mem>>)
    %dma_start3A_12 = arith.constant 0 : i32
    %dma_start3A_13 = tpu.memref_slice %arg3[%add3A_8, %dma_start3A_12] : memref<16384x128xf32, #tpu.memory_space<hbm>> -> memref<64x128xf32, #tpu.memory_space<hbm>>
    %dma_start3A_14 = arith.constant 0 : i32
    %dma_start3A_15 = tpu.memref_slice %arg3[%add3A_8, %dma_start3A_14] : memref<16384x128xf32, #tpu.memory_space<hbm>> -> memref<64x128xf32, #tpu.memory_space<hbm>>
    tpu.enqueue_dma source(%dma_start3A_15 : memref<64x128xf32, #tpu.memory_space<hbm>>) target(%arg12 : memref<64x128xf32, #tpu.memory_space<vmem>>) target_semaphore(%arg15 : memref<!tpu.dma_semaphore, #tpu.memory_space<semaphore_mem>>)
    %broadcast_in_dim3A = arith.constant 0.000000e+00 : f32
    %broadcast_in_dim3A_16 = vector.broadcast %broadcast_in_dim3A : f32 to vector<16xf32>
    %add3A_17 = arith.constant 64 : i32
    %add3A_18 = arith.addi %mul3A_2, %add3A_17 : i32
    %dma_start3A_19 = arith.constant 0 : i32
    %dma_start3A_20 = tpu.memref_slice %arg2[%add3A_18, %dma_start3A_19] : memref<16384x128xf32, #tpu.memory_space<hbm>> -> memref<64x128xf32, #tpu.memory_space<hbm>>
    %dma_start3A_21 = arith.constant 0 : i32
    %dma_start3A_22 = tpu.memref_slice %arg2[%add3A_18, %dma_start3A_21] : memref<16384x128xf32, #tpu.memory_space<hbm>> -> memref<64x128xf32, #tpu.memory_space<hbm>>
    tpu.enqueue_dma source(%dma_start3A_22 : memref<64x128xf32, #tpu.memory_space<hbm>>) target(%arg11 : memref<64x128xf32, #tpu.memory_space<vmem>>) target_semaphore(%arg16 : memref<!tpu.dma_semaphore, #tpu.memory_space<semaphore_mem>>)
    %dma_start3A_23 = arith.constant 0 : i32
    %dma_start3A_24 = tpu.memref_slice %arg3[%add3A_18, %dma_start3A_23] : memref<16384x128xf32, #tpu.memory_space<hbm>> -> memref<64x128xf32, #tpu.memory_space<hbm>>
    %dma_start3A_25 = arith.constant 0 : i32
    %dma_start3A_26 = tpu.memref_slice %arg3[%add3A_18, %dma_start3A_25] : memref<16384x128xf32, #tpu.memory_space<hbm>> -> memref<64x128xf32, #tpu.memory_space<hbm>>
    tpu.enqueue_dma source(%dma_start3A_26 : memref<64x128xf32, #tpu.memory_space<hbm>>) target(%arg13 : memref<64x128xf32, #tpu.memory_space<vmem>>) target_semaphore(%arg16 : memref<!tpu.dma_semaphore, #tpu.memory_space<semaphore_mem>>)
    %dma_wait3A = arith.constant 0 : i32
    %dma_wait3A_27 = tpu.memref_slice %arg2[%add3A_8, %dma_wait3A] : memref<16384x128xf32, #tpu.memory_space<hbm>> -> memref<64x128xf32, #tpu.memory_space<hbm>>
    %dma_wait3A_28 = arith.constant 0 : i32
    %dma_wait3A_29 = tpu.memref_slice %arg2[%add3A_8, %dma_wait3A_28] : memref<16384x128xf32, #tpu.memory_space<hbm>> -> memref<64x128xf32, #tpu.memory_space<hbm>>
    tpu.wait_dma2 semaphore(%arg15 : memref<!tpu.dma_semaphore, #tpu.memory_space<semaphore_mem>>) src(%dma_wait3A_29 : memref<64x128xf32, #tpu.memory_space<hbm>>) dst(%arg10 : memref<64x128xf32, #tpu.memory_space<vmem>>)
    %dma_wait3A_30 = arith.constant 0 : i32
    %dma_wait3A_31 = tpu.memref_slice %arg3[%add3A_8, %dma_wait3A_30] : memref<16384x128xf32, #tpu.memory_space<hbm>> -> memref<64x128xf32, #tpu.memory_space<hbm>>
    %dma_wait3A_32 = arith.constant 0 : i32
    %dma_wait3A_33 = tpu.memref_slice %arg3[%add3A_8, %dma_wait3A_32] : memref<16384x128xf32, #tpu.memory_space<hbm>> -> memref<64x128xf32, #tpu.memory_space<hbm>>
    tpu.wait_dma2 semaphore(%arg15 : memref<!tpu.dma_semaphore, #tpu.memory_space<semaphore_mem>>) src(%dma_wait3A_33 : memref<64x128xf32, #tpu.memory_space<hbm>>) dst(%arg12 : memref<64x128xf32, #tpu.memory_space<vmem>>)
    %scan3A = arith.constant 0 : i32
    %scan3A_34 = arith.constant 4 : i32
    %scan3A_35 = arith.addi %scan3A, %scan3A_34 : i32
    %scan3A_36 = arith.constant 1 : i32
    %scan3A_37:2 = scf.for %scan3A_214 = %scan3A to %scan3A_35 step %scan3A_36 iter_args(%scan3A_215 = %broadcast_in_dim3A_16, %scan3A_216 = %broadcast_in_dim3A_16) -> (vector<16xf32>, vector<16xf32>)  : i32 {
      %mul3A_217 = arith.constant 16 : i32
      %mul3A_218 = arith.muli %scan3A_214, %mul3A_217 : i32
      %add3A_219 = arith.constant 0 : i32
      %add3A_220 = arith.addi %add3A_219, %mul3A_218 : i32
      %get3A = arith.index_cast %add3A_220 : i32 to index
      %get3A_221 = tpu.vector_load %arg9[%get3A] {strides = array<i32>} : memref<512xi32, #tpu.memory_space<vmem>>, vector<16xi32>,
      %ge3A = arith.constant 0 : i32
      %ge3A_222 = vector.broadcast %ge3A : i32 to vector<16xi32>
      %ge3A_223 = arith.cmpi sge, %get3A_221, %ge3A_222 : vector<16xi32>
      %max3A = arith.constant 0 : i32
      %max3A_224 = vector.broadcast %max3A : i32 to vector<16xi32>
      %max3A_225 = arith.maxsi %get3A_221, %max3A_224 : vector<16xi32>
      %mul3A_226 = arith.constant 129 : i32
      %mul3A_227 = vector.broadcast %mul3A_226 : i32 to vector<16xi32>
      %mul3A_228 = arith.muli %max3A_225, %mul3A_227 : vector<16xi32>
      %mul3A_229 = arith.constant 16 : i32
      %mul3A_230 = arith.muli %scan3A_214, %mul3A_229 : i32
      %add3A_231 = vector.broadcast %mul3A_230 : i32 to vector<16xi32>
      %add3A_232 = arith.addi %iota3A, %add3A_231 : vector<16xi32>
      %parallel_loop3A_233 = arith.constant 0 : i32
      %parallel_loop3A_234 = arith.constant 128 : i32
      %parallel_loop3A_235 = arith.constant 1 : i32
      %parallel_loop3A_236:4 = scf.for %parallel_loop3A_328 = %parallel_loop3A_233 to %parallel_loop3A_234 step %parallel_loop3A_235 iter_args(%parallel_loop3A_329 = %broadcast_in_dim3A_16, %parallel_loop3A_330 = %broadcast_in_dim3A_16, %parallel_loop3A_331 = %broadcast_in_dim3A_16, %parallel_loop3A_332 = %broadcast_in_dim3A_16) -> (vector<16xf32>, vector<16xf32>, vector<16xf32>, vector<16xf32>)  : i32 {
        %parallel_loop3A_333 = vector.broadcast %parallel_loop3A_328 : i32 to vector<16xi32>
        %parallel_loop3A_334 = arith.addi %parallel_loop3A_333, %iota3A : vector<16xi32>
        %parallel_loop3A_335 = arith.constant 127 : i32
        %parallel_loop3A_336 = vector.broadcast %parallel_loop3A_335 : i32 to vector<16xi32>
        %parallel_loop3A_337 = arith.andi %parallel_loop3A_334, %parallel_loop3A_336 : vector<16xi32>
        %parallel_loop3A_338 = tpu.vector_load_idx %arg10[%add3A_232, %parallel_loop3A_337] : memref<64x128xf32, #tpu.memory_space<vmem>>[vector<16xi32>, vector<16xi32>], vector<16xf32>,
        %parallel_loop3A_339 = tpu.vector_load_idx %arg12[%add3A_232, %parallel_loop3A_337] : memref<64x128xf32, #tpu.memory_space<vmem>>[vector<16xi32>, vector<16xi32>], vector<16xf32>,
        %parallel_loop3A_340 = arith.addi %mul3A_228, %parallel_loop3A_337 : vector<16xi32>
        %parallel_loop3A_341 = tpu.vector_load_idx %arg8[%parallel_loop3A_340] : memref<12907xf32, #tpu.memory_space<vmem>>[vector<16xi32>], vector<16xf32>,
        %parallel_loop3A_342 = arith.mulf %parallel_loop3A_338, %parallel_loop3A_338 : vector<16xf32>
        %parallel_loop3A_343 = arith.addf %parallel_loop3A_329, %parallel_loop3A_342 : vector<16xf32>
        %parallel_loop3A_344 = arith.mulf %parallel_loop3A_339, %parallel_loop3A_339 : vector<16xf32>
        %parallel_loop3A_345 = arith.addf %parallel_loop3A_330, %parallel_loop3A_344 : vector<16xf32>
        %parallel_loop3A_346 = arith.mulf %parallel_loop3A_338, %parallel_loop3A_341 : vector<16xf32>
        %parallel_loop3A_347 = arith.addf %parallel_loop3A_331, %parallel_loop3A_346 : vector<16xf32>
        %parallel_loop3A_348 = arith.mulf %parallel_loop3A_339, %parallel_loop3A_341 : vector<16xf32>
        %parallel_loop3A_349 = arith.addf %parallel_loop3A_332, %parallel_loop3A_348 : vector<16xf32>
        scf.yield %parallel_loop3A_343, %parallel_loop3A_345, %parallel_loop3A_347, %parallel_loop3A_349 : vector<16xf32>, vector<16xf32>, vector<16xf32>, vector<16xf32>
      } {sc.loop_unroll_factor = 4 : i64, sc.parallel_access}
      %bitcast_convert_type3A = tpu.bitcast %parallel_loop3A_236#0 : vector<16xf32> -> vector<16xi32>
      %shift_right_logical3A = arith.constant 1 : i32
      %shift_right_logical3A_237 = vector.broadcast %shift_right_logical3A : i32 to vector<16xi32>
      %shift_right_logical3A_238 = arith.shrui %bitcast_convert_type3A, %shift_right_logical3A_237 : vector<16xi32>
      %sub3A = arith.constant 1597463007 : i32
      %sub3A_239 = vector.broadcast %sub3A : i32 to vector<16xi32>
      %sub3A_240 = arith.subi %sub3A_239, %shift_right_logical3A_238 : vector<16xi32>
      %bitcast_convert_type3A_241 = tpu.bitcast %sub3A_240 : vector<16xi32> -> vector<16xf32>
      %mul3A_242 = arith.constant 5.000000e-01 : f32
      %mul3A_243 = vector.broadcast %mul3A_242 : f32 to vector<16xf32>
      %mul3A_244 = arith.mulf %mul3A_243, %parallel_loop3A_236#0 : vector<16xf32>
      %mul3A_245 = arith.mulf %mul3A_244, %bitcast_convert_type3A_241 : vector<16xf32>
      %mul3A_246 = arith.mulf %mul3A_245, %bitcast_convert_type3A_241 : vector<16xf32>
      %sub3A_247 = arith.constant 1.500000e+00 : f32
      %sub3A_248 = vector.broadcast %sub3A_247 : f32 to vector<16xf32>
      %sub3A_249 = arith.subf %sub3A_248, %mul3A_246 : vector<16xf32>
      %mul3A_250 = arith.mulf %bitcast_convert_type3A_241, %sub3A_249 : vector<16xf32>
      %mul3A_251 = arith.constant 5.000000e-01 : f32
      %mul3A_252 = vector.broadcast %mul3A_251 : f32 to vector<16xf32>
      %mul3A_253 = arith.mulf %mul3A_252, %parallel_loop3A_236#0 : vector<16xf32>
      %mul3A_254 = arith.mulf %mul3A_253, %mul3A_250 : vector<16xf32>
      %mul3A_255 = arith.mulf %mul3A_254, %mul3A_250 : vector<16xf32>
      %sub3A_256 = arith.constant 1.500000e+00 : f32
      %sub3A_257 = vector.broadcast %sub3A_256 : f32 to vector<16xf32>
      %sub3A_258 = arith.subf %sub3A_257, %mul3A_255 : vector<16xf32>
      %mul3A_259 = arith.mulf %mul3A_250, %sub3A_258 : vector<16xf32>
      %mul3A_260 = arith.constant 5.000000e-01 : f32
      %mul3A_261 = vector.broadcast %mul3A_260 : f32 to vector<16xf32>
      %mul3A_262 = arith.mulf %mul3A_261, %parallel_loop3A_236#0 : vector<16xf32>
      %mul3A_263 = arith.mulf %mul3A_262, %mul3A_259 : vector<16xf32>
      %mul3A_264 = arith.mulf %mul3A_263, %mul3A_259 : vector<16xf32>
      %sub3A_265 = arith.constant 1.500000e+00 : f32
      %sub3A_266 = vector.broadcast %sub3A_265 : f32 to vector<16xf32>
      %sub3A_267 = arith.subf %sub3A_266, %mul3A_264 : vector<16xf32>
      %mul3A_268 = arith.mulf %mul3A_259, %sub3A_267 : vector<16xf32>
      %min3A = arith.constant 9.99999995E+11 : f32
      %min3A_269 = vector.broadcast %min3A : f32 to vector<16xf32>
      %min3A_270 = arith.minimumf %mul3A_268, %min3A_269 : vector<16xf32>
      %bitcast_convert_type3A_271 = tpu.bitcast %parallel_loop3A_236#1 : vector<16xf32> -> vector<16xi32>
      %shift_right_logical3A_272 = arith.constant 1 : i32
      %shift_right_logical3A_273 = vector.broadcast %shift_right_logical3A_272 : i32 to vector<16xi32>
      %shift_right_logical3A_274 = arith.shrui %bitcast_convert_type3A_271, %shift_right_logical3A_273 : vector<16xi32>
      %sub3A_275 = arith.constant 1597463007 : i32
      %sub3A_276 = vector.broadcast %sub3A_275 : i32 to vector<16xi32>
      %sub3A_277 = arith.subi %sub3A_276, %shift_right_logical3A_274 : vector<16xi32>
      %bitcast_convert_type3A_278 = tpu.bitcast %sub3A_277 : vector<16xi32> -> vector<16xf32>
      %mul3A_279 = arith.constant 5.000000e-01 : f32
      %mul3A_280 = vector.broadcast %mul3A_279 : f32 to vector<16xf32>
      %mul3A_281 = arith.mulf %mul3A_280, %parallel_loop3A_236#1 : vector<16xf32>
      %mul3A_282 = arith.mulf %mul3A_281, %bitcast_convert_type3A_278 : vector<16xf32>
      %mul3A_283 = arith.mulf %mul3A_282, %bitcast_convert_type3A_278 : vector<16xf32>
      %sub3A_284 = arith.constant 1.500000e+00 : f32
      %sub3A_285 = vector.broadcast %sub3A_284 : f32 to vector<16xf32>
      %sub3A_286 = arith.subf %sub3A_285, %mul3A_283 : vector<16xf32>
      %mul3A_287 = arith.mulf %bitcast_convert_type3A_278, %sub3A_286 : vector<16xf32>
      %mul3A_288 = arith.constant 5.000000e-01 : f32
      %mul3A_289 = vector.broadcast %mul3A_288 : f32 to vector<16xf32>
      %mul3A_290 = arith.mulf %mul3A_289, %parallel_loop3A_236#1 : vector<16xf32>
      %mul3A_291 = arith.mulf %mul3A_290, %mul3A_287 : vector<16xf32>
      %mul3A_292 = arith.mulf %mul3A_291, %mul3A_287 : vector<16xf32>
      %sub3A_293 = arith.constant 1.500000e+00 : f32
      %sub3A_294 = vector.broadcast %sub3A_293 : f32 to vector<16xf32>
      %sub3A_295 = arith.subf %sub3A_294, %mul3A_292 : vector<16xf32>
      %mul3A_296 = arith.mulf %mul3A_287, %sub3A_295 : vector<16xf32>
      %mul3A_297 = arith.constant 5.000000e-01 : f32
      %mul3A_298 = vector.broadcast %mul3A_297 : f32 to vector<16xf32>
      %mul3A_299 = arith.mulf %mul3A_298, %parallel_loop3A_236#1 : vector<16xf32>
      %mul3A_300 = arith.mulf %mul3A_299, %mul3A_296 : vector<16xf32>
      %mul3A_301 = arith.mulf %mul3A_300, %mul3A_296 : vector<16xf32>
      %sub3A_302 = arith.constant 1.500000e+00 : f32
      %sub3A_303 = vector.broadcast %sub3A_302 : f32 to vector<16xf32>
      %sub3A_304 = arith.subf %sub3A_303, %mul3A_301 : vector<16xf32>
      %mul3A_305 = arith.mulf %mul3A_296, %sub3A_304 : vector<16xf32>
      %min3A_306 = arith.constant 9.99999995E+11 : f32
      %min3A_307 = vector.broadcast %min3A_306 : f32 to vector<16xf32>
      %min3A_308 = arith.minimumf %mul3A_305, %min3A_307 : vector<16xf32>
      %mul3A_309 = arith.mulf %parallel_loop3A_236#2, %min3A_270 : vector<16xf32>
      %mul3A_310 = arith.mulf %parallel_loop3A_236#3, %min3A_308 : vector<16xf32>
      %add3A_311 = arith.addf %mul3A_309, %mul3A_310 : vector<16xf32>
      %mul3A_312 = arith.constant 5.000000e-01 : f32
      %mul3A_313 = vector.broadcast %mul3A_312 : f32 to vector<16xf32>
      %mul3A_314 = arith.mulf %mul3A_313, %add3A_311 : vector<16xf32>
      %sub3A_315 = arith.constant 1.000000e+00 : f32
      %sub3A_316 = vector.broadcast %sub3A_315 : f32 to vector<16xf32>
      %sub3A_317 = arith.subf %sub3A_316, %mul3A_314 : vector<16xf32>
      %jit3A_318 = arith.constant 0.000000e+00 : f32
      %broadcast_in_dim3A_319 = vector.broadcast %jit3A_318 : f32 to vector<16xf32>
      %select_n3A_320 = arith.select %ge3A_223, %sub3A_317, %broadcast_in_dim3A_319 : vector<16xi1>, vector<16xf32>
      %add3A_321 = arith.addf %scan3A_215, %select_n3A_320 : vector<16xf32>
      %jit3A_322 = arith.constant 1.000000e+00 : f32
      %jit3A_323 = arith.constant 0.000000e+00 : f32
      %broadcast_in_dim3A_324 = vector.broadcast %jit3A_322 : f32 to vector<16xf32>
      %broadcast_in_dim3A_325 = vector.broadcast %jit3A_323 : f32 to vector<16xf32>
      %select_n3A_326 = arith.select %ge3A_223, %broadcast_in_dim3A_324, %broadcast_in_dim3A_325 : vector<16xi1>, vector<16xf32>
      %add3A_327 = arith.addf %scan3A_216, %select_n3A_326 : vector<16xf32>
      scf.yield %add3A_321, %add3A_327 : vector<16xf32>, vector<16xf32>
    }
    %scan3A_38 = arith.constant 4 : i32
    %add3A_39 = arith.constant 128 : i32
    %add3A_40 = arith.addi %mul3A_2, %add3A_39 : i32
    %dma_start3A_41 = arith.constant 0 : i32
    %dma_start3A_42 = tpu.memref_slice %arg2[%add3A_40, %dma_start3A_41] : memref<16384x128xf32, #tpu.memory_space<hbm>> -> memref<64x128xf32, #tpu.memory_space<hbm>>
    %dma_start3A_43 = arith.constant 0 : i32
    %dma_start3A_44 = tpu.memref_slice %arg2[%add3A_40, %dma_start3A_43] : memref<16384x128xf32, #tpu.memory_space<hbm>> -> memref<64x128xf32, #tpu.memory_space<hbm>>
    tpu.enqueue_dma source(%dma_start3A_44 : memref<64x128xf32, #tpu.memory_space<hbm>>) target(%arg10 : memref<64x128xf32, #tpu.memory_space<vmem>>) target_semaphore(%arg15 : memref<!tpu.dma_semaphore, #tpu.memory_space<semaphore_mem>>)
    %dma_start3A_45 = arith.constant 0 : i32
    %dma_start3A_46 = tpu.memref_slice %arg3[%add3A_40, %dma_start3A_45] : memref<16384x128xf32, #tpu.memory_space<hbm>> -> memref<64x128xf32, #tpu.memory_space<hbm>>
    %dma_start3A_47 = arith.constant 0 : i32
    %dma_start3A_48 = tpu.memref_slice %arg3[%add3A_40, %dma_start3A_47] : memref<16384x128xf32, #tpu.memory_space<hbm>> -> memref<64x128xf32, #tpu.memory_space<hbm>>
    tpu.enqueue_dma source(%dma_start3A_48 : memref<64x128xf32, #tpu.memory_space<hbm>>) target(%arg12 : memref<64x128xf32, #tpu.memory_space<vmem>>) target_semaphore(%arg15 : memref<!tpu.dma_semaphore, #tpu.memory_space<semaphore_mem>>)
    %dma_wait3A_49 = arith.constant 0 : i32
    %dma_wait3A_50 = tpu.memref_slice %arg2[%add3A_18, %dma_wait3A_49] : memref<16384x128xf32, #tpu.memory_space<hbm>> -> memref<64x128xf32, #tpu.memory_space<hbm>>
    %dma_wait3A_51 = arith.constant 0 : i32
    %dma_wait3A_52 = tpu.memref_slice %arg2[%add3A_18, %dma_wait3A_51] : memref<16384x128xf32, #tpu.memory_space<hbm>> -> memref<64x128xf32, #tpu.memory_space<hbm>>
    tpu.wait_dma2 semaphore(%arg16 : memref<!tpu.dma_semaphore, #tpu.memory_space<semaphore_mem>>) src(%dma_wait3A_52 : memref<64x128xf32, #tpu.memory_space<hbm>>) dst(%arg11 : memref<64x128xf32, #tpu.memory_space<vmem>>)
    %dma_wait3A_53 = arith.constant 0 : i32
    %dma_wait3A_54 = tpu.memref_slice %arg3[%add3A_18, %dma_wait3A_53] : memref<16384x128xf32, #tpu.memory_space<hbm>> -> memref<64x128xf32, #tpu.memory_space<hbm>>
    %dma_wait3A_55 = arith.constant 0 : i32
    %dma_wait3A_56 = tpu.memref_slice %arg3[%add3A_18, %dma_wait3A_55] : memref<16384x128xf32, #tpu.memory_space<hbm>> -> memref<64x128xf32, #tpu.memory_space<hbm>>
    tpu.wait_dma2 semaphore(%arg16 : memref<!tpu.dma_semaphore, #tpu.memory_space<semaphore_mem>>) src(%dma_wait3A_56 : memref<64x128xf32, #tpu.memory_space<hbm>>) dst(%arg13 : memref<64x128xf32, #tpu.memory_space<vmem>>)
    %scan3A_57 = arith.constant 0 : i32
    %scan3A_58 = arith.constant 4 : i32
    %scan3A_59 = arith.addi %scan3A_57, %scan3A_58 : i32
    %scan3A_60 = arith.constant 1 : i32
    %scan3A_61:2 = scf.for %scan3A_214 = %scan3A_57 to %scan3A_59 step %scan3A_60 iter_args(%scan3A_215 = %scan3A_37#0, %scan3A_216 = %scan3A_37#1) -> (vector<16xf32>, vector<16xf32>)  : i32 {
      %mul3A_217 = arith.constant 16 : i32
      %mul3A_218 = arith.muli %scan3A_214, %mul3A_217 : i32
      %add3A_219 = arith.constant 64 : i32
      %add3A_220 = arith.addi %add3A_219, %mul3A_218 : i32
      %get3A = arith.index_cast %add3A_220 : i32 to index
      %get3A_221 = tpu.vector_load %arg9[%get3A] {strides = array<i32>} : memref<512xi32, #tpu.memory_space<vmem>>, vector<16xi32>,
      %ge3A = arith.constant 0 : i32
      %ge3A_222 = vector.broadcast %ge3A : i32 to vector<16xi32>
      %ge3A_223 = arith.cmpi sge, %get3A_221, %ge3A_222 : vector<16xi32>
      %max3A = arith.constant 0 : i32
      %max3A_224 = vector.broadcast %max3A : i32 to vector<16xi32>
      %max3A_225 = arith.maxsi %get3A_221, %max3A_224 : vector<16xi32>
      %mul3A_226 = arith.constant 129 : i32
      %mul3A_227 = vector.broadcast %mul3A_226 : i32 to vector<16xi32>
      %mul3A_228 = arith.muli %max3A_225, %mul3A_227 : vector<16xi32>
      %mul3A_229 = arith.constant 16 : i32
      %mul3A_230 = arith.muli %scan3A_214, %mul3A_229 : i32
      %add3A_231 = vector.broadcast %mul3A_230 : i32 to vector<16xi32>
      %add3A_232 = arith.addi %iota3A, %add3A_231 : vector<16xi32>
      %parallel_loop3A_233 = arith.constant 0 : i32
      %parallel_loop3A_234 = arith.constant 128 : i32
      %parallel_loop3A_235 = arith.constant 1 : i32
      %parallel_loop3A_236:4 = scf.for %parallel_loop3A_328 = %parallel_loop3A_233 to %parallel_loop3A_234 step %parallel_loop3A_235 iter_args(%parallel_loop3A_329 = %broadcast_in_dim3A_16, %parallel_loop3A_330 = %broadcast_in_dim3A_16, %parallel_loop3A_331 = %broadcast_in_dim3A_16, %parallel_loop3A_332 = %broadcast_in_dim3A_16) -> (vector<16xf32>, vector<16xf32>, vector<16xf32>, vector<16xf32>)  : i32 {
        %parallel_loop3A_333 = vector.broadcast %parallel_loop3A_328 : i32 to vector<16xi32>
        %parallel_loop3A_334 = arith.addi %parallel_loop3A_333, %iota3A : vector<16xi32>
        %parallel_loop3A_335 = arith.constant 127 : i32
        %parallel_loop3A_336 = vector.broadcast %parallel_loop3A_335 : i32 to vector<16xi32>
        %parallel_loop3A_337 = arith.andi %parallel_loop3A_334, %parallel_loop3A_336 : vector<16xi32>
        %parallel_loop3A_338 = tpu.vector_load_idx %arg11[%add3A_232, %parallel_loop3A_337] : memref<64x128xf32, #tpu.memory_space<vmem>>[vector<16xi32>, vector<16xi32>], vector<16xf32>,
        %parallel_loop3A_339 = tpu.vector_load_idx %arg13[%add3A_232, %parallel_loop3A_337] : memref<64x128xf32, #tpu.memory_space<vmem>>[vector<16xi32>, vector<16xi32>], vector<16xf32>,
        %parallel_loop3A_340 = arith.addi %mul3A_228, %parallel_loop3A_337 : vector<16xi32>
        %parallel_loop3A_341 = tpu.vector_load_idx %arg8[%parallel_loop3A_340] : memref<12907xf32, #tpu.memory_space<vmem>>[vector<16xi32>], vector<16xf32>,
        %parallel_loop3A_342 = arith.mulf %parallel_loop3A_338, %parallel_loop3A_338 : vector<16xf32>
        %parallel_loop3A_343 = arith.addf %parallel_loop3A_329, %parallel_loop3A_342 : vector<16xf32>
        %parallel_loop3A_344 = arith.mulf %parallel_loop3A_339, %parallel_loop3A_339 : vector<16xf32>
        %parallel_loop3A_345 = arith.addf %parallel_loop3A_330, %parallel_loop3A_344 : vector<16xf32>
        %parallel_loop3A_346 = arith.mulf %parallel_loop3A_338, %parallel_loop3A_341 : vector<16xf32>
        %parallel_loop3A_347 = arith.addf %parallel_loop3A_331, %parallel_loop3A_346 : vector<16xf32>
        %parallel_loop3A_348 = arith.mulf %parallel_loop3A_339, %parallel_loop3A_341 : vector<16xf32>
        %parallel_loop3A_349 = arith.addf %parallel_loop3A_332, %parallel_loop3A_348 : vector<16xf32>
        scf.yield %parallel_loop3A_343, %parallel_loop3A_345, %parallel_loop3A_347, %parallel_loop3A_349 : vector<16xf32>, vector<16xf32>, vector<16xf32>, vector<16xf32>
      } {sc.loop_unroll_factor = 4 : i64, sc.parallel_access}
      %bitcast_convert_type3A = tpu.bitcast %parallel_loop3A_236#0 : vector<16xf32> -> vector<16xi32>
      %shift_right_logical3A = arith.constant 1 : i32
      %shift_right_logical3A_237 = vector.broadcast %shift_right_logical3A : i32 to vector<16xi32>
      %shift_right_logical3A_238 = arith.shrui %bitcast_convert_type3A, %shift_right_logical3A_237 : vector<16xi32>
      %sub3A = arith.constant 1597463007 : i32
      %sub3A_239 = vector.broadcast %sub3A : i32 to vector<16xi32>
      %sub3A_240 = arith.subi %sub3A_239, %shift_right_logical3A_238 : vector<16xi32>
      %bitcast_convert_type3A_241 = tpu.bitcast %sub3A_240 : vector<16xi32> -> vector<16xf32>
      %mul3A_242 = arith.constant 5.000000e-01 : f32
      %mul3A_243 = vector.broadcast %mul3A_242 : f32 to vector<16xf32>
      %mul3A_244 = arith.mulf %mul3A_243, %parallel_loop3A_236#0 : vector<16xf32>
      %mul3A_245 = arith.mulf %mul3A_244, %bitcast_convert_type3A_241 : vector<16xf32>
      %mul3A_246 = arith.mulf %mul3A_245, %bitcast_convert_type3A_241 : vector<16xf32>
      %sub3A_247 = arith.constant 1.500000e+00 : f32
      %sub3A_248 = vector.broadcast %sub3A_247 : f32 to vector<16xf32>
      %sub3A_249 = arith.subf %sub3A_248, %mul3A_246 : vector<16xf32>
      %mul3A_250 = arith.mulf %bitcast_convert_type3A_241, %sub3A_249 : vector<16xf32>
      %mul3A_251 = arith.constant 5.000000e-01 : f32
      %mul3A_252 = vector.broadcast %mul3A_251 : f32 to vector<16xf32>
      %mul3A_253 = arith.mulf %mul3A_252, %parallel_loop3A_236#0 : vector<16xf32>
      %mul3A_254 = arith.mulf %mul3A_253, %mul3A_250 : vector<16xf32>
      %mul3A_255 = arith.mulf %mul3A_254, %mul3A_250 : vector<16xf32>
      %sub3A_256 = arith.constant 1.500000e+00 : f32
      %sub3A_257 = vector.broadcast %sub3A_256 : f32 to vector<16xf32>
      %sub3A_258 = arith.subf %sub3A_257, %mul3A_255 : vector<16xf32>
      %mul3A_259 = arith.mulf %mul3A_250, %sub3A_258 : vector<16xf32>
      %mul3A_260 = arith.constant 5.000000e-01 : f32
      %mul3A_261 = vector.broadcast %mul3A_260 : f32 to vector<16xf32>
      %mul3A_262 = arith.mulf %mul3A_261, %parallel_loop3A_236#0 : vector<16xf32>
      %mul3A_263 = arith.mulf %mul3A_262, %mul3A_259 : vector<16xf32>
      %mul3A_264 = arith.mulf %mul3A_263, %mul3A_259 : vector<16xf32>
      %sub3A_265 = arith.constant 1.500000e+00 : f32
      %sub3A_266 = vector.broadcast %sub3A_265 : f32 to vector<16xf32>
      %sub3A_267 = arith.subf %sub3A_266, %mul3A_264 : vector<16xf32>
      %mul3A_268 = arith.mulf %mul3A_259, %sub3A_267 : vector<16xf32>
      %min3A = arith.constant 9.99999995E+11 : f32
      %min3A_269 = vector.broadcast %min3A : f32 to vector<16xf32>
      %min3A_270 = arith.minimumf %mul3A_268, %min3A_269 : vector<16xf32>
      %bitcast_convert_type3A_271 = tpu.bitcast %parallel_loop3A_236#1 : vector<16xf32> -> vector<16xi32>
      %shift_right_logical3A_272 = arith.constant 1 : i32
      %shift_right_logical3A_273 = vector.broadcast %shift_right_logical3A_272 : i32 to vector<16xi32>
      %shift_right_logical3A_274 = arith.shrui %bitcast_convert_type3A_271, %shift_right_logical3A_273 : vector<16xi32>
      %sub3A_275 = arith.constant 1597463007 : i32
      %sub3A_276 = vector.broadcast %sub3A_275 : i32 to vector<16xi32>
      %sub3A_277 = arith.subi %sub3A_276, %shift_right_logical3A_274 : vector<16xi32>
      %bitcast_convert_type3A_278 = tpu.bitcast %sub3A_277 : vector<16xi32> -> vector<16xf32>
      %mul3A_279 = arith.constant 5.000000e-01 : f32
      %mul3A_280 = vector.broadcast %mul3A_279 : f32 to vector<16xf32>
      %mul3A_281 = arith.mulf %mul3A_280, %parallel_loop3A_236#1 : vector<16xf32>
      %mul3A_282 = arith.mulf %mul3A_281, %bitcast_convert_type3A_278 : vector<16xf32>
      %mul3A_283 = arith.mulf %mul3A_282, %bitcast_convert_type3A_278 : vector<16xf32>
      %sub3A_284 = arith.constant 1.500000e+00 : f32
      %sub3A_285 = vector.broadcast %sub3A_284 : f32 to vector<16xf32>
      %sub3A_286 = arith.subf %sub3A_285, %mul3A_283 : vector<16xf32>
      %mul3A_287 = arith.mulf %bitcast_convert_type3A_278, %sub3A_286 : vector<16xf32>
      %mul3A_288 = arith.constant 5.000000e-01 : f32
      %mul3A_289 = vector.broadcast %mul3A_288 : f32 to vector<16xf32>
      %mul3A_290 = arith.mulf %mul3A_289, %parallel_loop3A_236#1 : vector<16xf32>
      %mul3A_291 = arith.mulf %mul3A_290, %mul3A_287 : vector<16xf32>
      %mul3A_292 = arith.mulf %mul3A_291, %mul3A_287 : vector<16xf32>
      %sub3A_293 = arith.constant 1.500000e+00 : f32
      %sub3A_294 = vector.broadcast %sub3A_293 : f32 to vector<16xf32>
      %sub3A_295 = arith.subf %sub3A_294, %mul3A_292 : vector<16xf32>
      %mul3A_296 = arith.mulf %mul3A_287, %sub3A_295 : vector<16xf32>
      %mul3A_297 = arith.constant 5.000000e-01 : f32
      %mul3A_298 = vector.broadcast %mul3A_297 : f32 to vector<16xf32>
      %mul3A_299 = arith.mulf %mul3A_298, %parallel_loop3A_236#1 : vector<16xf32>
      %mul3A_300 = arith.mulf %mul3A_299, %mul3A_296 : vector<16xf32>
      %mul3A_301 = arith.mulf %mul3A_300, %mul3A_296 : vector<16xf32>
      %sub3A_302 = arith.constant 1.500000e+00 : f32
      %sub3A_303 = vector.broadcast %sub3A_302 : f32 to vector<16xf32>
      %sub3A_304 = arith.subf %sub3A_303, %mul3A_301 : vector<16xf32>
      %mul3A_305 = arith.mulf %mul3A_296, %sub3A_304 : vector<16xf32>
      %min3A_306 = arith.constant 9.99999995E+11 : f32
      %min3A_307 = vector.broadcast %min3A_306 : f32 to vector<16xf32>
      %min3A_308 = arith.minimumf %mul3A_305, %min3A_307 : vector<16xf32>
      %mul3A_309 = arith.mulf %parallel_loop3A_236#2, %min3A_270 : vector<16xf32>
      %mul3A_310 = arith.mulf %parallel_loop3A_236#3, %min3A_308 : vector<16xf32>
      %add3A_311 = arith.addf %mul3A_309, %mul3A_310 : vector<16xf32>
      %mul3A_312 = arith.constant 5.000000e-01 : f32
      %mul3A_313 = vector.broadcast %mul3A_312 : f32 to vector<16xf32>
      %mul3A_314 = arith.mulf %mul3A_313, %add3A_311 : vector<16xf32>
      %sub3A_315 = arith.constant 1.000000e+00 : f32
      %sub3A_316 = vector.broadcast %sub3A_315 : f32 to vector<16xf32>
      %sub3A_317 = arith.subf %sub3A_316, %mul3A_314 : vector<16xf32>
      %jit3A_318 = arith.constant 0.000000e+00 : f32
      %broadcast_in_dim3A_319 = vector.broadcast %jit3A_318 : f32 to vector<16xf32>
      %select_n3A_320 = arith.select %ge3A_223, %sub3A_317, %broadcast_in_dim3A_319 : vector<16xi1>, vector<16xf32>
      %add3A_321 = arith.addf %scan3A_215, %select_n3A_320 : vector<16xf32>
      %jit3A_322 = arith.constant 1.000000e+00 : f32
      %jit3A_323 = arith.constant 0.000000e+00 : f32
      %broadcast_in_dim3A_324 = vector.broadcast %jit3A_322 : f32 to vector<16xf32>
      %broadcast_in_dim3A_325 = vector.broadcast %jit3A_323 : f32 to vector<16xf32>
      %select_n3A_326 = arith.select %ge3A_223, %broadcast_in_dim3A_324, %broadcast_in_dim3A_325 : vector<16xi1>, vector<16xf32>
      %add3A_327 = arith.addf %scan3A_216, %select_n3A_326 : vector<16xf32>
      scf.yield %add3A_321, %add3A_327 : vector<16xf32>, vector<16xf32>
    }
    %scan3A_62 = arith.constant 4 : i32
    %add3A_63 = arith.constant 192 : i32
    %add3A_64 = arith.addi %mul3A_2, %add3A_63 : i32
    %dma_start3A_65 = arith.constant 0 : i32
    %dma_start3A_66 = tpu.memref_slice %arg2[%add3A_64, %dma_start3A_65] : memref<16384x128xf32, #tpu.memory_space<hbm>> -> memref<64x128xf32, #tpu.memory_space<hbm>>
    %dma_start3A_67 = arith.constant 0 : i32
    %dma_start3A_68 = tpu.memref_slice %arg2[%add3A_64, %dma_start3A_67] : memref<16384x128xf32, #tpu.memory_space<hbm>> -> memref<64x128xf32, #tpu.memory_space<hbm>>
    tpu.enqueue_dma source(%dma_start3A_68 : memref<64x128xf32, #tpu.memory_space<hbm>>) target(%arg11 : memref<64x128xf32, #tpu.memory_space<vmem>>) target_semaphore(%arg16 : memref<!tpu.dma_semaphore, #tpu.memory_space<semaphore_mem>>)
    %dma_start3A_69 = arith.constant 0 : i32
    %dma_start3A_70 = tpu.memref_slice %arg3[%add3A_64, %dma_start3A_69] : memref<16384x128xf32, #tpu.memory_space<hbm>> -> memref<64x128xf32, #tpu.memory_space<hbm>>
    %dma_start3A_71 = arith.constant 0 : i32
    %dma_start3A_72 = tpu.memref_slice %arg3[%add3A_64, %dma_start3A_71] : memref<16384x128xf32, #tpu.memory_space<hbm>> -> memref<64x128xf32, #tpu.memory_space<hbm>>
    tpu.enqueue_dma source(%dma_start3A_72 : memref<64x128xf32, #tpu.memory_space<hbm>>) target(%arg13 : memref<64x128xf32, #tpu.memory_space<vmem>>) target_semaphore(%arg16 : memref<!tpu.dma_semaphore, #tpu.memory_space<semaphore_mem>>)
    %dma_wait3A_73 = arith.constant 0 : i32
    %dma_wait3A_74 = tpu.memref_slice %arg2[%add3A_40, %dma_wait3A_73] : memref<16384x128xf32, #tpu.memory_space<hbm>> -> memref<64x128xf32, #tpu.memory_space<hbm>>
    %dma_wait3A_75 = arith.constant 0 : i32
    %dma_wait3A_76 = tpu.memref_slice %arg2[%add3A_40, %dma_wait3A_75] : memref<16384x128xf32, #tpu.memory_space<hbm>> -> memref<64x128xf32, #tpu.memory_space<hbm>>
    tpu.wait_dma2 semaphore(%arg15 : memref<!tpu.dma_semaphore, #tpu.memory_space<semaphore_mem>>) src(%dma_wait3A_76 : memref<64x128xf32, #tpu.memory_space<hbm>>) dst(%arg10 : memref<64x128xf32, #tpu.memory_space<vmem>>)
    %dma_wait3A_77 = arith.constant 0 : i32
    %dma_wait3A_78 = tpu.memref_slice %arg3[%add3A_40, %dma_wait3A_77] : memref<16384x128xf32, #tpu.memory_space<hbm>> -> memref<64x128xf32, #tpu.memory_space<hbm>>
    %dma_wait3A_79 = arith.constant 0 : i32
    %dma_wait3A_80 = tpu.memref_slice %arg3[%add3A_40, %dma_wait3A_79] : memref<16384x128xf32, #tpu.memory_space<hbm>> -> memref<64x128xf32, #tpu.memory_space<hbm>>
    tpu.wait_dma2 semaphore(%arg15 : memref<!tpu.dma_semaphore, #tpu.memory_space<semaphore_mem>>) src(%dma_wait3A_80 : memref<64x128xf32, #tpu.memory_space<hbm>>) dst(%arg12 : memref<64x128xf32, #tpu.memory_space<vmem>>)
    %scan3A_81 = arith.constant 0 : i32
    %scan3A_82 = arith.constant 4 : i32
    %scan3A_83 = arith.addi %scan3A_81, %scan3A_82 : i32
    %scan3A_84 = arith.constant 1 : i32
    %scan3A_85:2 = scf.for %scan3A_214 = %scan3A_81 to %scan3A_83 step %scan3A_84 iter_args(%scan3A_215 = %scan3A_61#0, %scan3A_216 = %scan3A_61#1) -> (vector<16xf32>, vector<16xf32>)  : i32 {
      %mul3A_217 = arith.constant 16 : i32
      %mul3A_218 = arith.muli %scan3A_214, %mul3A_217 : i32
      %add3A_219 = arith.constant 128 : i32
      %add3A_220 = arith.addi %add3A_219, %mul3A_218 : i32
      %get3A = arith.index_cast %add3A_220 : i32 to index
      %get3A_221 = tpu.vector_load %arg9[%get3A] {strides = array<i32>} : memref<512xi32, #tpu.memory_space<vmem>>, vector<16xi32>,
      %ge3A = arith.constant 0 : i32
      %ge3A_222 = vector.broadcast %ge3A : i32 to vector<16xi32>
      %ge3A_223 = arith.cmpi sge, %get3A_221, %ge3A_222 : vector<16xi32>
      %max3A = arith.constant 0 : i32
      %max3A_224 = vector.broadcast %max3A : i32 to vector<16xi32>
      %max3A_225 = arith.maxsi %get3A_221, %max3A_224 : vector<16xi32>
      %mul3A_226 = arith.constant 129 : i32
      %mul3A_227 = vector.broadcast %mul3A_226 : i32 to vector<16xi32>
      %mul3A_228 = arith.muli %max3A_225, %mul3A_227 : vector<16xi32>
      %mul3A_229 = arith.constant 16 : i32
      %mul3A_230 = arith.muli %scan3A_214, %mul3A_229 : i32
      %add3A_231 = vector.broadcast %mul3A_230 : i32 to vector<16xi32>
      %add3A_232 = arith.addi %iota3A, %add3A_231 : vector<16xi32>
      %parallel_loop3A_233 = arith.constant 0 : i32
      %parallel_loop3A_234 = arith.constant 128 : i32
      %parallel_loop3A_235 = arith.constant 1 : i32
      %parallel_loop3A_236:4 = scf.for %parallel_loop3A_328 = %parallel_loop3A_233 to %parallel_loop3A_234 step %parallel_loop3A_235 iter_args(%parallel_loop3A_329 = %broadcast_in_dim3A_16, %parallel_loop3A_330 = %broadcast_in_dim3A_16, %parallel_loop3A_331 = %broadcast_in_dim3A_16, %parallel_loop3A_332 = %broadcast_in_dim3A_16) -> (vector<16xf32>, vector<16xf32>, vector<16xf32>, vector<16xf32>)  : i32 {
        %parallel_loop3A_333 = vector.broadcast %parallel_loop3A_328 : i32 to vector<16xi32>
        %parallel_loop3A_334 = arith.addi %parallel_loop3A_333, %iota3A : vector<16xi32>
        %parallel_loop3A_335 = arith.constant 127 : i32
        %parallel_loop3A_336 = vector.broadcast %parallel_loop3A_335 : i32 to vector<16xi32>
        %parallel_loop3A_337 = arith.andi %parallel_loop3A_334, %parallel_loop3A_336 : vector<16xi32>
        %parallel_loop3A_338 = tpu.vector_load_idx %arg10[%add3A_232, %parallel_loop3A_337] : memref<64x128xf32, #tpu.memory_space<vmem>>[vector<16xi32>, vector<16xi32>], vector<16xf32>,
        %parallel_loop3A_339 = tpu.vector_load_idx %arg12[%add3A_232, %parallel_loop3A_337] : memref<64x128xf32, #tpu.memory_space<vmem>>[vector<16xi32>, vector<16xi32>], vector<16xf32>,
        %parallel_loop3A_340 = arith.addi %mul3A_228, %parallel_loop3A_337 : vector<16xi32>
        %parallel_loop3A_341 = tpu.vector_load_idx %arg8[%parallel_loop3A_340] : memref<12907xf32, #tpu.memory_space<vmem>>[vector<16xi32>], vector<16xf32>,
        %parallel_loop3A_342 = arith.mulf %parallel_loop3A_338, %parallel_loop3A_338 : vector<16xf32>
        %parallel_loop3A_343 = arith.addf %parallel_loop3A_329, %parallel_loop3A_342 : vector<16xf32>
        %parallel_loop3A_344 = arith.mulf %parallel_loop3A_339, %parallel_loop3A_339 : vector<16xf32>
        %parallel_loop3A_345 = arith.addf %parallel_loop3A_330, %parallel_loop3A_344 : vector<16xf32>
        %parallel_loop3A_346 = arith.mulf %parallel_loop3A_338, %parallel_loop3A_341 : vector<16xf32>
        %parallel_loop3A_347 = arith.addf %parallel_loop3A_331, %parallel_loop3A_346 : vector<16xf32>
        %parallel_loop3A_348 = arith.mulf %parallel_loop3A_339, %parallel_loop3A_341 : vector<16xf32>
        %parallel_loop3A_349 = arith.addf %parallel_loop3A_332, %parallel_loop3A_348 : vector<16xf32>
        scf.yield %parallel_loop3A_343, %parallel_loop3A_345, %parallel_loop3A_347, %parallel_loop3A_349 : vector<16xf32>, vector<16xf32>, vector<16xf32>, vector<16xf32>
      } {sc.loop_unroll_factor = 4 : i64, sc.parallel_access}
      %bitcast_convert_type3A = tpu.bitcast %parallel_loop3A_236#0 : vector<16xf32> -> vector<16xi32>
      %shift_right_logical3A = arith.constant 1 : i32
      %shift_right_logical3A_237 = vector.broadcast %shift_right_logical3A : i32 to vector<16xi32>
      %shift_right_logical3A_238 = arith.shrui %bitcast_convert_type3A, %shift_right_logical3A_237 : vector<16xi32>
      %sub3A = arith.constant 1597463007 : i32
      %sub3A_239 = vector.broadcast %sub3A : i32 to vector<16xi32>
      %sub3A_240 = arith.subi %sub3A_239, %shift_right_logical3A_238 : vector<16xi32>
      %bitcast_convert_type3A_241 = tpu.bitcast %sub3A_240 : vector<16xi32> -> vector<16xf32>
      %mul3A_242 = arith.constant 5.000000e-01 : f32
      %mul3A_243 = vector.broadcast %mul3A_242 : f32 to vector<16xf32>
      %mul3A_244 = arith.mulf %mul3A_243, %parallel_loop3A_236#0 : vector<16xf32>
      %mul3A_245 = arith.mulf %mul3A_244, %bitcast_convert_type3A_241 : vector<16xf32>
      %mul3A_246 = arith.mulf %mul3A_245, %bitcast_convert_type3A_241 : vector<16xf32>
      %sub3A_247 = arith.constant 1.500000e+00 : f32
      %sub3A_248 = vector.broadcast %sub3A_247 : f32 to vector<16xf32>
      %sub3A_249 = arith.subf %sub3A_248, %mul3A_246 : vector<16xf32>
      %mul3A_250 = arith.mulf %bitcast_convert_type3A_241, %sub3A_249 : vector<16xf32>
      %mul3A_251 = arith.constant 5.000000e-01 : f32
      %mul3A_252 = vector.broadcast %mul3A_251 : f32 to vector<16xf32>
      %mul3A_253 = arith.mulf %mul3A_252, %parallel_loop3A_236#0 : vector<16xf32>
      %mul3A_254 = arith.mulf %mul3A_253, %mul3A_250 : vector<16xf32>
      %mul3A_255 = arith.mulf %mul3A_254, %mul3A_250 : vector<16xf32>
      %sub3A_256 = arith.constant 1.500000e+00 : f32
      %sub3A_257 = vector.broadcast %sub3A_256 : f32 to vector<16xf32>
      %sub3A_258 = arith.subf %sub3A_257, %mul3A_255 : vector<16xf32>
      %mul3A_259 = arith.mulf %mul3A_250, %sub3A_258 : vector<16xf32>
      %mul3A_260 = arith.constant 5.000000e-01 : f32
      %mul3A_261 = vector.broadcast %mul3A_260 : f32 to vector<16xf32>
      %mul3A_262 = arith.mulf %mul3A_261, %parallel_loop3A_236#0 : vector<16xf32>
      %mul3A_263 = arith.mulf %mul3A_262, %mul3A_259 : vector<16xf32>
      %mul3A_264 = arith.mulf %mul3A_263, %mul3A_259 : vector<16xf32>
      %sub3A_265 = arith.constant 1.500000e+00 : f32
      %sub3A_266 = vector.broadcast %sub3A_265 : f32 to vector<16xf32>
      %sub3A_267 = arith.subf %sub3A_266, %mul3A_264 : vector<16xf32>
      %mul3A_268 = arith.mulf %mul3A_259, %sub3A_267 : vector<16xf32>
      %min3A = arith.constant 9.99999995E+11 : f32
      %min3A_269 = vector.broadcast %min3A : f32 to vector<16xf32>
      %min3A_270 = arith.minimumf %mul3A_268, %min3A_269 : vector<16xf32>
      %bitcast_convert_type3A_271 = tpu.bitcast %parallel_loop3A_236#1 : vector<16xf32> -> vector<16xi32>
      %shift_right_logical3A_272 = arith.constant 1 : i32
      %shift_right_logical3A_273 = vector.broadcast %shift_right_logical3A_272 : i32 to vector<16xi32>
      %shift_right_logical3A_274 = arith.shrui %bitcast_convert_type3A_271, %shift_right_logical3A_273 : vector<16xi32>
      %sub3A_275 = arith.constant 1597463007 : i32
      %sub3A_276 = vector.broadcast %sub3A_275 : i32 to vector<16xi32>
      %sub3A_277 = arith.subi %sub3A_276, %shift_right_logical3A_274 : vector<16xi32>
      %bitcast_convert_type3A_278 = tpu.bitcast %sub3A_277 : vector<16xi32> -> vector<16xf32>
      %mul3A_279 = arith.constant 5.000000e-01 : f32
      %mul3A_280 = vector.broadcast %mul3A_279 : f32 to vector<16xf32>
      %mul3A_281 = arith.mulf %mul3A_280, %parallel_loop3A_236#1 : vector<16xf32>
      %mul3A_282 = arith.mulf %mul3A_281, %bitcast_convert_type3A_278 : vector<16xf32>
      %mul3A_283 = arith.mulf %mul3A_282, %bitcast_convert_type3A_278 : vector<16xf32>
      %sub3A_284 = arith.constant 1.500000e+00 : f32
      %sub3A_285 = vector.broadcast %sub3A_284 : f32 to vector<16xf32>
      %sub3A_286 = arith.subf %sub3A_285, %mul3A_283 : vector<16xf32>
      %mul3A_287 = arith.mulf %bitcast_convert_type3A_278, %sub3A_286 : vector<16xf32>
      %mul3A_288 = arith.constant 5.000000e-01 : f32
      %mul3A_289 = vector.broadcast %mul3A_288 : f32 to vector<16xf32>
      %mul3A_290 = arith.mulf %mul3A_289, %parallel_loop3A_236#1 : vector<16xf32>
      %mul3A_291 = arith.mulf %mul3A_290, %mul3A_287 : vector<16xf32>
      %mul3A_292 = arith.mulf %mul3A_291, %mul3A_287 : vector<16xf32>
      %sub3A_293 = arith.constant 1.500000e+00 : f32
      %sub3A_294 = vector.broadcast %sub3A_293 : f32 to vector<16xf32>
      %sub3A_295 = arith.subf %sub3A_294, %mul3A_292 : vector<16xf32>
      %mul3A_296 = arith.mulf %mul3A_287, %sub3A_295 : vector<16xf32>
      %mul3A_297 = arith.constant 5.000000e-01 : f32
      %mul3A_298 = vector.broadcast %mul3A_297 : f32 to vector<16xf32>
      %mul3A_299 = arith.mulf %mul3A_298, %parallel_loop3A_236#1 : vector<16xf32>
      %mul3A_300 = arith.mulf %mul3A_299, %mul3A_296 : vector<16xf32>
      %mul3A_301 = arith.mulf %mul3A_300, %mul3A_296 : vector<16xf32>
      %sub3A_302 = arith.constant 1.500000e+00 : f32
      %sub3A_303 = vector.broadcast %sub3A_302 : f32 to vector<16xf32>
      %sub3A_304 = arith.subf %sub3A_303, %mul3A_301 : vector<16xf32>
      %mul3A_305 = arith.mulf %mul3A_296, %sub3A_304 : vector<16xf32>
      %min3A_306 = arith.constant 9.99999995E+11 : f32
      %min3A_307 = vector.broadcast %min3A_306 : f32 to vector<16xf32>
      %min3A_308 = arith.minimumf %mul3A_305, %min3A_307 : vector<16xf32>
      %mul3A_309 = arith.mulf %parallel_loop3A_236#2, %min3A_270 : vector<16xf32>
      %mul3A_310 = arith.mulf %parallel_loop3A_236#3, %min3A_308 : vector<16xf32>
      %add3A_311 = arith.addf %mul3A_309, %mul3A_310 : vector<16xf32>
      %mul3A_312 = arith.constant 5.000000e-01 : f32
      %mul3A_313 = vector.broadcast %mul3A_312 : f32 to vector<16xf32>
      %mul3A_314 = arith.mulf %mul3A_313, %add3A_311 : vector<16xf32>
      %sub3A_315 = arith.constant 1.000000e+00 : f32
      %sub3A_316 = vector.broadcast %sub3A_315 : f32 to vector<16xf32>
      %sub3A_317 = arith.subf %sub3A_316, %mul3A_314 : vector<16xf32>
      %jit3A_318 = arith.constant 0.000000e+00 : f32
      %broadcast_in_dim3A_319 = vector.broadcast %jit3A_318 : f32 to vector<16xf32>
      %select_n3A_320 = arith.select %ge3A_223, %sub3A_317, %broadcast_in_dim3A_319 : vector<16xi1>, vector<16xf32>
      %add3A_321 = arith.addf %scan3A_215, %select_n3A_320 : vector<16xf32>
      %jit3A_322 = arith.constant 1.000000e+00 : f32
      %jit3A_323 = arith.constant 0.000000e+00 : f32
      %broadcast_in_dim3A_324 = vector.broadcast %jit3A_322 : f32 to vector<16xf32>
      %broadcast_in_dim3A_325 = vector.broadcast %jit3A_323 : f32 to vector<16xf32>
      %select_n3A_326 = arith.select %ge3A_223, %broadcast_in_dim3A_324, %broadcast_in_dim3A_325 : vector<16xi1>, vector<16xf32>
      %add3A_327 = arith.addf %scan3A_216, %select_n3A_326 : vector<16xf32>
      scf.yield %add3A_321, %add3A_327 : vector<16xf32>, vector<16xf32>
    }
    %scan3A_86 = arith.constant 4 : i32
    %add3A_87 = arith.constant 256 : i32
    %add3A_88 = arith.addi %mul3A_2, %add3A_87 : i32
    %dma_start3A_89 = arith.constant 0 : i32
    %dma_start3A_90 = tpu.memref_slice %arg2[%add3A_88, %dma_start3A_89] : memref<16384x128xf32, #tpu.memory_space<hbm>> -> memref<64x128xf32, #tpu.memory_space<hbm>>
    %dma_start3A_91 = arith.constant 0 : i32
    %dma_start3A_92 = tpu.memref_slice %arg2[%add3A_88, %dma_start3A_91] : memref<16384x128xf32, #tpu.memory_space<hbm>> -> memref<64x128xf32, #tpu.memory_space<hbm>>
    tpu.enqueue_dma source(%dma_start3A_92 : memref<64x128xf32, #tpu.memory_space<hbm>>) target(%arg10 : memref<64x128xf32, #tpu.memory_space<vmem>>) target_semaphore(%arg15 : memref<!tpu.dma_semaphore, #tpu.memory_space<semaphore_mem>>)
    %dma_start3A_93 = arith.constant 0 : i32
    %dma_start3A_94 = tpu.memref_slice %arg3[%add3A_88, %dma_start3A_93] : memref<16384x128xf32, #tpu.memory_space<hbm>> -> memref<64x128xf32, #tpu.memory_space<hbm>>
    %dma_start3A_95 = arith.constant 0 : i32
    %dma_start3A_96 = tpu.memref_slice %arg3[%add3A_88, %dma_start3A_95] : memref<16384x128xf32, #tpu.memory_space<hbm>> -> memref<64x128xf32, #tpu.memory_space<hbm>>
    tpu.enqueue_dma source(%dma_start3A_96 : memref<64x128xf32, #tpu.memory_space<hbm>>) target(%arg12 : memref<64x128xf32, #tpu.memory_space<vmem>>) target_semaphore(%arg15 : memref<!tpu.dma_semaphore, #tpu.memory_space<semaphore_mem>>)
    %dma_wait3A_97 = arith.constant 0 : i32
    %dma_wait3A_98 = tpu.memref_slice %arg2[%add3A_64, %dma_wait3A_97] : memref<16384x128xf32, #tpu.memory_space<hbm>> -> memref<64x128xf32, #tpu.memory_space<hbm>>
    %dma_wait3A_99 = arith.constant 0 : i32
    %dma_wait3A_100 = tpu.memref_slice %arg2[%add3A_64, %dma_wait3A_99] : memref<16384x128xf32, #tpu.memory_space<hbm>> -> memref<64x128xf32, #tpu.memory_space<hbm>>
    tpu.wait_dma2 semaphore(%arg16 : memref<!tpu.dma_semaphore, #tpu.memory_space<semaphore_mem>>) src(%dma_wait3A_100 : memref<64x128xf32, #tpu.memory_space<hbm>>) dst(%arg11 : memref<64x128xf32, #tpu.memory_space<vmem>>)
    %dma_wait3A_101 = arith.constant 0 : i32
    %dma_wait3A_102 = tpu.memref_slice %arg3[%add3A_64, %dma_wait3A_101] : memref<16384x128xf32, #tpu.memory_space<hbm>> -> memref<64x128xf32, #tpu.memory_space<hbm>>
    %dma_wait3A_103 = arith.constant 0 : i32
    %dma_wait3A_104 = tpu.memref_slice %arg3[%add3A_64, %dma_wait3A_103] : memref<16384x128xf32, #tpu.memory_space<hbm>> -> memref<64x128xf32, #tpu.memory_space<hbm>>
    tpu.wait_dma2 semaphore(%arg16 : memref<!tpu.dma_semaphore, #tpu.memory_space<semaphore_mem>>) src(%dma_wait3A_104 : memref<64x128xf32, #tpu.memory_space<hbm>>) dst(%arg13 : memref<64x128xf32, #tpu.memory_space<vmem>>)
    %scan3A_105 = arith.constant 0 : i32
    %scan3A_106 = arith.constant 4 : i32
    %scan3A_107 = arith.addi %scan3A_105, %scan3A_106 : i32
    %scan3A_108 = arith.constant 1 : i32
    %scan3A_109:2 = scf.for %scan3A_214 = %scan3A_105 to %scan3A_107 step %scan3A_108 iter_args(%scan3A_215 = %scan3A_85#0, %scan3A_216 = %scan3A_85#1) -> (vector<16xf32>, vector<16xf32>)  : i32 {
      %mul3A_217 = arith.constant 16 : i32
      %mul3A_218 = arith.muli %scan3A_214, %mul3A_217 : i32
      %add3A_219 = arith.constant 192 : i32
      %add3A_220 = arith.addi %add3A_219, %mul3A_218 : i32
      %get3A = arith.index_cast %add3A_220 : i32 to index
      %get3A_221 = tpu.vector_load %arg9[%get3A] {strides = array<i32>} : memref<512xi32, #tpu.memory_space<vmem>>, vector<16xi32>,
      %ge3A = arith.constant 0 : i32
      %ge3A_222 = vector.broadcast %ge3A : i32 to vector<16xi32>
      %ge3A_223 = arith.cmpi sge, %get3A_221, %ge3A_222 : vector<16xi32>
      %max3A = arith.constant 0 : i32
      %max3A_224 = vector.broadcast %max3A : i32 to vector<16xi32>
      %max3A_225 = arith.maxsi %get3A_221, %max3A_224 : vector<16xi32>
      %mul3A_226 = arith.constant 129 : i32
      %mul3A_227 = vector.broadcast %mul3A_226 : i32 to vector<16xi32>
      %mul3A_228 = arith.muli %max3A_225, %mul3A_227 : vector<16xi32>
      %mul3A_229 = arith.constant 16 : i32
      %mul3A_230 = arith.muli %scan3A_214, %mul3A_229 : i32
      %add3A_231 = vector.broadcast %mul3A_230 : i32 to vector<16xi32>
      %add3A_232 = arith.addi %iota3A, %add3A_231 : vector<16xi32>
      %parallel_loop3A_233 = arith.constant 0 : i32
      %parallel_loop3A_234 = arith.constant 128 : i32
      %parallel_loop3A_235 = arith.constant 1 : i32
      %parallel_loop3A_236:4 = scf.for %parallel_loop3A_328 = %parallel_loop3A_233 to %parallel_loop3A_234 step %parallel_loop3A_235 iter_args(%parallel_loop3A_329 = %broadcast_in_dim3A_16, %parallel_loop3A_330 = %broadcast_in_dim3A_16, %parallel_loop3A_331 = %broadcast_in_dim3A_16, %parallel_loop3A_332 = %broadcast_in_dim3A_16) -> (vector<16xf32>, vector<16xf32>, vector<16xf32>, vector<16xf32>)  : i32 {
        %parallel_loop3A_333 = vector.broadcast %parallel_loop3A_328 : i32 to vector<16xi32>
        %parallel_loop3A_334 = arith.addi %parallel_loop3A_333, %iota3A : vector<16xi32>
        %parallel_loop3A_335 = arith.constant 127 : i32
        %parallel_loop3A_336 = vector.broadcast %parallel_loop3A_335 : i32 to vector<16xi32>
        %parallel_loop3A_337 = arith.andi %parallel_loop3A_334, %parallel_loop3A_336 : vector<16xi32>
        %parallel_loop3A_338 = tpu.vector_load_idx %arg11[%add3A_232, %parallel_loop3A_337] : memref<64x128xf32, #tpu.memory_space<vmem>>[vector<16xi32>, vector<16xi32>], vector<16xf32>,
        %parallel_loop3A_339 = tpu.vector_load_idx %arg13[%add3A_232, %parallel_loop3A_337] : memref<64x128xf32, #tpu.memory_space<vmem>>[vector<16xi32>, vector<16xi32>], vector<16xf32>,
        %parallel_loop3A_340 = arith.addi %mul3A_228, %parallel_loop3A_337 : vector<16xi32>
        %parallel_loop3A_341 = tpu.vector_load_idx %arg8[%parallel_loop3A_340] : memref<12907xf32, #tpu.memory_space<vmem>>[vector<16xi32>], vector<16xf32>,
        %parallel_loop3A_342 = arith.mulf %parallel_loop3A_338, %parallel_loop3A_338 : vector<16xf32>
        %parallel_loop3A_343 = arith.addf %parallel_loop3A_329, %parallel_loop3A_342 : vector<16xf32>
        %parallel_loop3A_344 = arith.mulf %parallel_loop3A_339, %parallel_loop3A_339 : vector<16xf32>
        %parallel_loop3A_345 = arith.addf %parallel_loop3A_330, %parallel_loop3A_344 : vector<16xf32>
        %parallel_loop3A_346 = arith.mulf %parallel_loop3A_338, %parallel_loop3A_341 : vector<16xf32>
        %parallel_loop3A_347 = arith.addf %parallel_loop3A_331, %parallel_loop3A_346 : vector<16xf32>
        %parallel_loop3A_348 = arith.mulf %parallel_loop3A_339, %parallel_loop3A_341 : vector<16xf32>
        %parallel_loop3A_349 = arith.addf %parallel_loop3A_332, %parallel_loop3A_348 : vector<16xf32>
        scf.yield %parallel_loop3A_343, %parallel_loop3A_345, %parallel_loop3A_347, %parallel_loop3A_349 : vector<16xf32>, vector<16xf32>, vector<16xf32>, vector<16xf32>
      } {sc.loop_unroll_factor = 4 : i64, sc.parallel_access}
      %bitcast_convert_type3A = tpu.bitcast %parallel_loop3A_236#0 : vector<16xf32> -> vector<16xi32>
      %shift_right_logical3A = arith.constant 1 : i32
      %shift_right_logical3A_237 = vector.broadcast %shift_right_logical3A : i32 to vector<16xi32>
      %shift_right_logical3A_238 = arith.shrui %bitcast_convert_type3A, %shift_right_logical3A_237 : vector<16xi32>
      %sub3A = arith.constant 1597463007 : i32
      %sub3A_239 = vector.broadcast %sub3A : i32 to vector<16xi32>
      %sub3A_240 = arith.subi %sub3A_239, %shift_right_logical3A_238 : vector<16xi32>
      %bitcast_convert_type3A_241 = tpu.bitcast %sub3A_240 : vector<16xi32> -> vector<16xf32>
      %mul3A_242 = arith.constant 5.000000e-01 : f32
      %mul3A_243 = vector.broadcast %mul3A_242 : f32 to vector<16xf32>
      %mul3A_244 = arith.mulf %mul3A_243, %parallel_loop3A_236#0 : vector<16xf32>
      %mul3A_245 = arith.mulf %mul3A_244, %bitcast_convert_type3A_241 : vector<16xf32>
      %mul3A_246 = arith.mulf %mul3A_245, %bitcast_convert_type3A_241 : vector<16xf32>
      %sub3A_247 = arith.constant 1.500000e+00 : f32
      %sub3A_248 = vector.broadcast %sub3A_247 : f32 to vector<16xf32>
      %sub3A_249 = arith.subf %sub3A_248, %mul3A_246 : vector<16xf32>
      %mul3A_250 = arith.mulf %bitcast_convert_type3A_241, %sub3A_249 : vector<16xf32>
      %mul3A_251 = arith.constant 5.000000e-01 : f32
      %mul3A_252 = vector.broadcast %mul3A_251 : f32 to vector<16xf32>
      %mul3A_253 = arith.mulf %mul3A_252, %parallel_loop3A_236#0 : vector<16xf32>
      %mul3A_254 = arith.mulf %mul3A_253, %mul3A_250 : vector<16xf32>
      %mul3A_255 = arith.mulf %mul3A_254, %mul3A_250 : vector<16xf32>
      %sub3A_256 = arith.constant 1.500000e+00 : f32
      %sub3A_257 = vector.broadcast %sub3A_256 : f32 to vector<16xf32>
      %sub3A_258 = arith.subf %sub3A_257, %mul3A_255 : vector<16xf32>
      %mul3A_259 = arith.mulf %mul3A_250, %sub3A_258 : vector<16xf32>
      %mul3A_260 = arith.constant 5.000000e-01 : f32
      %mul3A_261 = vector.broadcast %mul3A_260 : f32 to vector<16xf32>
      %mul3A_262 = arith.mulf %mul3A_261, %parallel_loop3A_236#0 : vector<16xf32>
      %mul3A_263 = arith.mulf %mul3A_262, %mul3A_259 : vector<16xf32>
      %mul3A_264 = arith.mulf %mul3A_263, %mul3A_259 : vector<16xf32>
      %sub3A_265 = arith.constant 1.500000e+00 : f32
      %sub3A_266 = vector.broadcast %sub3A_265 : f32 to vector<16xf32>
      %sub3A_267 = arith.subf %sub3A_266, %mul3A_264 : vector<16xf32>
      %mul3A_268 = arith.mulf %mul3A_259, %sub3A_267 : vector<16xf32>
      %min3A = arith.constant 9.99999995E+11 : f32
      %min3A_269 = vector.broadcast %min3A : f32 to vector<16xf32>
      %min3A_270 = arith.minimumf %mul3A_268, %min3A_269 : vector<16xf32>
      %bitcast_convert_type3A_271 = tpu.bitcast %parallel_loop3A_236#1 : vector<16xf32> -> vector<16xi32>
      %shift_right_logical3A_272 = arith.constant 1 : i32
      %shift_right_logical3A_273 = vector.broadcast %shift_right_logical3A_272 : i32 to vector<16xi32>
      %shift_right_logical3A_274 = arith.shrui %bitcast_convert_type3A_271, %shift_right_logical3A_273 : vector<16xi32>
      %sub3A_275 = arith.constant 1597463007 : i32
      %sub3A_276 = vector.broadcast %sub3A_275 : i32 to vector<16xi32>
      %sub3A_277 = arith.subi %sub3A_276, %shift_right_logical3A_274 : vector<16xi32>
      %bitcast_convert_type3A_278 = tpu.bitcast %sub3A_277 : vector<16xi32> -> vector<16xf32>
      %mul3A_279 = arith.constant 5.000000e-01 : f32
      %mul3A_280 = vector.broadcast %mul3A_279 : f32 to vector<16xf32>
      %mul3A_281 = arith.mulf %mul3A_280, %parallel_loop3A_236#1 : vector<16xf32>
      %mul3A_282 = arith.mulf %mul3A_281, %bitcast_convert_type3A_278 : vector<16xf32>
      %mul3A_283 = arith.mulf %mul3A_282, %bitcast_convert_type3A_278 : vector<16xf32>
      %sub3A_284 = arith.constant 1.500000e+00 : f32
      %sub3A_285 = vector.broadcast %sub3A_284 : f32 to vector<16xf32>
      %sub3A_286 = arith.subf %sub3A_285, %mul3A_283 : vector<16xf32>
      %mul3A_287 = arith.mulf %bitcast_convert_type3A_278, %sub3A_286 : vector<16xf32>
      %mul3A_288 = arith.constant 5.000000e-01 : f32
      %mul3A_289 = vector.broadcast %mul3A_288 : f32 to vector<16xf32>
      %mul3A_290 = arith.mulf %mul3A_289, %parallel_loop3A_236#1 : vector<16xf32>
      %mul3A_291 = arith.mulf %mul3A_290, %mul3A_287 : vector<16xf32>
      %mul3A_292 = arith.mulf %mul3A_291, %mul3A_287 : vector<16xf32>
      %sub3A_293 = arith.constant 1.500000e+00 : f32
      %sub3A_294 = vector.broadcast %sub3A_293 : f32 to vector<16xf32>
      %sub3A_295 = arith.subf %sub3A_294, %mul3A_292 : vector<16xf32>
      %mul3A_296 = arith.mulf %mul3A_287, %sub3A_295 : vector<16xf32>
      %mul3A_297 = arith.constant 5.000000e-01 : f32
      %mul3A_298 = vector.broadcast %mul3A_297 : f32 to vector<16xf32>
      %mul3A_299 = arith.mulf %mul3A_298, %parallel_loop3A_236#1 : vector<16xf32>
      %mul3A_300 = arith.mulf %mul3A_299, %mul3A_296 : vector<16xf32>
      %mul3A_301 = arith.mulf %mul3A_300, %mul3A_296 : vector<16xf32>
      %sub3A_302 = arith.constant 1.500000e+00 : f32
      %sub3A_303 = vector.broadcast %sub3A_302 : f32 to vector<16xf32>
      %sub3A_304 = arith.subf %sub3A_303, %mul3A_301 : vector<16xf32>
      %mul3A_305 = arith.mulf %mul3A_296, %sub3A_304 : vector<16xf32>
      %min3A_306 = arith.constant 9.99999995E+11 : f32
      %min3A_307 = vector.broadcast %min3A_306 : f32 to vector<16xf32>
      %min3A_308 = arith.minimumf %mul3A_305, %min3A_307 : vector<16xf32>
      %mul3A_309 = arith.mulf %parallel_loop3A_236#2, %min3A_270 : vector<16xf32>
      %mul3A_310 = arith.mulf %parallel_loop3A_236#3, %min3A_308 : vector<16xf32>
      %add3A_311 = arith.addf %mul3A_309, %mul3A_310 : vector<16xf32>
      %mul3A_312 = arith.constant 5.000000e-01 : f32
      %mul3A_313 = vector.broadcast %mul3A_312 : f32 to vector<16xf32>
      %mul3A_314 = arith.mulf %mul3A_313, %add3A_311 : vector<16xf32>
      %sub3A_315 = arith.constant 1.000000e+00 : f32
      %sub3A_316 = vector.broadcast %sub3A_315 : f32 to vector<16xf32>
      %sub3A_317 = arith.subf %sub3A_316, %mul3A_314 : vector<16xf32>
      %jit3A_318 = arith.constant 0.000000e+00 : f32
      %broadcast_in_dim3A_319 = vector.broadcast %jit3A_318 : f32 to vector<16xf32>
      %select_n3A_320 = arith.select %ge3A_223, %sub3A_317, %broadcast_in_dim3A_319 : vector<16xi1>, vector<16xf32>
      %add3A_321 = arith.addf %scan3A_215, %select_n3A_320 : vector<16xf32>
      %jit3A_322 = arith.constant 1.000000e+00 : f32
      %jit3A_323 = arith.constant 0.000000e+00 : f32
      %broadcast_in_dim3A_324 = vector.broadcast %jit3A_322 : f32 to vector<16xf32>
      %broadcast_in_dim3A_325 = vector.broadcast %jit3A_323 : f32 to vector<16xf32>
      %select_n3A_326 = arith.select %ge3A_223, %broadcast_in_dim3A_324, %broadcast_in_dim3A_325 : vector<16xi1>, vector<16xf32>
      %add3A_327 = arith.addf %scan3A_216, %select_n3A_326 : vector<16xf32>
      scf.yield %add3A_321, %add3A_327 : vector<16xf32>, vector<16xf32>
    }
    %scan3A_110 = arith.constant 4 : i32
    %add3A_111 = arith.constant 320 : i32
    %add3A_112 = arith.addi %mul3A_2, %add3A_111 : i32
    %dma_start3A_113 = arith.constant 0 : i32
    %dma_start3A_114 = tpu.memref_slice %arg2[%add3A_112, %dma_start3A_113] : memref<16384x128xf32, #tpu.memory_space<hbm>> -> memref<64x128xf32, #tpu.memory_space<hbm>>
    %dma_start3A_115 = arith.constant 0 : i32
    %dma_start3A_116 = tpu.memref_slice %arg2[%add3A_112, %dma_start3A_115] : memref<16384x128xf32, #tpu.memory_space<hbm>> -> memref<64x128xf32, #tpu.memory_space<hbm>>
    tpu.enqueue_dma source(%dma_start3A_116 : memref<64x128xf32, #tpu.memory_space<hbm>>) target(%arg11 : memref<64x128xf32, #tpu.memory_space<vmem>>) target_semaphore(%arg16 : memref<!tpu.dma_semaphore, #tpu.memory_space<semaphore_mem>>)
    %dma_start3A_117 = arith.constant 0 : i32
    %dma_start3A_118 = tpu.memref_slice %arg3[%add3A_112, %dma_start3A_117] : memref<16384x128xf32, #tpu.memory_space<hbm>> -> memref<64x128xf32, #tpu.memory_space<hbm>>
    %dma_start3A_119 = arith.constant 0 : i32
    %dma_start3A_120 = tpu.memref_slice %arg3[%add3A_112, %dma_start3A_119] : memref<16384x128xf32, #tpu.memory_space<hbm>> -> memref<64x128xf32, #tpu.memory_space<hbm>>
    tpu.enqueue_dma source(%dma_start3A_120 : memref<64x128xf32, #tpu.memory_space<hbm>>) target(%arg13 : memref<64x128xf32, #tpu.memory_space<vmem>>) target_semaphore(%arg16 : memref<!tpu.dma_semaphore, #tpu.memory_space<semaphore_mem>>)
    %dma_wait3A_121 = arith.constant 0 : i32
    %dma_wait3A_122 = tpu.memref_slice %arg2[%add3A_88, %dma_wait3A_121] : memref<16384x128xf32, #tpu.memory_space<hbm>> -> memref<64x128xf32, #tpu.memory_space<hbm>>
    %dma_wait3A_123 = arith.constant 0 : i32
    %dma_wait3A_124 = tpu.memref_slice %arg2[%add3A_88, %dma_wait3A_123] : memref<16384x128xf32, #tpu.memory_space<hbm>> -> memref<64x128xf32, #tpu.memory_space<hbm>>
    tpu.wait_dma2 semaphore(%arg15 : memref<!tpu.dma_semaphore, #tpu.memory_space<semaphore_mem>>) src(%dma_wait3A_124 : memref<64x128xf32, #tpu.memory_space<hbm>>) dst(%arg10 : memref<64x128xf32, #tpu.memory_space<vmem>>)
    %dma_wait3A_125 = arith.constant 0 : i32
    %dma_wait3A_126 = tpu.memref_slice %arg3[%add3A_88, %dma_wait3A_125] : memref<16384x128xf32, #tpu.memory_space<hbm>> -> memref<64x128xf32, #tpu.memory_space<hbm>>
    %dma_wait3A_127 = arith.constant 0 : i32
    %dma_wait3A_128 = tpu.memref_slice %arg3[%add3A_88, %dma_wait3A_127] : memref<16384x128xf32, #tpu.memory_space<hbm>> -> memref<64x128xf32, #tpu.memory_space<hbm>>
    tpu.wait_dma2 semaphore(%arg15 : memref<!tpu.dma_semaphore, #tpu.memory_space<semaphore_mem>>) src(%dma_wait3A_128 : memref<64x128xf32, #tpu.memory_space<hbm>>) dst(%arg12 : memref<64x128xf32, #tpu.memory_space<vmem>>)
    %scan3A_129 = arith.constant 0 : i32
    %scan3A_130 = arith.constant 4 : i32
    %scan3A_131 = arith.addi %scan3A_129, %scan3A_130 : i32
    %scan3A_132 = arith.constant 1 : i32
    %scan3A_133:2 = scf.for %scan3A_214 = %scan3A_129 to %scan3A_131 step %scan3A_132 iter_args(%scan3A_215 = %scan3A_109#0, %scan3A_216 = %scan3A_109#1) -> (vector<16xf32>, vector<16xf32>)  : i32 {
      %mul3A_217 = arith.constant 16 : i32
      %mul3A_218 = arith.muli %scan3A_214, %mul3A_217 : i32
      %add3A_219 = arith.constant 256 : i32
      %add3A_220 = arith.addi %add3A_219, %mul3A_218 : i32
      %get3A = arith.index_cast %add3A_220 : i32 to index
      %get3A_221 = tpu.vector_load %arg9[%get3A] {strides = array<i32>} : memref<512xi32, #tpu.memory_space<vmem>>, vector<16xi32>,
      %ge3A = arith.constant 0 : i32
      %ge3A_222 = vector.broadcast %ge3A : i32 to vector<16xi32>
      %ge3A_223 = arith.cmpi sge, %get3A_221, %ge3A_222 : vector<16xi32>
      %max3A = arith.constant 0 : i32
      %max3A_224 = vector.broadcast %max3A : i32 to vector<16xi32>
      %max3A_225 = arith.maxsi %get3A_221, %max3A_224 : vector<16xi32>
      %mul3A_226 = arith.constant 129 : i32
      %mul3A_227 = vector.broadcast %mul3A_226 : i32 to vector<16xi32>
      %mul3A_228 = arith.muli %max3A_225, %mul3A_227 : vector<16xi32>
      %mul3A_229 = arith.constant 16 : i32
      %mul3A_230 = arith.muli %scan3A_214, %mul3A_229 : i32
      %add3A_231 = vector.broadcast %mul3A_230 : i32 to vector<16xi32>
      %add3A_232 = arith.addi %iota3A, %add3A_231 : vector<16xi32>
      %parallel_loop3A_233 = arith.constant 0 : i32
      %parallel_loop3A_234 = arith.constant 128 : i32
      %parallel_loop3A_235 = arith.constant 1 : i32
      %parallel_loop3A_236:4 = scf.for %parallel_loop3A_328 = %parallel_loop3A_233 to %parallel_loop3A_234 step %parallel_loop3A_235 iter_args(%parallel_loop3A_329 = %broadcast_in_dim3A_16, %parallel_loop3A_330 = %broadcast_in_dim3A_16, %parallel_loop3A_331 = %broadcast_in_dim3A_16, %parallel_loop3A_332 = %broadcast_in_dim3A_16) -> (vector<16xf32>, vector<16xf32>, vector<16xf32>, vector<16xf32>)  : i32 {
        %parallel_loop3A_333 = vector.broadcast %parallel_loop3A_328 : i32 to vector<16xi32>
        %parallel_loop3A_334 = arith.addi %parallel_loop3A_333, %iota3A : vector<16xi32>
        %parallel_loop3A_335 = arith.constant 127 : i32
        %parallel_loop3A_336 = vector.broadcast %parallel_loop3A_335 : i32 to vector<16xi32>
        %parallel_loop3A_337 = arith.andi %parallel_loop3A_334, %parallel_loop3A_336 : vector<16xi32>
        %parallel_loop3A_338 = tpu.vector_load_idx %arg10[%add3A_232, %parallel_loop3A_337] : memref<64x128xf32, #tpu.memory_space<vmem>>[vector<16xi32>, vector<16xi32>], vector<16xf32>,
        %parallel_loop3A_339 = tpu.vector_load_idx %arg12[%add3A_232, %parallel_loop3A_337] : memref<64x128xf32, #tpu.memory_space<vmem>>[vector<16xi32>, vector<16xi32>], vector<16xf32>,
        %parallel_loop3A_340 = arith.addi %mul3A_228, %parallel_loop3A_337 : vector<16xi32>
        %parallel_loop3A_341 = tpu.vector_load_idx %arg8[%parallel_loop3A_340] : memref<12907xf32, #tpu.memory_space<vmem>>[vector<16xi32>], vector<16xf32>,
        %parallel_loop3A_342 = arith.mulf %parallel_loop3A_338, %parallel_loop3A_338 : vector<16xf32>
        %parallel_loop3A_343 = arith.addf %parallel_loop3A_329, %parallel_loop3A_342 : vector<16xf32>
        %parallel_loop3A_344 = arith.mulf %parallel_loop3A_339, %parallel_loop3A_339 : vector<16xf32>
        %parallel_loop3A_345 = arith.addf %parallel_loop3A_330, %parallel_loop3A_344 : vector<16xf32>
        %parallel_loop3A_346 = arith.mulf %parallel_loop3A_338, %parallel_loop3A_341 : vector<16xf32>
        %parallel_loop3A_347 = arith.addf %parallel_loop3A_331, %parallel_loop3A_346 : vector<16xf32>
        %parallel_loop3A_348 = arith.mulf %parallel_loop3A_339, %parallel_loop3A_341 : vector<16xf32>
        %parallel_loop3A_349 = arith.addf %parallel_loop3A_332, %parallel_loop3A_348 : vector<16xf32>
        scf.yield %parallel_loop3A_343, %parallel_loop3A_345, %parallel_loop3A_347, %parallel_loop3A_349 : vector<16xf32>, vector<16xf32>, vector<16xf32>, vector<16xf32>
      } {sc.loop_unroll_factor = 4 : i64, sc.parallel_access}
      %bitcast_convert_type3A = tpu.bitcast %parallel_loop3A_236#0 : vector<16xf32> -> vector<16xi32>
      %shift_right_logical3A = arith.constant 1 : i32
      %shift_right_logical3A_237 = vector.broadcast %shift_right_logical3A : i32 to vector<16xi32>
      %shift_right_logical3A_238 = arith.shrui %bitcast_convert_type3A, %shift_right_logical3A_237 : vector<16xi32>
      %sub3A = arith.constant 1597463007 : i32
      %sub3A_239 = vector.broadcast %sub3A : i32 to vector<16xi32>
      %sub3A_240 = arith.subi %sub3A_239, %shift_right_logical3A_238 : vector<16xi32>
      %bitcast_convert_type3A_241 = tpu.bitcast %sub3A_240 : vector<16xi32> -> vector<16xf32>
      %mul3A_242 = arith.constant 5.000000e-01 : f32
      %mul3A_243 = vector.broadcast %mul3A_242 : f32 to vector<16xf32>
      %mul3A_244 = arith.mulf %mul3A_243, %parallel_loop3A_236#0 : vector<16xf32>
      %mul3A_245 = arith.mulf %mul3A_244, %bitcast_convert_type3A_241 : vector<16xf32>
      %mul3A_246 = arith.mulf %mul3A_245, %bitcast_convert_type3A_241 : vector<16xf32>
      %sub3A_247 = arith.constant 1.500000e+00 : f32
      %sub3A_248 = vector.broadcast %sub3A_247 : f32 to vector<16xf32>
      %sub3A_249 = arith.subf %sub3A_248, %mul3A_246 : vector<16xf32>
      %mul3A_250 = arith.mulf %bitcast_convert_type3A_241, %sub3A_249 : vector<16xf32>
      %mul3A_251 = arith.constant 5.000000e-01 : f32
      %mul3A_252 = vector.broadcast %mul3A_251 : f32 to vector<16xf32>
      %mul3A_253 = arith.mulf %mul3A_252, %parallel_loop3A_236#0 : vector<16xf32>
      %mul3A_254 = arith.mulf %mul3A_253, %mul3A_250 : vector<16xf32>
      %mul3A_255 = arith.mulf %mul3A_254, %mul3A_250 : vector<16xf32>
      %sub3A_256 = arith.constant 1.500000e+00 : f32
      %sub3A_257 = vector.broadcast %sub3A_256 : f32 to vector<16xf32>
      %sub3A_258 = arith.subf %sub3A_257, %mul3A_255 : vector<16xf32>
      %mul3A_259 = arith.mulf %mul3A_250, %sub3A_258 : vector<16xf32>
      %mul3A_260 = arith.constant 5.000000e-01 : f32
      %mul3A_261 = vector.broadcast %mul3A_260 : f32 to vector<16xf32>
      %mul3A_262 = arith.mulf %mul3A_261, %parallel_loop3A_236#0 : vector<16xf32>
      %mul3A_263 = arith.mulf %mul3A_262, %mul3A_259 : vector<16xf32>
      %mul3A_264 = arith.mulf %mul3A_263, %mul3A_259 : vector<16xf32>
      %sub3A_265 = arith.constant 1.500000e+00 : f32
      %sub3A_266 = vector.broadcast %sub3A_265 : f32 to vector<16xf32>
      %sub3A_267 = arith.subf %sub3A_266, %mul3A_264 : vector<16xf32>
      %mul3A_268 = arith.mulf %mul3A_259, %sub3A_267 : vector<16xf32>
      %min3A = arith.constant 9.99999995E+11 : f32
      %min3A_269 = vector.broadcast %min3A : f32 to vector<16xf32>
      %min3A_270 = arith.minimumf %mul3A_268, %min3A_269 : vector<16xf32>
      %bitcast_convert_type3A_271 = tpu.bitcast %parallel_loop3A_236#1 : vector<16xf32> -> vector<16xi32>
      %shift_right_logical3A_272 = arith.constant 1 : i32
      %shift_right_logical3A_273 = vector.broadcast %shift_right_logical3A_272 : i32 to vector<16xi32>
      %shift_right_logical3A_274 = arith.shrui %bitcast_convert_type3A_271, %shift_right_logical3A_273 : vector<16xi32>
      %sub3A_275 = arith.constant 1597463007 : i32
      %sub3A_276 = vector.broadcast %sub3A_275 : i32 to vector<16xi32>
      %sub3A_277 = arith.subi %sub3A_276, %shift_right_logical3A_274 : vector<16xi32>
      %bitcast_convert_type3A_278 = tpu.bitcast %sub3A_277 : vector<16xi32> -> vector<16xf32>
      %mul3A_279 = arith.constant 5.000000e-01 : f32
      %mul3A_280 = vector.broadcast %mul3A_279 : f32 to vector<16xf32>
      %mul3A_281 = arith.mulf %mul3A_280, %parallel_loop3A_236#1 : vector<16xf32>
      %mul3A_282 = arith.mulf %mul3A_281, %bitcast_convert_type3A_278 : vector<16xf32>
      %mul3A_283 = arith.mulf %mul3A_282, %bitcast_convert_type3A_278 : vector<16xf32>
      %sub3A_284 = arith.constant 1.500000e+00 : f32
      %sub3A_285 = vector.broadcast %sub3A_284 : f32 to vector<16xf32>
      %sub3A_286 = arith.subf %sub3A_285, %mul3A_283 : vector<16xf32>
      %mul3A_287 = arith.mulf %bitcast_convert_type3A_278, %sub3A_286 : vector<16xf32>
      %mul3A_288 = arith.constant 5.000000e-01 : f32
      %mul3A_289 = vector.broadcast %mul3A_288 : f32 to vector<16xf32>
      %mul3A_290 = arith.mulf %mul3A_289, %parallel_loop3A_236#1 : vector<16xf32>
      %mul3A_291 = arith.mulf %mul3A_290, %mul3A_287 : vector<16xf32>
      %mul3A_292 = arith.mulf %mul3A_291, %mul3A_287 : vector<16xf32>
      %sub3A_293 = arith.constant 1.500000e+00 : f32
      %sub3A_294 = vector.broadcast %sub3A_293 : f32 to vector<16xf32>
      %sub3A_295 = arith.subf %sub3A_294, %mul3A_292 : vector<16xf32>
      %mul3A_296 = arith.mulf %mul3A_287, %sub3A_295 : vector<16xf32>
      %mul3A_297 = arith.constant 5.000000e-01 : f32
      %mul3A_298 = vector.broadcast %mul3A_297 : f32 to vector<16xf32>
      %mul3A_299 = arith.mulf %mul3A_298, %parallel_loop3A_236#1 : vector<16xf32>
      %mul3A_300 = arith.mulf %mul3A_299, %mul3A_296 : vector<16xf32>
      %mul3A_301 = arith.mulf %mul3A_300, %mul3A_296 : vector<16xf32>
      %sub3A_302 = arith.constant 1.500000e+00 : f32
      %sub3A_303 = vector.broadcast %sub3A_302 : f32 to vector<16xf32>
      %sub3A_304 = arith.subf %sub3A_303, %mul3A_301 : vector<16xf32>
      %mul3A_305 = arith.mulf %mul3A_296, %sub3A_304 : vector<16xf32>
      %min3A_306 = arith.constant 9.99999995E+11 : f32
      %min3A_307 = vector.broadcast %min3A_306 : f32 to vector<16xf32>
      %min3A_308 = arith.minimumf %mul3A_305, %min3A_307 : vector<16xf32>
      %mul3A_309 = arith.mulf %parallel_loop3A_236#2, %min3A_270 : vector<16xf32>
      %mul3A_310 = arith.mulf %parallel_loop3A_236#3, %min3A_308 : vector<16xf32>
      %add3A_311 = arith.addf %mul3A_309, %mul3A_310 : vector<16xf32>
      %mul3A_312 = arith.constant 5.000000e-01 : f32
      %mul3A_313 = vector.broadcast %mul3A_312 : f32 to vector<16xf32>
      %mul3A_314 = arith.mulf %mul3A_313, %add3A_311 : vector<16xf32>
      %sub3A_315 = arith.constant 1.000000e+00 : f32
      %sub3A_316 = vector.broadcast %sub3A_315 : f32 to vector<16xf32>
      %sub3A_317 = arith.subf %sub3A_316, %mul3A_314 : vector<16xf32>
      %jit3A_318 = arith.constant 0.000000e+00 : f32
      %broadcast_in_dim3A_319 = vector.broadcast %jit3A_318 : f32 to vector<16xf32>
      %select_n3A_320 = arith.select %ge3A_223, %sub3A_317, %broadcast_in_dim3A_319 : vector<16xi1>, vector<16xf32>
      %add3A_321 = arith.addf %scan3A_215, %select_n3A_320 : vector<16xf32>
      %jit3A_322 = arith.constant 1.000000e+00 : f32
      %jit3A_323 = arith.constant 0.000000e+00 : f32
      %broadcast_in_dim3A_324 = vector.broadcast %jit3A_322 : f32 to vector<16xf32>
      %broadcast_in_dim3A_325 = vector.broadcast %jit3A_323 : f32 to vector<16xf32>
      %select_n3A_326 = arith.select %ge3A_223, %broadcast_in_dim3A_324, %broadcast_in_dim3A_325 : vector<16xi1>, vector<16xf32>
      %add3A_327 = arith.addf %scan3A_216, %select_n3A_326 : vector<16xf32>
      scf.yield %add3A_321, %add3A_327 : vector<16xf32>, vector<16xf32>
    }
    %scan3A_134 = arith.constant 4 : i32
    %add3A_135 = arith.constant 384 : i32
    %add3A_136 = arith.addi %mul3A_2, %add3A_135 : i32
    %dma_start3A_137 = arith.constant 0 : i32
    %dma_start3A_138 = tpu.memref_slice %arg2[%add3A_136, %dma_start3A_137] : memref<16384x128xf32, #tpu.memory_space<hbm>> -> memref<64x128xf32, #tpu.memory_space<hbm>>
    %dma_start3A_139 = arith.constant 0 : i32
    %dma_start3A_140 = tpu.memref_slice %arg2[%add3A_136, %dma_start3A_139] : memref<16384x128xf32, #tpu.memory_space<hbm>> -> memref<64x128xf32, #tpu.memory_space<hbm>>
    tpu.enqueue_dma source(%dma_start3A_140 : memref<64x128xf32, #tpu.memory_space<hbm>>) target(%arg10 : memref<64x128xf32, #tpu.memory_space<vmem>>) target_semaphore(%arg15 : memref<!tpu.dma_semaphore, #tpu.memory_space<semaphore_mem>>)
    %dma_start3A_141 = arith.constant 0 : i32
    %dma_start3A_142 = tpu.memref_slice %arg3[%add3A_136, %dma_start3A_141] : memref<16384x128xf32, #tpu.memory_space<hbm>> -> memref<64x128xf32, #tpu.memory_space<hbm>>
    %dma_start3A_143 = arith.constant 0 : i32
    %dma_start3A_144 = tpu.memref_slice %arg3[%add3A_136, %dma_start3A_143] : memref<16384x128xf32, #tpu.memory_space<hbm>> -> memref<64x128xf32, #tpu.memory_space<hbm>>
    tpu.enqueue_dma source(%dma_start3A_144 : memref<64x128xf32, #tpu.memory_space<hbm>>) target(%arg12 : memref<64x128xf32, #tpu.memory_space<vmem>>) target_semaphore(%arg15 : memref<!tpu.dma_semaphore, #tpu.memory_space<semaphore_mem>>)
    %dma_wait3A_145 = arith.constant 0 : i32
    %dma_wait3A_146 = tpu.memref_slice %arg2[%add3A_112, %dma_wait3A_145] : memref<16384x128xf32, #tpu.memory_space<hbm>> -> memref<64x128xf32, #tpu.memory_space<hbm>>
    %dma_wait3A_147 = arith.constant 0 : i32
    %dma_wait3A_148 = tpu.memref_slice %arg2[%add3A_112, %dma_wait3A_147] : memref<16384x128xf32, #tpu.memory_space<hbm>> -> memref<64x128xf32, #tpu.memory_space<hbm>>
    tpu.wait_dma2 semaphore(%arg16 : memref<!tpu.dma_semaphore, #tpu.memory_space<semaphore_mem>>) src(%dma_wait3A_148 : memref<64x128xf32, #tpu.memory_space<hbm>>) dst(%arg11 : memref<64x128xf32, #tpu.memory_space<vmem>>)
    %dma_wait3A_149 = arith.constant 0 : i32
    %dma_wait3A_150 = tpu.memref_slice %arg3[%add3A_112, %dma_wait3A_149] : memref<16384x128xf32, #tpu.memory_space<hbm>> -> memref<64x128xf32, #tpu.memory_space<hbm>>
    %dma_wait3A_151 = arith.constant 0 : i32
    %dma_wait3A_152 = tpu.memref_slice %arg3[%add3A_112, %dma_wait3A_151] : memref<16384x128xf32, #tpu.memory_space<hbm>> -> memref<64x128xf32, #tpu.memory_space<hbm>>
    tpu.wait_dma2 semaphore(%arg16 : memref<!tpu.dma_semaphore, #tpu.memory_space<semaphore_mem>>) src(%dma_wait3A_152 : memref<64x128xf32, #tpu.memory_space<hbm>>) dst(%arg13 : memref<64x128xf32, #tpu.memory_space<vmem>>)
    %scan3A_153 = arith.constant 0 : i32
    %scan3A_154 = arith.constant 4 : i32
    %scan3A_155 = arith.addi %scan3A_153, %scan3A_154 : i32
    %scan3A_156 = arith.constant 1 : i32
    %scan3A_157:2 = scf.for %scan3A_214 = %scan3A_153 to %scan3A_155 step %scan3A_156 iter_args(%scan3A_215 = %scan3A_133#0, %scan3A_216 = %scan3A_133#1) -> (vector<16xf32>, vector<16xf32>)  : i32 {
      %mul3A_217 = arith.constant 16 : i32
      %mul3A_218 = arith.muli %scan3A_214, %mul3A_217 : i32
      %add3A_219 = arith.constant 320 : i32
      %add3A_220 = arith.addi %add3A_219, %mul3A_218 : i32
      %get3A = arith.index_cast %add3A_220 : i32 to index
      %get3A_221 = tpu.vector_load %arg9[%get3A] {strides = array<i32>} : memref<512xi32, #tpu.memory_space<vmem>>, vector<16xi32>,
      %ge3A = arith.constant 0 : i32
      %ge3A_222 = vector.broadcast %ge3A : i32 to vector<16xi32>
      %ge3A_223 = arith.cmpi sge, %get3A_221, %ge3A_222 : vector<16xi32>
      %max3A = arith.constant 0 : i32
      %max3A_224 = vector.broadcast %max3A : i32 to vector<16xi32>
      %max3A_225 = arith.maxsi %get3A_221, %max3A_224 : vector<16xi32>
      %mul3A_226 = arith.constant 129 : i32
      %mul3A_227 = vector.broadcast %mul3A_226 : i32 to vector<16xi32>
      %mul3A_228 = arith.muli %max3A_225, %mul3A_227 : vector<16xi32>
      %mul3A_229 = arith.constant 16 : i32
      %mul3A_230 = arith.muli %scan3A_214, %mul3A_229 : i32
      %add3A_231 = vector.broadcast %mul3A_230 : i32 to vector<16xi32>
      %add3A_232 = arith.addi %iota3A, %add3A_231 : vector<16xi32>
      %parallel_loop3A_233 = arith.constant 0 : i32
      %parallel_loop3A_234 = arith.constant 128 : i32
      %parallel_loop3A_235 = arith.constant 1 : i32
      %parallel_loop3A_236:4 = scf.for %parallel_loop3A_328 = %parallel_loop3A_233 to %parallel_loop3A_234 step %parallel_loop3A_235 iter_args(%parallel_loop3A_329 = %broadcast_in_dim3A_16, %parallel_loop3A_330 = %broadcast_in_dim3A_16, %parallel_loop3A_331 = %broadcast_in_dim3A_16, %parallel_loop3A_332 = %broadcast_in_dim3A_16) -> (vector<16xf32>, vector<16xf32>, vector<16xf32>, vector<16xf32>)  : i32 {
        %parallel_loop3A_333 = vector.broadcast %parallel_loop3A_328 : i32 to vector<16xi32>
        %parallel_loop3A_334 = arith.addi %parallel_loop3A_333, %iota3A : vector<16xi32>
        %parallel_loop3A_335 = arith.constant 127 : i32
        %parallel_loop3A_336 = vector.broadcast %parallel_loop3A_335 : i32 to vector<16xi32>
        %parallel_loop3A_337 = arith.andi %parallel_loop3A_334, %parallel_loop3A_336 : vector<16xi32>
        %parallel_loop3A_338 = tpu.vector_load_idx %arg11[%add3A_232, %parallel_loop3A_337] : memref<64x128xf32, #tpu.memory_space<vmem>>[vector<16xi32>, vector<16xi32>], vector<16xf32>,
        %parallel_loop3A_339 = tpu.vector_load_idx %arg13[%add3A_232, %parallel_loop3A_337] : memref<64x128xf32, #tpu.memory_space<vmem>>[vector<16xi32>, vector<16xi32>], vector<16xf32>,
        %parallel_loop3A_340 = arith.addi %mul3A_228, %parallel_loop3A_337 : vector<16xi32>
        %parallel_loop3A_341 = tpu.vector_load_idx %arg8[%parallel_loop3A_340] : memref<12907xf32, #tpu.memory_space<vmem>>[vector<16xi32>], vector<16xf32>,
        %parallel_loop3A_342 = arith.mulf %parallel_loop3A_338, %parallel_loop3A_338 : vector<16xf32>
        %parallel_loop3A_343 = arith.addf %parallel_loop3A_329, %parallel_loop3A_342 : vector<16xf32>
        %parallel_loop3A_344 = arith.mulf %parallel_loop3A_339, %parallel_loop3A_339 : vector<16xf32>
        %parallel_loop3A_345 = arith.addf %parallel_loop3A_330, %parallel_loop3A_344 : vector<16xf32>
        %parallel_loop3A_346 = arith.mulf %parallel_loop3A_338, %parallel_loop3A_341 : vector<16xf32>
        %parallel_loop3A_347 = arith.addf %parallel_loop3A_331, %parallel_loop3A_346 : vector<16xf32>
        %parallel_loop3A_348 = arith.mulf %parallel_loop3A_339, %parallel_loop3A_341 : vector<16xf32>
        %parallel_loop3A_349 = arith.addf %parallel_loop3A_332, %parallel_loop3A_348 : vector<16xf32>
        scf.yield %parallel_loop3A_343, %parallel_loop3A_345, %parallel_loop3A_347, %parallel_loop3A_349 : vector<16xf32>, vector<16xf32>, vector<16xf32>, vector<16xf32>
      } {sc.loop_unroll_factor = 4 : i64, sc.parallel_access}
      %bitcast_convert_type3A = tpu.bitcast %parallel_loop3A_236#0 : vector<16xf32> -> vector<16xi32>
      %shift_right_logical3A = arith.constant 1 : i32
      %shift_right_logical3A_237 = vector.broadcast %shift_right_logical3A : i32 to vector<16xi32>
      %shift_right_logical3A_238 = arith.shrui %bitcast_convert_type3A, %shift_right_logical3A_237 : vector<16xi32>
      %sub3A = arith.constant 1597463007 : i32
      %sub3A_239 = vector.broadcast %sub3A : i32 to vector<16xi32>
      %sub3A_240 = arith.subi %sub3A_239, %shift_right_logical3A_238 : vector<16xi32>
      %bitcast_convert_type3A_241 = tpu.bitcast %sub3A_240 : vector<16xi32> -> vector<16xf32>
      %mul3A_242 = arith.constant 5.000000e-01 : f32
      %mul3A_243 = vector.broadcast %mul3A_242 : f32 to vector<16xf32>
      %mul3A_244 = arith.mulf %mul3A_243, %parallel_loop3A_236#0 : vector<16xf32>
      %mul3A_245 = arith.mulf %mul3A_244, %bitcast_convert_type3A_241 : vector<16xf32>
      %mul3A_246 = arith.mulf %mul3A_245, %bitcast_convert_type3A_241 : vector<16xf32>
      %sub3A_247 = arith.constant 1.500000e+00 : f32
      %sub3A_248 = vector.broadcast %sub3A_247 : f32 to vector<16xf32>
      %sub3A_249 = arith.subf %sub3A_248, %mul3A_246 : vector<16xf32>
      %mul3A_250 = arith.mulf %bitcast_convert_type3A_241, %sub3A_249 : vector<16xf32>
      %mul3A_251 = arith.constant 5.000000e-01 : f32
      %mul3A_252 = vector.broadcast %mul3A_251 : f32 to vector<16xf32>
      %mul3A_253 = arith.mulf %mul3A_252, %parallel_loop3A_236#0 : vector<16xf32>
      %mul3A_254 = arith.mulf %mul3A_253, %mul3A_250 : vector<16xf32>
      %mul3A_255 = arith.mulf %mul3A_254, %mul3A_250 : vector<16xf32>
      %sub3A_256 = arith.constant 1.500000e+00 : f32
      %sub3A_257 = vector.broadcast %sub3A_256 : f32 to vector<16xf32>
      %sub3A_258 = arith.subf %sub3A_257, %mul3A_255 : vector<16xf32>
      %mul3A_259 = arith.mulf %mul3A_250, %sub3A_258 : vector<16xf32>
      %mul3A_260 = arith.constant 5.000000e-01 : f32
      %mul3A_261 = vector.broadcast %mul3A_260 : f32 to vector<16xf32>
      %mul3A_262 = arith.mulf %mul3A_261, %parallel_loop3A_236#0 : vector<16xf32>
      %mul3A_263 = arith.mulf %mul3A_262, %mul3A_259 : vector<16xf32>
      %mul3A_264 = arith.mulf %mul3A_263, %mul3A_259 : vector<16xf32>
      %sub3A_265 = arith.constant 1.500000e+00 : f32
      %sub3A_266 = vector.broadcast %sub3A_265 : f32 to vector<16xf32>
      %sub3A_267 = arith.subf %sub3A_266, %mul3A_264 : vector<16xf32>
      %mul3A_268 = arith.mulf %mul3A_259, %sub3A_267 : vector<16xf32>
      %min3A = arith.constant 9.99999995E+11 : f32
      %min3A_269 = vector.broadcast %min3A : f32 to vector<16xf32>
      %min3A_270 = arith.minimumf %mul3A_268, %min3A_269 : vector<16xf32>
      %bitcast_convert_type3A_271 = tpu.bitcast %parallel_loop3A_236#1 : vector<16xf32> -> vector<16xi32>
      %shift_right_logical3A_272 = arith.constant 1 : i32
      %shift_right_logical3A_273 = vector.broadcast %shift_right_logical3A_272 : i32 to vector<16xi32>
      %shift_right_logical3A_274 = arith.shrui %bitcast_convert_type3A_271, %shift_right_logical3A_273 : vector<16xi32>
      %sub3A_275 = arith.constant 1597463007 : i32
      %sub3A_276 = vector.broadcast %sub3A_275 : i32 to vector<16xi32>
      %sub3A_277 = arith.subi %sub3A_276, %shift_right_logical3A_274 : vector<16xi32>
      %bitcast_convert_type3A_278 = tpu.bitcast %sub3A_277 : vector<16xi32> -> vector<16xf32>
      %mul3A_279 = arith.constant 5.000000e-01 : f32
      %mul3A_280 = vector.broadcast %mul3A_279 : f32 to vector<16xf32>
      %mul3A_281 = arith.mulf %mul3A_280, %parallel_loop3A_236#1 : vector<16xf32>
      %mul3A_282 = arith.mulf %mul3A_281, %bitcast_convert_type3A_278 : vector<16xf32>
      %mul3A_283 = arith.mulf %mul3A_282, %bitcast_convert_type3A_278 : vector<16xf32>
      %sub3A_284 = arith.constant 1.500000e+00 : f32
      %sub3A_285 = vector.broadcast %sub3A_284 : f32 to vector<16xf32>
      %sub3A_286 = arith.subf %sub3A_285, %mul3A_283 : vector<16xf32>
      %mul3A_287 = arith.mulf %bitcast_convert_type3A_278, %sub3A_286 : vector<16xf32>
      %mul3A_288 = arith.constant 5.000000e-01 : f32
      %mul3A_289 = vector.broadcast %mul3A_288 : f32 to vector<16xf32>
      %mul3A_290 = arith.mulf %mul3A_289, %parallel_loop3A_236#1 : vector<16xf32>
      %mul3A_291 = arith.mulf %mul3A_290, %mul3A_287 : vector<16xf32>
      %mul3A_292 = arith.mulf %mul3A_291, %mul3A_287 : vector<16xf32>
      %sub3A_293 = arith.constant 1.500000e+00 : f32
      %sub3A_294 = vector.broadcast %sub3A_293 : f32 to vector<16xf32>
      %sub3A_295 = arith.subf %sub3A_294, %mul3A_292 : vector<16xf32>
      %mul3A_296 = arith.mulf %mul3A_287, %sub3A_295 : vector<16xf32>
      %mul3A_297 = arith.constant 5.000000e-01 : f32
      %mul3A_298 = vector.broadcast %mul3A_297 : f32 to vector<16xf32>
      %mul3A_299 = arith.mulf %mul3A_298, %parallel_loop3A_236#1 : vector<16xf32>
      %mul3A_300 = arith.mulf %mul3A_299, %mul3A_296 : vector<16xf32>
      %mul3A_301 = arith.mulf %mul3A_300, %mul3A_296 : vector<16xf32>
      %sub3A_302 = arith.constant 1.500000e+00 : f32
      %sub3A_303 = vector.broadcast %sub3A_302 : f32 to vector<16xf32>
      %sub3A_304 = arith.subf %sub3A_303, %mul3A_301 : vector<16xf32>
      %mul3A_305 = arith.mulf %mul3A_296, %sub3A_304 : vector<16xf32>
      %min3A_306 = arith.constant 9.99999995E+11 : f32
      %min3A_307 = vector.broadcast %min3A_306 : f32 to vector<16xf32>
      %min3A_308 = arith.minimumf %mul3A_305, %min3A_307 : vector<16xf32>
      %mul3A_309 = arith.mulf %parallel_loop3A_236#2, %min3A_270 : vector<16xf32>
      %mul3A_310 = arith.mulf %parallel_loop3A_236#3, %min3A_308 : vector<16xf32>
      %add3A_311 = arith.addf %mul3A_309, %mul3A_310 : vector<16xf32>
      %mul3A_312 = arith.constant 5.000000e-01 : f32
      %mul3A_313 = vector.broadcast %mul3A_312 : f32 to vector<16xf32>
      %mul3A_314 = arith.mulf %mul3A_313, %add3A_311 : vector<16xf32>
      %sub3A_315 = arith.constant 1.000000e+00 : f32
      %sub3A_316 = vector.broadcast %sub3A_315 : f32 to vector<16xf32>
      %sub3A_317 = arith.subf %sub3A_316, %mul3A_314 : vector<16xf32>
      %jit3A_318 = arith.constant 0.000000e+00 : f32
      %broadcast_in_dim3A_319 = vector.broadcast %jit3A_318 : f32 to vector<16xf32>
      %select_n3A_320 = arith.select %ge3A_223, %sub3A_317, %broadcast_in_dim3A_319 : vector<16xi1>, vector<16xf32>
      %add3A_321 = arith.addf %scan3A_215, %select_n3A_320 : vector<16xf32>
      %jit3A_322 = arith.constant 1.000000e+00 : f32
      %jit3A_323 = arith.constant 0.000000e+00 : f32
      %broadcast_in_dim3A_324 = vector.broadcast %jit3A_322 : f32 to vector<16xf32>
      %broadcast_in_dim3A_325 = vector.broadcast %jit3A_323 : f32 to vector<16xf32>
      %select_n3A_326 = arith.select %ge3A_223, %broadcast_in_dim3A_324, %broadcast_in_dim3A_325 : vector<16xi1>, vector<16xf32>
      %add3A_327 = arith.addf %scan3A_216, %select_n3A_326 : vector<16xf32>
      scf.yield %add3A_321, %add3A_327 : vector<16xf32>, vector<16xf32>
    }
    %scan3A_158 = arith.constant 4 : i32
    %add3A_159 = arith.constant 448 : i32
    %add3A_160 = arith.addi %mul3A_2, %add3A_159 : i32
    %dma_start3A_161 = arith.constant 0 : i32
    %dma_start3A_162 = tpu.memref_slice %arg2[%add3A_160, %dma_start3A_161] : memref<16384x128xf32, #tpu.memory_space<hbm>> -> memref<64x128xf32, #tpu.memory_space<hbm>>
    %dma_start3A_163 = arith.constant 0 : i32
    %dma_start3A_164 = tpu.memref_slice %arg2[%add3A_160, %dma_start3A_163] : memref<16384x128xf32, #tpu.memory_space<hbm>> -> memref<64x128xf32, #tpu.memory_space<hbm>>
    tpu.enqueue_dma source(%dma_start3A_164 : memref<64x128xf32, #tpu.memory_space<hbm>>) target(%arg11 : memref<64x128xf32, #tpu.memory_space<vmem>>) target_semaphore(%arg16 : memref<!tpu.dma_semaphore, #tpu.memory_space<semaphore_mem>>)
    %dma_start3A_165 = arith.constant 0 : i32
    %dma_start3A_166 = tpu.memref_slice %arg3[%add3A_160, %dma_start3A_165] : memref<16384x128xf32, #tpu.memory_space<hbm>> -> memref<64x128xf32, #tpu.memory_space<hbm>>
    %dma_start3A_167 = arith.constant 0 : i32
    %dma_start3A_168 = tpu.memref_slice %arg3[%add3A_160, %dma_start3A_167] : memref<16384x128xf32, #tpu.memory_space<hbm>> -> memref<64x128xf32, #tpu.memory_space<hbm>>
    tpu.enqueue_dma source(%dma_start3A_168 : memref<64x128xf32, #tpu.memory_space<hbm>>) target(%arg13 : memref<64x128xf32, #tpu.memory_space<vmem>>) target_semaphore(%arg16 : memref<!tpu.dma_semaphore, #tpu.memory_space<semaphore_mem>>)
    %dma_wait3A_169 = arith.constant 0 : i32
    %dma_wait3A_170 = tpu.memref_slice %arg2[%add3A_136, %dma_wait3A_169] : memref<16384x128xf32, #tpu.memory_space<hbm>> -> memref<64x128xf32, #tpu.memory_space<hbm>>
    %dma_wait3A_171 = arith.constant 0 : i32
    %dma_wait3A_172 = tpu.memref_slice %arg2[%add3A_136, %dma_wait3A_171] : memref<16384x128xf32, #tpu.memory_space<hbm>> -> memref<64x128xf32, #tpu.memory_space<hbm>>
    tpu.wait_dma2 semaphore(%arg15 : memref<!tpu.dma_semaphore, #tpu.memory_space<semaphore_mem>>) src(%dma_wait3A_172 : memref<64x128xf32, #tpu.memory_space<hbm>>) dst(%arg10 : memref<64x128xf32, #tpu.memory_space<vmem>>)
    %dma_wait3A_173 = arith.constant 0 : i32
    %dma_wait3A_174 = tpu.memref_slice %arg3[%add3A_136, %dma_wait3A_173] : memref<16384x128xf32, #tpu.memory_space<hbm>> -> memref<64x128xf32, #tpu.memory_space<hbm>>
    %dma_wait3A_175 = arith.constant 0 : i32
    %dma_wait3A_176 = tpu.memref_slice %arg3[%add3A_136, %dma_wait3A_175] : memref<16384x128xf32, #tpu.memory_space<hbm>> -> memref<64x128xf32, #tpu.memory_space<hbm>>
    tpu.wait_dma2 semaphore(%arg15 : memref<!tpu.dma_semaphore, #tpu.memory_space<semaphore_mem>>) src(%dma_wait3A_176 : memref<64x128xf32, #tpu.memory_space<hbm>>) dst(%arg12 : memref<64x128xf32, #tpu.memory_space<vmem>>)
    %scan3A_177 = arith.constant 0 : i32
    %scan3A_178 = arith.constant 4 : i32
    %scan3A_179 = arith.addi %scan3A_177, %scan3A_178 : i32
    %scan3A_180 = arith.constant 1 : i32
    %scan3A_181:2 = scf.for %scan3A_214 = %scan3A_177 to %scan3A_179 step %scan3A_180 iter_args(%scan3A_215 = %scan3A_157#0, %scan3A_216 = %scan3A_157#1) -> (vector<16xf32>, vector<16xf32>)  : i32 {
      %mul3A_217 = arith.constant 16 : i32
      %mul3A_218 = arith.muli %scan3A_214, %mul3A_217 : i32
      %add3A_219 = arith.constant 384 : i32
      %add3A_220 = arith.addi %add3A_219, %mul3A_218 : i32
      %get3A = arith.index_cast %add3A_220 : i32 to index
      %get3A_221 = tpu.vector_load %arg9[%get3A] {strides = array<i32>} : memref<512xi32, #tpu.memory_space<vmem>>, vector<16xi32>,
      %ge3A = arith.constant 0 : i32
      %ge3A_222 = vector.broadcast %ge3A : i32 to vector<16xi32>
      %ge3A_223 = arith.cmpi sge, %get3A_221, %ge3A_222 : vector<16xi32>
      %max3A = arith.constant 0 : i32
      %max3A_224 = vector.broadcast %max3A : i32 to vector<16xi32>
      %max3A_225 = arith.maxsi %get3A_221, %max3A_224 : vector<16xi32>
      %mul3A_226 = arith.constant 129 : i32
      %mul3A_227 = vector.broadcast %mul3A_226 : i32 to vector<16xi32>
      %mul3A_228 = arith.muli %max3A_225, %mul3A_227 : vector<16xi32>
      %mul3A_229 = arith.constant 16 : i32
      %mul3A_230 = arith.muli %scan3A_214, %mul3A_229 : i32
      %add3A_231 = vector.broadcast %mul3A_230 : i32 to vector<16xi32>
      %add3A_232 = arith.addi %iota3A, %add3A_231 : vector<16xi32>
      %parallel_loop3A_233 = arith.constant 0 : i32
      %parallel_loop3A_234 = arith.constant 128 : i32
      %parallel_loop3A_235 = arith.constant 1 : i32
      %parallel_loop3A_236:4 = scf.for %parallel_loop3A_328 = %parallel_loop3A_233 to %parallel_loop3A_234 step %parallel_loop3A_235 iter_args(%parallel_loop3A_329 = %broadcast_in_dim3A_16, %parallel_loop3A_330 = %broadcast_in_dim3A_16, %parallel_loop3A_331 = %broadcast_in_dim3A_16, %parallel_loop3A_332 = %broadcast_in_dim3A_16) -> (vector<16xf32>, vector<16xf32>, vector<16xf32>, vector<16xf32>)  : i32 {
        %parallel_loop3A_333 = vector.broadcast %parallel_loop3A_328 : i32 to vector<16xi32>
        %parallel_loop3A_334 = arith.addi %parallel_loop3A_333, %iota3A : vector<16xi32>
        %parallel_loop3A_335 = arith.constant 127 : i32
        %parallel_loop3A_336 = vector.broadcast %parallel_loop3A_335 : i32 to vector<16xi32>
        %parallel_loop3A_337 = arith.andi %parallel_loop3A_334, %parallel_loop3A_336 : vector<16xi32>
        %parallel_loop3A_338 = tpu.vector_load_idx %arg10[%add3A_232, %parallel_loop3A_337] : memref<64x128xf32, #tpu.memory_space<vmem>>[vector<16xi32>, vector<16xi32>], vector<16xf32>,
        %parallel_loop3A_339 = tpu.vector_load_idx %arg12[%add3A_232, %parallel_loop3A_337] : memref<64x128xf32, #tpu.memory_space<vmem>>[vector<16xi32>, vector<16xi32>], vector<16xf32>,
        %parallel_loop3A_340 = arith.addi %mul3A_228, %parallel_loop3A_337 : vector<16xi32>
        %parallel_loop3A_341 = tpu.vector_load_idx %arg8[%parallel_loop3A_340] : memref<12907xf32, #tpu.memory_space<vmem>>[vector<16xi32>], vector<16xf32>,
        %parallel_loop3A_342 = arith.mulf %parallel_loop3A_338, %parallel_loop3A_338 : vector<16xf32>
        %parallel_loop3A_343 = arith.addf %parallel_loop3A_329, %parallel_loop3A_342 : vector<16xf32>
        %parallel_loop3A_344 = arith.mulf %parallel_loop3A_339, %parallel_loop3A_339 : vector<16xf32>
        %parallel_loop3A_345 = arith.addf %parallel_loop3A_330, %parallel_loop3A_344 : vector<16xf32>
        %parallel_loop3A_346 = arith.mulf %parallel_loop3A_338, %parallel_loop3A_341 : vector<16xf32>
        %parallel_loop3A_347 = arith.addf %parallel_loop3A_331, %parallel_loop3A_346 : vector<16xf32>
        %parallel_loop3A_348 = arith.mulf %parallel_loop3A_339, %parallel_loop3A_341 : vector<16xf32>
        %parallel_loop3A_349 = arith.addf %parallel_loop3A_332, %parallel_loop3A_348 : vector<16xf32>
        scf.yield %parallel_loop3A_343, %parallel_loop3A_345, %parallel_loop3A_347, %parallel_loop3A_349 : vector<16xf32>, vector<16xf32>, vector<16xf32>, vector<16xf32>
      } {sc.loop_unroll_factor = 4 : i64, sc.parallel_access}
      %bitcast_convert_type3A = tpu.bitcast %parallel_loop3A_236#0 : vector<16xf32> -> vector<16xi32>
      %shift_right_logical3A = arith.constant 1 : i32
      %shift_right_logical3A_237 = vector.broadcast %shift_right_logical3A : i32 to vector<16xi32>
      %shift_right_logical3A_238 = arith.shrui %bitcast_convert_type3A, %shift_right_logical3A_237 : vector<16xi32>
      %sub3A = arith.constant 1597463007 : i32
      %sub3A_239 = vector.broadcast %sub3A : i32 to vector<16xi32>
      %sub3A_240 = arith.subi %sub3A_239, %shift_right_logical3A_238 : vector<16xi32>
      %bitcast_convert_type3A_241 = tpu.bitcast %sub3A_240 : vector<16xi32> -> vector<16xf32>
      %mul3A_242 = arith.constant 5.000000e-01 : f32
      %mul3A_243 = vector.broadcast %mul3A_242 : f32 to vector<16xf32>
      %mul3A_244 = arith.mulf %mul3A_243, %parallel_loop3A_236#0 : vector<16xf32>
      %mul3A_245 = arith.mulf %mul3A_244, %bitcast_convert_type3A_241 : vector<16xf32>
      %mul3A_246 = arith.mulf %mul3A_245, %bitcast_convert_type3A_241 : vector<16xf32>
      %sub3A_247 = arith.constant 1.500000e+00 : f32
      %sub3A_248 = vector.broadcast %sub3A_247 : f32 to vector<16xf32>
      %sub3A_249 = arith.subf %sub3A_248, %mul3A_246 : vector<16xf32>
      %mul3A_250 = arith.mulf %bitcast_convert_type3A_241, %sub3A_249 : vector<16xf32>
      %mul3A_251 = arith.constant 5.000000e-01 : f32
      %mul3A_252 = vector.broadcast %mul3A_251 : f32 to vector<16xf32>
      %mul3A_253 = arith.mulf %mul3A_252, %parallel_loop3A_236#0 : vector<16xf32>
      %mul3A_254 = arith.mulf %mul3A_253, %mul3A_250 : vector<16xf32>
      %mul3A_255 = arith.mulf %mul3A_254, %mul3A_250 : vector<16xf32>
      %sub3A_256 = arith.constant 1.500000e+00 : f32
      %sub3A_257 = vector.broadcast %sub3A_256 : f32 to vector<16xf32>
      %sub3A_258 = arith.subf %sub3A_257, %mul3A_255 : vector<16xf32>
      %mul3A_259 = arith.mulf %mul3A_250, %sub3A_258 : vector<16xf32>
      %mul3A_260 = arith.constant 5.000000e-01 : f32
      %mul3A_261 = vector.broadcast %mul3A_260 : f32 to vector<16xf32>
      %mul3A_262 = arith.mulf %mul3A_261, %parallel_loop3A_236#0 : vector<16xf32>
      %mul3A_263 = arith.mulf %mul3A_262, %mul3A_259 : vector<16xf32>
      %mul3A_264 = arith.mulf %mul3A_263, %mul3A_259 : vector<16xf32>
      %sub3A_265 = arith.constant 1.500000e+00 : f32
      %sub3A_266 = vector.broadcast %sub3A_265 : f32 to vector<16xf32>
      %sub3A_267 = arith.subf %sub3A_266, %mul3A_264 : vector<16xf32>
      %mul3A_268 = arith.mulf %mul3A_259, %sub3A_267 : vector<16xf32>
      %min3A = arith.constant 9.99999995E+11 : f32
      %min3A_269 = vector.broadcast %min3A : f32 to vector<16xf32>
      %min3A_270 = arith.minimumf %mul3A_268, %min3A_269 : vector<16xf32>
      %bitcast_convert_type3A_271 = tpu.bitcast %parallel_loop3A_236#1 : vector<16xf32> -> vector<16xi32>
      %shift_right_logical3A_272 = arith.constant 1 : i32
      %shift_right_logical3A_273 = vector.broadcast %shift_right_logical3A_272 : i32 to vector<16xi32>
      %shift_right_logical3A_274 = arith.shrui %bitcast_convert_type3A_271, %shift_right_logical3A_273 : vector<16xi32>
      %sub3A_275 = arith.constant 1597463007 : i32
      %sub3A_276 = vector.broadcast %sub3A_275 : i32 to vector<16xi32>
      %sub3A_277 = arith.subi %sub3A_276, %shift_right_logical3A_274 : vector<16xi32>
      %bitcast_convert_type3A_278 = tpu.bitcast %sub3A_277 : vector<16xi32> -> vector<16xf32>
      %mul3A_279 = arith.constant 5.000000e-01 : f32
      %mul3A_280 = vector.broadcast %mul3A_279 : f32 to vector<16xf32>
      %mul3A_281 = arith.mulf %mul3A_280, %parallel_loop3A_236#1 : vector<16xf32>
      %mul3A_282 = arith.mulf %mul3A_281, %bitcast_convert_type3A_278 : vector<16xf32>
      %mul3A_283 = arith.mulf %mul3A_282, %bitcast_convert_type3A_278 : vector<16xf32>
      %sub3A_284 = arith.constant 1.500000e+00 : f32
      %sub3A_285 = vector.broadcast %sub3A_284 : f32 to vector<16xf32>
      %sub3A_286 = arith.subf %sub3A_285, %mul3A_283 : vector<16xf32>
      %mul3A_287 = arith.mulf %bitcast_convert_type3A_278, %sub3A_286 : vector<16xf32>
      %mul3A_288 = arith.constant 5.000000e-01 : f32
      %mul3A_289 = vector.broadcast %mul3A_288 : f32 to vector<16xf32>
      %mul3A_290 = arith.mulf %mul3A_289, %parallel_loop3A_236#1 : vector<16xf32>
      %mul3A_291 = arith.mulf %mul3A_290, %mul3A_287 : vector<16xf32>
      %mul3A_292 = arith.mulf %mul3A_291, %mul3A_287 : vector<16xf32>
      %sub3A_293 = arith.constant 1.500000e+00 : f32
      %sub3A_294 = vector.broadcast %sub3A_293 : f32 to vector<16xf32>
      %sub3A_295 = arith.subf %sub3A_294, %mul3A_292 : vector<16xf32>
      %mul3A_296 = arith.mulf %mul3A_287, %sub3A_295 : vector<16xf32>
      %mul3A_297 = arith.constant 5.000000e-01 : f32
      %mul3A_298 = vector.broadcast %mul3A_297 : f32 to vector<16xf32>
      %mul3A_299 = arith.mulf %mul3A_298, %parallel_loop3A_236#1 : vector<16xf32>
      %mul3A_300 = arith.mulf %mul3A_299, %mul3A_296 : vector<16xf32>
      %mul3A_301 = arith.mulf %mul3A_300, %mul3A_296 : vector<16xf32>
      %sub3A_302 = arith.constant 1.500000e+00 : f32
      %sub3A_303 = vector.broadcast %sub3A_302 : f32 to vector<16xf32>
      %sub3A_304 = arith.subf %sub3A_303, %mul3A_301 : vector<16xf32>
      %mul3A_305 = arith.mulf %mul3A_296, %sub3A_304 : vector<16xf32>
      %min3A_306 = arith.constant 9.99999995E+11 : f32
      %min3A_307 = vector.broadcast %min3A_306 : f32 to vector<16xf32>
      %min3A_308 = arith.minimumf %mul3A_305, %min3A_307 : vector<16xf32>
      %mul3A_309 = arith.mulf %parallel_loop3A_236#2, %min3A_270 : vector<16xf32>
      %mul3A_310 = arith.mulf %parallel_loop3A_236#3, %min3A_308 : vector<16xf32>
      %add3A_311 = arith.addf %mul3A_309, %mul3A_310 : vector<16xf32>
      %mul3A_312 = arith.constant 5.000000e-01 : f32
      %mul3A_313 = vector.broadcast %mul3A_312 : f32 to vector<16xf32>
      %mul3A_314 = arith.mulf %mul3A_313, %add3A_311 : vector<16xf32>
      %sub3A_315 = arith.constant 1.000000e+00 : f32
      %sub3A_316 = vector.broadcast %sub3A_315 : f32 to vector<16xf32>
      %sub3A_317 = arith.subf %sub3A_316, %mul3A_314 : vector<16xf32>
      %jit3A_318 = arith.constant 0.000000e+00 : f32
      %broadcast_in_dim3A_319 = vector.broadcast %jit3A_318 : f32 to vector<16xf32>
      %select_n3A_320 = arith.select %ge3A_223, %sub3A_317, %broadcast_in_dim3A_319 : vector<16xi1>, vector<16xf32>
      %add3A_321 = arith.addf %scan3A_215, %select_n3A_320 : vector<16xf32>
      %jit3A_322 = arith.constant 1.000000e+00 : f32
      %jit3A_323 = arith.constant 0.000000e+00 : f32
      %broadcast_in_dim3A_324 = vector.broadcast %jit3A_322 : f32 to vector<16xf32>
      %broadcast_in_dim3A_325 = vector.broadcast %jit3A_323 : f32 to vector<16xf32>
      %select_n3A_326 = arith.select %ge3A_223, %broadcast_in_dim3A_324, %broadcast_in_dim3A_325 : vector<16xi1>, vector<16xf32>
      %add3A_327 = arith.addf %scan3A_216, %select_n3A_326 : vector<16xf32>
      scf.yield %add3A_321, %add3A_327 : vector<16xf32>, vector<16xf32>
    }
    %scan3A_182 = arith.constant 4 : i32
    %dma_wait3A_183 = arith.constant 0 : i32
    %dma_wait3A_184 = tpu.memref_slice %arg2[%add3A_160, %dma_wait3A_183] : memref<16384x128xf32, #tpu.memory_space<hbm>> -> memref<64x128xf32, #tpu.memory_space<hbm>>
    %dma_wait3A_185 = arith.constant 0 : i32
    %dma_wait3A_186 = tpu.memref_slice %arg2[%add3A_160, %dma_wait3A_185] : memref<16384x128xf32, #tpu.memory_space<hbm>> -> memref<64x128xf32, #tpu.memory_space<hbm>>
    tpu.wait_dma2 semaphore(%arg16 : memref<!tpu.dma_semaphore, #tpu.memory_space<semaphore_mem>>) src(%dma_wait3A_186 : memref<64x128xf32, #tpu.memory_space<hbm>>) dst(%arg11 : memref<64x128xf32, #tpu.memory_space<vmem>>)
    %dma_wait3A_187 = arith.constant 0 : i32
    %dma_wait3A_188 = tpu.memref_slice %arg3[%add3A_160, %dma_wait3A_187] : memref<16384x128xf32, #tpu.memory_space<hbm>> -> memref<64x128xf32, #tpu.memory_space<hbm>>
    %dma_wait3A_189 = arith.constant 0 : i32
    %dma_wait3A_190 = tpu.memref_slice %arg3[%add3A_160, %dma_wait3A_189] : memref<16384x128xf32, #tpu.memory_space<hbm>> -> memref<64x128xf32, #tpu.memory_space<hbm>>
    tpu.wait_dma2 semaphore(%arg16 : memref<!tpu.dma_semaphore, #tpu.memory_space<semaphore_mem>>) src(%dma_wait3A_190 : memref<64x128xf32, #tpu.memory_space<hbm>>) dst(%arg13 : memref<64x128xf32, #tpu.memory_space<vmem>>)
    %scan3A_191 = arith.constant 0 : i32
    %scan3A_192 = arith.constant 4 : i32
    %scan3A_193 = arith.addi %scan3A_191, %scan3A_192 : i32
    %scan3A_194 = arith.constant 1 : i32
    %scan3A_195:2 = scf.for %scan3A_214 = %scan3A_191 to %scan3A_193 step %scan3A_194 iter_args(%scan3A_215 = %scan3A_181#0, %scan3A_216 = %scan3A_181#1) -> (vector<16xf32>, vector<16xf32>)  : i32 {
      %mul3A_217 = arith.constant 16 : i32
      %mul3A_218 = arith.muli %scan3A_214, %mul3A_217 : i32
      %add3A_219 = arith.constant 448 : i32
      %add3A_220 = arith.addi %add3A_219, %mul3A_218 : i32
      %get3A = arith.index_cast %add3A_220 : i32 to index
      %get3A_221 = tpu.vector_load %arg9[%get3A] {strides = array<i32>} : memref<512xi32, #tpu.memory_space<vmem>>, vector<16xi32>,
      %ge3A = arith.constant 0 : i32
      %ge3A_222 = vector.broadcast %ge3A : i32 to vector<16xi32>
      %ge3A_223 = arith.cmpi sge, %get3A_221, %ge3A_222 : vector<16xi32>
      %max3A = arith.constant 0 : i32
      %max3A_224 = vector.broadcast %max3A : i32 to vector<16xi32>
      %max3A_225 = arith.maxsi %get3A_221, %max3A_224 : vector<16xi32>
      %mul3A_226 = arith.constant 129 : i32
      %mul3A_227 = vector.broadcast %mul3A_226 : i32 to vector<16xi32>
      %mul3A_228 = arith.muli %max3A_225, %mul3A_227 : vector<16xi32>
      %mul3A_229 = arith.constant 16 : i32
      %mul3A_230 = arith.muli %scan3A_214, %mul3A_229 : i32
      %add3A_231 = vector.broadcast %mul3A_230 : i32 to vector<16xi32>
      %add3A_232 = arith.addi %iota3A, %add3A_231 : vector<16xi32>
      %parallel_loop3A_233 = arith.constant 0 : i32
      %parallel_loop3A_234 = arith.constant 128 : i32
      %parallel_loop3A_235 = arith.constant 1 : i32
      %parallel_loop3A_236:4 = scf.for %parallel_loop3A_328 = %parallel_loop3A_233 to %parallel_loop3A_234 step %parallel_loop3A_235 iter_args(%parallel_loop3A_329 = %broadcast_in_dim3A_16, %parallel_loop3A_330 = %broadcast_in_dim3A_16, %parallel_loop3A_331 = %broadcast_in_dim3A_16, %parallel_loop3A_332 = %broadcast_in_dim3A_16) -> (vector<16xf32>, vector<16xf32>, vector<16xf32>, vector<16xf32>)  : i32 {
        %parallel_loop3A_333 = vector.broadcast %parallel_loop3A_328 : i32 to vector<16xi32>
        %parallel_loop3A_334 = arith.addi %parallel_loop3A_333, %iota3A : vector<16xi32>
        %parallel_loop3A_335 = arith.constant 127 : i32
        %parallel_loop3A_336 = vector.broadcast %parallel_loop3A_335 : i32 to vector<16xi32>
        %parallel_loop3A_337 = arith.andi %parallel_loop3A_334, %parallel_loop3A_336 : vector<16xi32>
        %parallel_loop3A_338 = tpu.vector_load_idx %arg11[%add3A_232, %parallel_loop3A_337] : memref<64x128xf32, #tpu.memory_space<vmem>>[vector<16xi32>, vector<16xi32>], vector<16xf32>,
        %parallel_loop3A_339 = tpu.vector_load_idx %arg13[%add3A_232, %parallel_loop3A_337] : memref<64x128xf32, #tpu.memory_space<vmem>>[vector<16xi32>, vector<16xi32>], vector<16xf32>,
        %parallel_loop3A_340 = arith.addi %mul3A_228, %parallel_loop3A_337 : vector<16xi32>
        %parallel_loop3A_341 = tpu.vector_load_idx %arg8[%parallel_loop3A_340] : memref<12907xf32, #tpu.memory_space<vmem>>[vector<16xi32>], vector<16xf32>,
        %parallel_loop3A_342 = arith.mulf %parallel_loop3A_338, %parallel_loop3A_338 : vector<16xf32>
        %parallel_loop3A_343 = arith.addf %parallel_loop3A_329, %parallel_loop3A_342 : vector<16xf32>
        %parallel_loop3A_344 = arith.mulf %parallel_loop3A_339, %parallel_loop3A_339 : vector<16xf32>
        %parallel_loop3A_345 = arith.addf %parallel_loop3A_330, %parallel_loop3A_344 : vector<16xf32>
        %parallel_loop3A_346 = arith.mulf %parallel_loop3A_338, %parallel_loop3A_341 : vector<16xf32>
        %parallel_loop3A_347 = arith.addf %parallel_loop3A_331, %parallel_loop3A_346 : vector<16xf32>
        %parallel_loop3A_348 = arith.mulf %parallel_loop3A_339, %parallel_loop3A_341 : vector<16xf32>
        %parallel_loop3A_349 = arith.addf %parallel_loop3A_332, %parallel_loop3A_348 : vector<16xf32>
        scf.yield %parallel_loop3A_343, %parallel_loop3A_345, %parallel_loop3A_347, %parallel_loop3A_349 : vector<16xf32>, vector<16xf32>, vector<16xf32>, vector<16xf32>
      } {sc.loop_unroll_factor = 4 : i64, sc.parallel_access}
      %bitcast_convert_type3A = tpu.bitcast %parallel_loop3A_236#0 : vector<16xf32> -> vector<16xi32>
      %shift_right_logical3A = arith.constant 1 : i32
      %shift_right_logical3A_237 = vector.broadcast %shift_right_logical3A : i32 to vector<16xi32>
      %shift_right_logical3A_238 = arith.shrui %bitcast_convert_type3A, %shift_right_logical3A_237 : vector<16xi32>
      %sub3A = arith.constant 1597463007 : i32
      %sub3A_239 = vector.broadcast %sub3A : i32 to vector<16xi32>
      %sub3A_240 = arith.subi %sub3A_239, %shift_right_logical3A_238 : vector<16xi32>
      %bitcast_convert_type3A_241 = tpu.bitcast %sub3A_240 : vector<16xi32> -> vector<16xf32>
      %mul3A_242 = arith.constant 5.000000e-01 : f32
      %mul3A_243 = vector.broadcast %mul3A_242 : f32 to vector<16xf32>
      %mul3A_244 = arith.mulf %mul3A_243, %parallel_loop3A_236#0 : vector<16xf32>
      %mul3A_245 = arith.mulf %mul3A_244, %bitcast_convert_type3A_241 : vector<16xf32>
      %mul3A_246 = arith.mulf %mul3A_245, %bitcast_convert_type3A_241 : vector<16xf32>
      %sub3A_247 = arith.constant 1.500000e+00 : f32
      %sub3A_248 = vector.broadcast %sub3A_247 : f32 to vector<16xf32>
      %sub3A_249 = arith.subf %sub3A_248, %mul3A_246 : vector<16xf32>
      %mul3A_250 = arith.mulf %bitcast_convert_type3A_241, %sub3A_249 : vector<16xf32>
      %mul3A_251 = arith.constant 5.000000e-01 : f32
      %mul3A_252 = vector.broadcast %mul3A_251 : f32 to vector<16xf32>
      %mul3A_253 = arith.mulf %mul3A_252, %parallel_loop3A_236#0 : vector<16xf32>
      %mul3A_254 = arith.mulf %mul3A_253, %mul3A_250 : vector<16xf32>
      %mul3A_255 = arith.mulf %mul3A_254, %mul3A_250 : vector<16xf32>
      %sub3A_256 = arith.constant 1.500000e+00 : f32
      %sub3A_257 = vector.broadcast %sub3A_256 : f32 to vector<16xf32>
      %sub3A_258 = arith.subf %sub3A_257, %mul3A_255 : vector<16xf32>
      %mul3A_259 = arith.mulf %mul3A_250, %sub3A_258 : vector<16xf32>
      %mul3A_260 = arith.constant 5.000000e-01 : f32
      %mul3A_261 = vector.broadcast %mul3A_260 : f32 to vector<16xf32>
      %mul3A_262 = arith.mulf %mul3A_261, %parallel_loop3A_236#0 : vector<16xf32>
      %mul3A_263 = arith.mulf %mul3A_262, %mul3A_259 : vector<16xf32>
      %mul3A_264 = arith.mulf %mul3A_263, %mul3A_259 : vector<16xf32>
      %sub3A_265 = arith.constant 1.500000e+00 : f32
      %sub3A_266 = vector.broadcast %sub3A_265 : f32 to vector<16xf32>
      %sub3A_267 = arith.subf %sub3A_266, %mul3A_264 : vector<16xf32>
      %mul3A_268 = arith.mulf %mul3A_259, %sub3A_267 : vector<16xf32>
      %min3A = arith.constant 9.99999995E+11 : f32
      %min3A_269 = vector.broadcast %min3A : f32 to vector<16xf32>
      %min3A_270 = arith.minimumf %mul3A_268, %min3A_269 : vector<16xf32>
      %bitcast_convert_type3A_271 = tpu.bitcast %parallel_loop3A_236#1 : vector<16xf32> -> vector<16xi32>
      %shift_right_logical3A_272 = arith.constant 1 : i32
      %shift_right_logical3A_273 = vector.broadcast %shift_right_logical3A_272 : i32 to vector<16xi32>
      %shift_right_logical3A_274 = arith.shrui %bitcast_convert_type3A_271, %shift_right_logical3A_273 : vector<16xi32>
      %sub3A_275 = arith.constant 1597463007 : i32
      %sub3A_276 = vector.broadcast %sub3A_275 : i32 to vector<16xi32>
      %sub3A_277 = arith.subi %sub3A_276, %shift_right_logical3A_274 : vector<16xi32>
      %bitcast_convert_type3A_278 = tpu.bitcast %sub3A_277 : vector<16xi32> -> vector<16xf32>
      %mul3A_279 = arith.constant 5.000000e-01 : f32
      %mul3A_280 = vector.broadcast %mul3A_279 : f32 to vector<16xf32>
      %mul3A_281 = arith.mulf %mul3A_280, %parallel_loop3A_236#1 : vector<16xf32>
      %mul3A_282 = arith.mulf %mul3A_281, %bitcast_convert_type3A_278 : vector<16xf32>
      %mul3A_283 = arith.mulf %mul3A_282, %bitcast_convert_type3A_278 : vector<16xf32>
      %sub3A_284 = arith.constant 1.500000e+00 : f32
      %sub3A_285 = vector.broadcast %sub3A_284 : f32 to vector<16xf32>
      %sub3A_286 = arith.subf %sub3A_285, %mul3A_283 : vector<16xf32>
      %mul3A_287 = arith.mulf %bitcast_convert_type3A_278, %sub3A_286 : vector<16xf32>
      %mul3A_288 = arith.constant 5.000000e-01 : f32
      %mul3A_289 = vector.broadcast %mul3A_288 : f32 to vector<16xf32>
      %mul3A_290 = arith.mulf %mul3A_289, %parallel_loop3A_236#1 : vector<16xf32>
      %mul3A_291 = arith.mulf %mul3A_290, %mul3A_287 : vector<16xf32>
      %mul3A_292 = arith.mulf %mul3A_291, %mul3A_287 : vector<16xf32>
      %sub3A_293 = arith.constant 1.500000e+00 : f32
      %sub3A_294 = vector.broadcast %sub3A_293 : f32 to vector<16xf32>
      %sub3A_295 = arith.subf %sub3A_294, %mul3A_292 : vector<16xf32>
      %mul3A_296 = arith.mulf %mul3A_287, %sub3A_295 : vector<16xf32>
      %mul3A_297 = arith.constant 5.000000e-01 : f32
      %mul3A_298 = vector.broadcast %mul3A_297 : f32 to vector<16xf32>
      %mul3A_299 = arith.mulf %mul3A_298, %parallel_loop3A_236#1 : vector<16xf32>
      %mul3A_300 = arith.mulf %mul3A_299, %mul3A_296 : vector<16xf32>
      %mul3A_301 = arith.mulf %mul3A_300, %mul3A_296 : vector<16xf32>
      %sub3A_302 = arith.constant 1.500000e+00 : f32
      %sub3A_303 = vector.broadcast %sub3A_302 : f32 to vector<16xf32>
      %sub3A_304 = arith.subf %sub3A_303, %mul3A_301 : vector<16xf32>
      %mul3A_305 = arith.mulf %mul3A_296, %sub3A_304 : vector<16xf32>
      %min3A_306 = arith.constant 9.99999995E+11 : f32
      %min3A_307 = vector.broadcast %min3A_306 : f32 to vector<16xf32>
      %min3A_308 = arith.minimumf %mul3A_305, %min3A_307 : vector<16xf32>
      %mul3A_309 = arith.mulf %parallel_loop3A_236#2, %min3A_270 : vector<16xf32>
      %mul3A_310 = arith.mulf %parallel_loop3A_236#3, %min3A_308 : vector<16xf32>
      %add3A_311 = arith.addf %mul3A_309, %mul3A_310 : vector<16xf32>
      %mul3A_312 = arith.constant 5.000000e-01 : f32
      %mul3A_313 = vector.broadcast %mul3A_312 : f32 to vector<16xf32>
      %mul3A_314 = arith.mulf %mul3A_313, %add3A_311 : vector<16xf32>
      %sub3A_315 = arith.constant 1.000000e+00 : f32
      %sub3A_316 = vector.broadcast %sub3A_315 : f32 to vector<16xf32>
      %sub3A_317 = arith.subf %sub3A_316, %mul3A_314 : vector<16xf32>
      %jit3A_318 = arith.constant 0.000000e+00 : f32
      %broadcast_in_dim3A_319 = vector.broadcast %jit3A_318 : f32 to vector<16xf32>
      %select_n3A_320 = arith.select %ge3A_223, %sub3A_317, %broadcast_in_dim3A_319 : vector<16xi1>, vector<16xf32>
      %add3A_321 = arith.addf %scan3A_215, %select_n3A_320 : vector<16xf32>
      %jit3A_322 = arith.constant 1.000000e+00 : f32
      %jit3A_323 = arith.constant 0.000000e+00 : f32
      %broadcast_in_dim3A_324 = vector.broadcast %jit3A_322 : f32 to vector<16xf32>
      %broadcast_in_dim3A_325 = vector.broadcast %jit3A_323 : f32 to vector<16xf32>
      %select_n3A_326 = arith.select %ge3A_223, %broadcast_in_dim3A_324, %broadcast_in_dim3A_325 : vector<16xi1>, vector<16xf32>
      %add3A_327 = arith.addf %scan3A_216, %select_n3A_326 : vector<16xf32>
      scf.yield %add3A_321, %add3A_327 : vector<16xf32>, vector<16xf32>
    }
    %scan3A_196 = arith.constant 4 : i32
    %reduce_sum3A = arith.constant true
    %reduce_sum3A_197 = vector.broadcast %reduce_sum3A : i1 to vector<16xi1>
    %reduce_sum3A_198 = tpu.scan <sum>, %scan3A_195#0 masked %reduce_sum3A_197 : vector<16xf32>, vector<16xi1> -> vector<16xf32>
    %reduce_sum3A_199 = vector.extract %reduce_sum3A_198[15] : f32 from vector<16xf32>
    %reduce_sum3A_200 = arith.constant true
    %reduce_sum3A_201 = vector.broadcast %reduce_sum3A_200 : i1 to vector<16xi1>
    %reduce_sum3A_202 = tpu.scan <sum>, %scan3A_195#1 masked %reduce_sum3A_201 : vector<16xf32>, vector<16xi1> -> vector<16xf32>
    %reduce_sum3A_203 = vector.extract %reduce_sum3A_202[15] : f32 from vector<16xf32>
    %eq3A = arith.constant 0 : i32
    %eq3A_204 = vector.broadcast %eq3A : i32 to vector<16xi32>
    %eq3A_205 = arith.cmpi eq, %iota3A, %eq3A_204 : vector<16xi32>
    %eq3A_206 = arith.constant 1 : i32
    %eq3A_207 = vector.broadcast %eq3A_206 : i32 to vector<16xi32>
    %eq3A_208 = arith.cmpi eq, %iota3A, %eq3A_207 : vector<16xi32>
    %jit3A = arith.constant 0.000000e+00 : f32
    %broadcast_in_dim3A_209 = vector.broadcast %reduce_sum3A_203 : f32 to vector<16xf32>
    %broadcast_in_dim3A_210 = vector.broadcast %jit3A : f32 to vector<16xf32>
    %select_n3A = arith.select %eq3A_208, %broadcast_in_dim3A_209, %broadcast_in_dim3A_210 : vector<16xi1>, vector<16xf32>
    %broadcast_in_dim3A_211 = vector.broadcast %reduce_sum3A_199 : f32 to vector<16xf32>
    %select_n3A_212 = arith.select %eq3A_205, %broadcast_in_dim3A_211, %select_n3A : vector<16xi1>, vector<16xf32>
    %swap3A = arith.constant 0 : index
    %swap3A_213 = tpu.vector_load %arg14[%swap3A] {strides = array<i32>} : memref<16xf32, #tpu.memory_space<vmem>>, vector<16xf32>,
    tpu.vector_store %arg14[%swap3A], %select_n3A_212 {strides = array<i32>} : memref<16xf32, #tpu.memory_space<vmem>>, vector<16xf32>,
    "tpu.region"() ({
      %run_scoped3A = tpu.sem_alloc : memref<!tpu.dma_semaphore, #tpu.memory_space<semaphore_mem>>
      %dma_start3A_214 = arith.constant 0 : i32
      %dma_start3A_215 = tpu.memref_slice %arg6[%add3A, %dma_start3A_214] : memref<32x16xf32, #tpu.memory_space<hbm>> -> memref<1x16xf32, #tpu.memory_space<hbm>>
      %dma_start3A_216 = tpu.memref_squeeze %dma_start3A_215 : memref<1x16xf32, #tpu.memory_space<hbm>> -> memref<16xf32, #tpu.memory_space<hbm>>
      %dma_start3A_217 = arith.constant 0 : i32
      %dma_start3A_218 = tpu.memref_slice %arg6[%add3A, %dma_start3A_217] : memref<32x16xf32, #tpu.memory_space<hbm>> -> memref<1x16xf32, #tpu.memory_space<hbm>>
      %dma_start3A_219 = tpu.memref_squeeze %dma_start3A_218 : memref<1x16xf32, #tpu.memory_space<hbm>> -> memref<16xf32, #tpu.memory_space<hbm>>
      tpu.enqueue_dma source(%arg14 : memref<16xf32, #tpu.memory_space<vmem>>) target(%dma_start3A_219 : memref<16xf32, #tpu.memory_space<hbm>>) target_semaphore(%run_scoped3A : memref<!tpu.dma_semaphore, #tpu.memory_space<semaphore_mem>>)
      %dma_wait3A_220 = arith.constant 0 : i32
      %dma_wait3A_221 = tpu.memref_slice %arg6[%add3A, %dma_wait3A_220] : memref<32x16xf32, #tpu.memory_space<hbm>> -> memref<1x16xf32, #tpu.memory_space<hbm>>
      %dma_wait3A_222 = tpu.memref_squeeze %dma_wait3A_221 : memref<1x16xf32, #tpu.memory_space<hbm>> -> memref<16xf32, #tpu.memory_space<hbm>>
      %dma_wait3A_223 = arith.constant 0 : i32
      %dma_wait3A_224 = tpu.memref_slice %arg6[%add3A, %dma_wait3A_223] : memref<32x16xf32, #tpu.memory_space<hbm>> -> memref<1x16xf32, #tpu.memory_space<hbm>>
      %dma_wait3A_225 = tpu.memref_squeeze %dma_wait3A_224 : memref<1x16xf32, #tpu.memory_space<hbm>> -> memref<16xf32, #tpu.memory_space<hbm>>
      tpu.wait_dma2 semaphore(%run_scoped3A : memref<!tpu.dma_semaphore, #tpu.memory_space<semaphore_mem>>) src(%arg14 : memref<16xf32, #tpu.memory_space<vmem>>) dst(%dma_wait3A_225 : memref<16xf32, #tpu.memory_space<hbm>>)
      tpu.yield
    }) : () -> ()
    return
  }
}

</mosaic_0001>

<sc_bundles>
// kernel: kernel.3.cloned.1.call-start
scs
__scs_entry_jumppad:
0x0: {  	(pc) =	sbr.rel $0x88, $3  }
0x1: {  	(tag) =	ssettag $0x0;
	lr =	simm.s32 $0x1  }
0x2: {  	[smem:$0x3F9D] =	sst lr;
	_ =	strace $0xD0000000  }
0x3: {  	_ = 	snop  }
0x4: {  	_ = 	snop  }
0x5: {  	_ = 	snop  }
0x6: {  	_ = 	snop  }
0x7: {  	_ = 	snop  }
__scs_overlays_trampoline_lowered:
0x8: {  	[smem:$0x3FAC] =	sst s0  }
0x9: {  	[smem:$0x3FAD] =	sst s1  }
0xa: {  	[smem:$0x3FAE] =	sst s2  }
0xb: {  	[smem:$0x3FAF] =	sst s3  }
0xc: {  	[smem:$0x3FB0] =	sst s4  }
0xd: {  	[smem:$0x3FB1] =	sst s5  }
0xe: {  	[smem:$0x3FB2] =	sst s6  }
0xf: {  	[smem:$0x3FB3] =	sst s7  }
0x10: {  	[smem:$0x3FB4] =	sst s8  }
0x11: {  	[smem:$0x3FB5] =	sst s9;
	s0 =	simm.s32 @!p0 $0x0  }
0x12: {  	s1 =	sld [smem:$0x3F9B];
	s0 =	simm.s32 @p0 $0x1  }
0x13: {  	[smem:$0x3FB6] =	sst s0;
	s0 =	simm.s32 @!p1 $0x0  }
0x14: {  	s2 =	sld [smem:$0x3F9A];
	s0 =	simm.s32 @p1 $0x1  }
0x15: {  	[smem:$0x3FB7] =	sst s0;
	s0 =	simm.s32 @!p2 $0x0  }
0x16: {  	s3 =	sld [smem:$0x3FDB];
	s0 =	simm.s32 @p2 $0x1  }
0x17: {  	s4 =	simm.s32 $0x1BF5;
	[smem:$0x3FB9] =	sst s0  }
0x18: {  	s0 =	sld [smem:$0x3F9C];
	_ =	swait.ge [sflag:s4], $0x0  }
0x19: {  	s7 =	sld [smem:$0x3F9D]  }
0x1a: {  	s8 =	sadd.s32 $0xFFFFE003, lr  }
0x1b: {  	s9 =	sadd.s32 $0xFFFFFEF7, lr;
	s5 =	simm.s32 $0xFFFFFFFF;
	p2 =	slt.u32 s8, $0xFFFFF086  }
0x1c: {  	p1 =	slt.u32 s9, $0xF7A;
	s5 =	simm.s32 @!p2 $0x0  }
0x1d: {  	s5 =	simm.s32 @p1 $0x1;
	p0 =	seq.s32 s7, s2  }
0x1e: {  	s7 =	smul.u32 @!p0 $0xF7A, s2;
	p2 =	seq.s32 @!p0 s5, $0x0  }
0x1f: {  	s9 =	smul.u32 $0xF7A, s1;
	s8 =	simm.s32 @!p0 $0x1BF5;
	p2 =	por !p2, p0  }
0x20: {  	[sflag:s8] =	ssyncset.s32 @!p0 $0xFFFFF086;
	s6 =	sadd.s32 @!p0 s3, s7;
	s7 =	simm.s32 @!p0 $0x108  }
0x21: {  	s3 =	sadd.s32 s3, s9;
	s6 =	sadd.s32 @!p0 $0x88, s6;
	s7 =	simm.s32 @p2 $0x1082  }
0x22: {  	[simem:s7], [sflag:s8] =	dma.local @!p0 [hbm:s6], $0xF7A  }
0x23: {  	s9 =	sor.u32 $0xD0000000, s2;
	s6 =	simm.s32 $0x108;
	_ =	swait.ge @!p0 [sflag:s8], $0x0  }
0x24: {  	s3 =	sadd.s32 $0x88, s3;
	s6 =	simm.s32 @!p1 $0x1082;
	[sflag:s4] =	ssyncset.s32 $0xFFFFF086  }
0x25: {  	[simem:s6], [sflag:s4] =	dma.local [hbm:s3], $0xF7A  }
0x26: {  	[smem:$0x3F9D] =	sst s1;
	(tag) =	ssettag s2;
	_ =	strace s9  }
0x27: {  	s1 =	sld [smem:$0x3FAD]  }
0x28: {  	s2 =	sld [smem:$0x3FAE]  }
0x29: {  	s4 =	sld [smem:$0x3FB0]  }
0x2a: {  	p0 =	seq.s32 s5, $0x0;
	s5 =	sld [smem:$0x3FB1]  }
0x2b: {  	s6 =	sld [smem:$0x3FB2]  }
0x2c: {  	s7 =	sld [smem:$0x3FB3]  }
0x2d: {  	s3 =	simm.s32 $0x108;
	s8 =	sld [smem:$0x3FB4]  }
0x2e: {  	s3 =	simm.s32 @!p0 $0x1082;
	s9 =	sld [smem:$0x3FB5]  }
0x2f: {  	lr =	sadd.s32 s0, s3;
	s0 =	sld [smem:$0x3FAC]  }
0x30: {  	s3 =	sld [smem:$0x3FAF]  }
0x31: {  	[smem:$0x3FB8] =	sst s10  }
0x32: {  	s10 =	sld [smem:$0x3FB6];
	_ =	sdelay $0x3  }
0x33: {  	p0 =	seq.s32 s10, $0x1;
	s10 =	sld [smem:$0x3FB8];
	_ =	sdelay $0x3  }
0x34: {  	[smem:$0x3FB8] =	sst s10  }
0x35: {  	s10 =	sld [smem:$0x3FB7];
	_ =	sdelay $0x3  }
0x36: {  	p1 =	seq.s32 s10, $0x1;
	s10 =	sld [smem:$0x3FB8];
	_ =	sdelay $0x3  }
0x37: {  	[smem:$0x3FB8] =	sst s10  }
0x38: {  	s10 =	sld [smem:$0x3FB9]  }
0x39: {  	_ = 	snop;
	(pc) =	sbr.ind lr, $3  }
0x3a: {  	_ = 	snop  }
0x3b: {  	_ = 	snop  }
0x3c: {  	p2 =	seq.s32 s10, $0x1;
	s10 =	sld [smem:$0x3FB8]  }
0x3d: {  	_ =	shalt  }
0x3e: {  	_ =	shalt  }
0x3f: {  	_ =	shalt  }
0x40: {  	_ =	shalt  }
0x41: {  	_ =	shalt  }
0x42: {  	_ =	shalt  }
0x43: {  	_ =	shalt  }
0x44: {  	_ =	shalt  }
0x45: {  	_ =	shalt  }
0x46: {  	_ =	shalt  }
0x47: {  	_ =	shalt  }
0x48: {  	_ =	shalt  }
0x49: {  	_ =	shalt  }
0x4a: {  	_ =	shalt  }
0x4b: {  	_ =	shalt  }
0x4c: {  	_ =	shalt  }
0x4d: {  	_ =	shalt  }
0x4e: {  	_ =	shalt  }
0x4f: {  	_ =	shalt  }
0x50: {  	_ =	shalt  }
0x51: {  	_ =	shalt  }
0x52: {  	_ =	shalt  }
0x53: {  	_ =	shalt  }
0x54: {  	_ =	shalt  }
0x55: {  	_ =	shalt  }
0x56: {  	_ =	shalt  }
0x57: {  	_ =	shalt  }
0x58: {  	_ =	shalt  }
0x59: {  	_ =	shalt  }
0x5a: {  	_ =	shalt  }
0x5b: {  	_ =	shalt  }
0x5c: {  	_ =	shalt  }
0x5d: {  	_ =	shalt  }
0x5e: {  	_ =	shalt  }
0x5f: {  	_ =	shalt  }
0x60: {  	_ =	shalt  }
0x61: {  	_ =	shalt  }
0x62: {  	_ =	shalt  }
0x63: {  	_ =	shalt  }
0x64: {  	_ =	shalt  }
0x65: {  	_ =	shalt  }
0x66: {  	_ =	shalt  }
0x67: {  	_ =	shalt  }
0x68: {  	_ =	shalt  }
0x69: {  	_ =	shalt  }
0x6a: {  	_ =	shalt  }
0x6b: {  	_ =	shalt  }
0x6c: {  	_ =	shalt  }
0x6d: {  	_ =	shalt  }
0x6e: {  	_ =	shalt  }
0x6f: {  	_ =	shalt  }
0x70: {  	_ =	shalt  }
0x71: {  	_ =	shalt  }
0x72: {  	_ =	shalt  }
0x73: {  	_ =	shalt  }
0x74: {  	_ =	shalt  }
0x75: {  	_ =	shalt  }
0x76: {  	_ =	shalt  }
0x77: {  	_ =	shalt  }
0x78: {  	_ =	shalt  }
0x79: {  	_ =	shalt  }
0x7a: {  	_ =	shalt  }
0x7b: {  	_ =	shalt  }
0x7c: {  	_ =	shalt  }
0x7d: {  	_ =	shalt  }
0x7e: {  	_ =	shalt  }
0x7f: {  	_ =	shalt  }
0x80: {  	_ =	shalt  }
0x81: {  	_ =	shalt  }
0x82: {  	_ =	shalt  }
0x83: {  	_ =	shalt  }
0x84: {  	_ =	shalt  }
0x85: {  	_ =	shalt  }
0x86: {  	_ =	shalt  }
0x87: {  	_ =	shalt  }
.Lfunc_end0:
.L_simem_size_0:
called_computation_lowered:
.L_overlay_start_0:
0x88: {  	s2 =	sld [smem:$0x3FD9]  }
0x89: {  	s3 =	sld [smem:$0x3FFE];
	_ =	sdelay $0x1  }
0x8a: {  	s1 =	srdreg.scid  }
0x8b: {  	s0 =	sand.u32 $0x1, s1  }
0x8c: {  	s17 =	sshll.u32 s0, $0xA;
	s2 =	sadd.s32 s3, s2  }
0x8d: {  	s2 =	sadd.s32 s2, s17  }
0x8e: {  	[smem:$0x3FC4] =	sst s2  }
0x8f: {  	_ = 	snop  }
0x90: {  	s2 =	sld [smem:$0x3FC9]  }
0x91: {  	s18 =	sld [smem:$0x3FC8]  }
0x92: {  	s4 =	sld [smem:$0x3FC7]  }
0x93: {  	s5 =	sld [smem:$0x3FC6];
	(tm) =	ssettm $0x1  }
0x94: {  	s6 =	sld [smem:$0x3FFB];
	_ =	sdelay $0x3  }
0x95: {  	_ =	strace s6  }
0x96: {  	s6 =	sld [smem:$0x3FFC];
	_ =	sdelay $0x3  }
0x97: {  	_ =	strace s6  }
0x98: {  	s6 =	sld [smem:$0x3FFD];
	_ =	sdelay $0x3  }
0x99: {  	_ =	strace s6  }
0x9a: {  	_ =	strace $0x8FFFFFFF  }
0x9b: {  	s19 =	sld [smem:$0x3FDB];
	_ =	sdelay $0x1  }
0x9c: {  	s7 =	simm.s32 $_scs_section_size  }
0x9d: {  	s8 =	simm.s32 $_size__tile_overlayer_lowered;
	s9 =	simm.s32 $_tile_overlayer_lowered  }
0x9e: {  	s22 =	simm.s32 $0x1BFF;
	s21 =	sshll.u32 s9, $0x1;
	s6 =	sadd.s32 s7, s19  }
0x9f: {  	s10 =	simm.s32 $0x0;
	s20 =	sshll.u32 s8, $0x1;
	s8 =	sadd.s32 s21, s6  }
0xa0: {  	[timem:s10], [sflag:s22] =	dma.local [hbm:s8], s20  }
0xa1: {  	_ =	swait.ge [sflag:s22], s20  }
0xa2: {  	s7 =	ssub.s32 $0x0, s20;
	[sflag:s22] =	ssyncset.done $0x0  }
0xa3: {  	[sflag:s22] =	ssyncadd.s32 s7;
	_ =	sdelay $0x1  }
0xa4: {  	s23 =	simm.s32 $0x1B8B  }
0xa5: {  	_ =	swait.ge [sflag:s23], $0x1  }
0xa6: {  	[sflag:s23] =	ssyncset.done $0x0  }
0xa7: {  	s25 =	simm.s32 $0x1B8E;
	s24 =	sld [smem:$0x3FFE];
	[sflag:s23] =	ssyncadd.s32 $0xFFFFFFFF  }
0xa8: {  	s26 =	simm.s32 $execute0_lowered;
	[smem:$0x3FD2] =	sst s25  }
0xa9: {  	s8 =	sshll.u32 s26, $0x1;
	_ =	strace $0x80000046;
	[dreg:$0x1] =	wrdreg $0xFFFFFFFF  }
0xaa: {  	s28 =	simm.s32 $_size_execute0_lowered;
	s6 =	sadd.s32 s6, s8;
	[dreg:$0x0] =	wrdreg $0x0  }
0xab: {  	s8 =	sshll.u32 s28, $0x1;
	[dreg:$0x2] =	wrdreg s6  }
0xac: {  	[dreg:$0x3] =	wrdreg s8  }
0xad: {  	[dreg:$0x4] =	wrdreg $0xC0  }
0xae: {  	_ =	task [dreg:s10], $0x5FFFF  }
0xaf: {  	[dreg:$0x1] =	wrdreg $0xFFFFFFFF  }
0xb0: {  	[dreg:$0x0] =	wrdreg $0x60  }
0xb1: {  	[dreg:$0x2] =	wrdreg s2  }
0xb2: {  	[dreg:$0x3] =	wrdreg s18  }
0xb3: {  	[dreg:$0x4] =	wrdreg s4  }
0xb4: {  	[dreg:$0x5] =	wrdreg s5  }
0xb5: {  	[dreg:$0x6] =	wrdreg s24  }
0xb6: {  	[dreg:$0x7] =	wrdreg $0x9  }
0xb7: {  	_ =	task.clear_ibuf [dreg:s10], $0x8FFFF;
	_ =	strace $0x90000046  }
0xb8: {  	s29 =	simm.s32 $0x9;
	_ =	strace $0x80000048  }
0xb9: {  	_ =	swait.ge [sflag:s29], $0x1  }
0xba: {  	[sflag:s29] =	ssyncadd.s32 $0xFFFFFFFF  }
0xbb: {  	_ =	strace $0x90000048  }
0xbc: {  	_ =	sfence  }
0xbd: {  	s30 =	sld [smem:$0x0];
	_ =	sdelay $0x2  }
0xbe: {  	s31 =	sshll.u32 s1, $0xD;
	s1 =	sshrl.u32 s1, $0x2  }
0xbf: {  	s3 =	sand.u32 $0x4000, s31;
	s1 =	sadd.s32 s1, s30  }
0xc0: {  	s0 =	sor.u32 s3, s0;
	s1 =	sshll.u32 s1, $0x11  }
0xc1: {  	s0 =	sor.u32 s1, s0  }
0xc2: {  	s0 =	sadd.s32 $0x8F2B, s0  }
0xc3: {  	[sflag:s0] =	ssyncadd.remote.s32 $0x1  }
0xc4: {  	_ =	sfence.sel $0xFFFF  }
0xc5: {  	[dreg:$0x0] =	wrdreg $0xFFFFFFFF;
	(pc) =	sbr.abs _section_cstart, $3  }
0xc6: {  	[dreg:$0x1] =	wrdreg $0xFFFFFFFF  }
0xc7: {  	_ =	task.clear_ibuf [dreg:s10], $0x2FFFF;
	_ =	strace $0x9FFFFFFF  }
0xc8: {  	(tm) =	ssettm $0x7FFFFFFF  }
0xc9: {  	_ =	shalt  }
tec
execute0_lowered:
.L_overlay_start_1:
0x0: {  	(tag) =	ssettag $0x1  }
0x1: {  	s0 =	rddreg [dreg:$0x0]  }
0x2: {  	s1 =	rddreg [dreg:$0x1]  }
0x3: {  	s2 =	rddreg [dreg:$0x2]  }
0x4: {  	s4 =	rddreg [dreg:$0x4];
	s3 =	simm.s32 $0x0  }
0x5: {  	s5 =	srdreg.scid;
	s6 =	stileid.u32;
	s28 =	simm.s32 $0xA680  }
0x6: {  	s29 =	simm.s32 $0x8680;
	s30 =	simm.s32 $0xC680;
	s31 =	simm.s32 $0x1  }
0x7: {  	[smem:$0x7FF] =	sst s3;
	s5 =	sand.u32 $0x1, s5;
	s6 =	sshll.u32 s6, $0x1  }
0x8: {  	_ =	strace $0x80000047;
	s7 =	ssub.s32 $0x2, s5;
	s5 =	sor.u32 s5, s6  }
0x9: {  	s14 =	sshrl.u32 s7, $0x1;
	s8 =	sshll.u32 s5, $0x6;
	s19 =	sshll.u32 s5, $0xD  }
0xa: {  	s5 =	sshll.u32 s5, $0x4;
	s6 =	ssub.s32 s7, s14;
	s2 =	sadd.s32 s2, s8  }
0xb: {  	s15 =	sadd.s32 s0, s19;
	s16 =	sadd.s32 s1, s19;
	s17 =	sor.u32 $0x400, s19  }
0xc: {  	s18 =	sor.u32 $0x800, s19;
	s22 =	sor.u32 $0xC00, s19;
	[dreg:$0x6] =	wrdreg s2  }
0xd: {  	s23 =	sor.u32 $0x1000, s19;
	s24 =	sor.u32 $0x1400, s19;
	[dreg:$0x7] =	wrdreg s15  }
0xe: {  	s25 =	sor.u32 $0x1800, s19;
	s26 =	sor.u32 $0x1C00, s19;
	[dreg:$0x8] =	wrdreg s16  }
0xf: {  	s20 =	sadd.s32 s0, s17;
	s2 =	sadd.s32 s1, s17;
	s21 =	sadd.s32 s0, s18  }
0x10: {  	s10 =	sadd.s32 s1, s18;
	s11 =	sadd.s32 s0, s22;
	s12 =	sadd.s32 s1, s22  }
0x11: {  	s13 =	sadd.s32 s0, s23;
	s14 =	sadd.s32 s1, s23;
	s15 =	sadd.s32 s0, s24  }
0x12: {  	s16 =	sadd.s32 s1, s24;
	s17 =	sadd.s32 s0, s25;
	s18 =	sadd.s32 s1, s25  }
0x13: {  	v0 =	vlaneseq.u32;
	v9 =	vimm.f32 $0.0e+00;
	vm0 =	vcmask $0x704;
	s19 =	sadd.s32 s0, s26;
	s22 =	smax.u32 s6, $0x1;
	[dreg:$0x9] =	wrdreg s20  }
0x14: {  	vm1 =	vcmask $0x3F04;
	v1 =	vor.u32 $0x10, v0;
	v2 =	vor.u32 $0x20, v0;
	s23 =	simm.s32 $0x3;
	s25 =	simm.s32 $0x3200;
	[dreg:$0xa] =	wrdreg s2  }
0x15: {  	v3 =	vor.u32 $0x30, v0;
	v4 =	vor.u32 $0x40, v0;
	v5 =	vor.u32 $0x50, v0;
	s0 =	simm.s32 $0x2;
	[dreg:$0xb] =	wrdreg s21;
	s20 =	sadd.s32 s1, s26  }
0x16: {  	v6 =	vor.u32 $0x60, v0;
	v7 =	vor.u32 $0x70, v0;
	v8 =	vmul.u32 $0x80, v0;
	s21 =	sadd.s32 s4, s5;
	s26 =	simm.s32 $0x6680;
	s1 =	simm.s32 $0x0  }
.LBB2_1:
0x17: {  	s2 =	rddreg [dreg:$0x3]  }
0x18: {  	[tilespmem:s3], [sflag:$0x3] =	stream.linear.gather [hbm4b:s2+s3], $0x3200, $0x38;
	[tilespmem:$0xE700] =	vst v63  }
0x19: {  	_ =	swait.ge [sflag:s23], $0x3200  }
0x1a: {  	[sflag:s23] =	ssyncset.done $0x0  }
0x1b: {  	s4 =	simm.s32 $0x6480;
	s24 =	rddreg [dreg:$0x6];
	[sflag:s23] =	ssyncadd.s32 $0xFFFFCE00  }
0x1c: {  	[tilespmem:s4], [sflag:$0x3] =	stream.linear.gather [hbm4b:s24+s3], $0x200, $0x38;
	[tilespmem:$0xE700] =	vst v63  }
0x1d: {  	_ =	swait.ge [sflag:s23], $0x200  }
0x1e: {  	[sflag:s23] =	ssyncset.done $0x0  }
0x1f: {  	s7 =	simm.s32 $0x80;
	s6 =	simm.s32 $0x81;
	[sflag:s23] =	ssyncadd.s32 $0xFFFFFE00  }
0x20: {  	v11 =	vadd.s32 s6, v0;
	v10 =	vld [tilespmem:s7+$0x0]  }
0x21: {  	v12 =	vadd.s32 s3, v0;
	v13 =	vld [tilespmem:s7+$0xFFFFFF80];
	_ =	sdelay $0x3  }
0x22: {  	[tilespmem:v11+s25+$0x0] =	vst.idx.msk $0xffff, v10  }
0x23: {  	[tilespmem:v12+s25+$0x0] =	vst.idx.msk $0xffff, v13;
	v11 =	vadd.s32 s6, v1;
	v10 =	vld [tilespmem:s7+$0x10]  }
0x24: {  	v12 =	vadd.s32 s3, v1;
	v13 =	vld [tilespmem:s7+$0xFFFFFF90];
	_ =	sdelay $0x3  }
0x25: {  	[tilespmem:v11+s25+$0x0] =	vst.idx.msk $0xffff, v10  }
0x26: {  	[tilespmem:v12+s25+$0x0] =	vst.idx.msk $0xffff, v13;
	v11 =	vadd.s32 s6, v2;
	v10 =	vld [tilespmem:s7+$0x20]  }
0x27: {  	v12 =	vadd.s32 s3, v2;
	v13 =	vld [tilespmem:s7+$0xFFFFFFA0]  }
0x28: {  	s2 =	simm.s32 $0x180;
	s24 =	simm.s32 $0x183  }
0x29: {  	v15 =	vadd.s32 s24, v0;
	v14 =	vld [tilespmem:s2+$0x0]  }
0x2a: {  	s8 =	simm.s32 $0x102  }
0x2b: {  	v16 =	vadd.s32 s8, v0;
	v17 =	vld [tilespmem:s2+$0xFFFFFF80];
	[tilespmem:v11+s25+$0x0] =	vst.idx.msk $0xffff, v10  }
0x2c: {  	[tilespmem:v12+s25+$0x0] =	vst.idx.msk $0xffff, v13;
	v11 =	vadd.s32 s6, v3;
	v10 =	vld [tilespmem:s7+$0x30]  }
0x2d: {  	v12 =	vadd.s32 s3, v3;
	v13 =	vld [tilespmem:s7+$0xFFFFFFB0]  }
0x2e: {  	[tilespmem:v15+s25+$0x0] =	vst.idx.msk $0xffff, v14  }
0x2f: {  	s5 =	simm.s32 $0x280;
	s4 =	simm.s32 $0x285;
	v15 =	vadd.s32 s24, v1;
	v14 =	vld [tilespmem:s2+$0x10]  }
0x30: {  	v19 =	vadd.s32 s4, v0;
	v18 =	vld [tilespmem:s5+$0x0];
	[tilespmem:v16+s25+$0x0] =	vst.idx.msk $0xffff, v17  }
0x31: {  	v16 =	vadd.s32 s8, v1;
	v17 =	vld [tilespmem:s2+$0xFFFFFF90];
	[tilespmem:v11+s25+$0x0] =	vst.idx.msk $0xffff, v10  }
0x32: {  	[tilespmem:v12+s25+$0x0] =	vst.idx.msk $0xffff, v13;
	v11 =	vadd.s32 s6, v4;
	v10 =	vld [tilespmem:s7+$0x40]  }
0x33: {  	s9 =	simm.s32 $0x204;
	v12 =	vadd.s32 s3, v4;
	v13 =	vld [tilespmem:s7+$0xFFFFFFC0]  }
0x34: {  	v20 =	vadd.s32 s9, v0;
	v21 =	vld [tilespmem:s5+$0xFFFFFF80];
	[tilespmem:v15+s25+$0x0] =	vst.idx.msk $0xffff, v14  }
0x35: {  	[tilespmem:v19+s25+$0x0] =	vst.idx.msk $0xffff, v18;
	v15 =	vadd.s32 s24, v2;
	v14 =	vld [tilespmem:s2+$0x20]  }
0x36: {  	[tilespmem:v16+s25+$0x0] =	vst.idx.msk $0xffff, v17  }
0x37: {  	v16 =	vadd.s32 s8, v2;
	v17 =	vld [tilespmem:s2+$0xFFFFFFA0];
	[tilespmem:v11+s25+$0x0] =	vst.idx.msk $0xffff, v10  }
0x38: {  	[tilespmem:v12+s25+$0x0] =	vst.idx.msk $0xffff, v13;
	v11 =	vadd.s32 s6, v5;
	v10 =	vld [tilespmem:s7+$0x50]  }
0x39: {  	[tilespmem:v20+s25+$0x0] =	vst.idx.msk $0xffff, v21;
	v12 =	vadd.s32 s3, v5;
	v13 =	vld [tilespmem:s7+$0xFFFFFFD0]  }
0x3a: {  	v21 =	vadd.s32 s4, v1;
	v18 =	vld [tilespmem:s5+$0x10];
	[tilespmem:v15+s25+$0x0] =	vst.idx.msk $0xffff, v14  }
0x3b: {  	v15 =	vadd.s32 s24, v3;
	v14 =	vld [tilespmem:s2+$0x30]  }
0x3c: {  	v22 =	vadd.s32 s9, v1;
	v23 =	vld [tilespmem:s5+$0xFFFFFF90];
	[tilespmem:v16+s25+$0x0] =	vst.idx.msk $0xffff, v17  }
0x3d: {  	v16 =	vadd.s32 s8, v3;
	v17 =	vld [tilespmem:s2+$0xFFFFFFB0];
	[tilespmem:v11+s25+$0x0] =	vst.idx.msk $0xffff, v10  }
0x3e: {  	[tilespmem:v12+s25+$0x0] =	vst.idx.msk $0xffff, v13;
	v11 =	vadd.s32 s6, v6;
	v10 =	vld [tilespmem:s7+$0x60]  }
0x3f: {  	[tilespmem:v21+s25+$0x0] =	vst.idx.msk $0xffff, v18;
	v12 =	vadd.s32 s3, v6;
	v13 =	vld [tilespmem:s7+$0xFFFFFFE0]  }
0x40: {  	[tilespmem:v15+s25+$0x0] =	vst.idx.msk $0xffff, v14  }
0x41: {  	v27 =	vadd.s32 s24, v4;
	[tilespmem:v22+s25+$0x0] =	vst.idx.msk $0xffff, v23;
	v24 =	vld [tilespmem:s2+$0x40]  }
0x42: {  	v25 =	vld [tilespmem:s5+$0x20];
	[tilespmem:v16+s25+$0x0] =	vst.idx.msk $0xffff, v17  }
0x43: {  	v28 =	vadd.s32 s8, v4;
	v29 =	vld [tilespmem:s2+$0xFFFFFFC0];
	[tilespmem:v11+s25+$0x0] =	vst.idx.msk $0xffff, v10  }
0x44: {  	v22 =	vadd.s32 s6, v7;
	[tilespmem:v12+s25+$0x0] =	vst.idx.msk $0xffff, v13;
	v20 =	vld [tilespmem:s7+$0x70]  }
0x45: {  	v19 =	vadd.s32 s9, v2;
	v18 =	vadd.s32 s9, v3;
	v10 =	vadd.s32 s3, v7;
	v21 =	vld [tilespmem:s7+$0xFFFFFFF0]  }
0x46: {  	v15 =	vadd.s32 s8, v5;
	v17 =	vadd.s32 s9, v4;
	[tilespmem:v27+s25+$0x0] =	vst.idx.msk $0xffff, v24;
	v27 =	vadd.s32 s4, v2  }
0x47: {  	v26 =	vld [tilespmem:s5+$0xFFFFFFA0];
	v16 =	vadd.s32 s9, v5;
	v14 =	vadd.s32 s9, v6;
	v24 =	vadd.s32 s24, v5  }
0x48: {  	[tilespmem:v28+s25+$0x0] =	vst.idx.msk $0xffff, v29;
	v23 =	vld [tilespmem:s2+$0x50];
	s6 =	simm.s32 $0x280;
	v13 =	vadd.s32 s8, v6;
	v11 =	vadd.s32 s8, v7;
	v12 =	vadd.s32 s9, v7;
	s8 =	simm.s32 $0x306;
	s7 =	simm.s32 $0x4  }
.LBB2_2:
0x49: {  	v28 =	vadd.s32 s8, v0;
	v29 =	vadd.s32 s8, v1;
	v30 =	vadd.s32 s8, v2;
	s9 =	sadd.s32 $0x81, s8;
	s7 =	sadd.s32 $0x2, s7;
	s5 =	sadd.s32 $0x100, s5;
	v31 =	vld [tilespmem:s2+$0xFFFFFFD0];
	[tilespmem:v22+s25+$0x0] =	vst.idx.msk $0xffff, v20  }
0x4a: {  	v20 =	vadd.s32 s8, v3;
	v32 =	vadd.s32 s8, v4;
	v22 =	vld [tilespmem:s5+$0x0];
	v33 =	vadd.s32 s9, v0;
	p0 =	slt.u32 s7, $0x62;
	[tilespmem:v10+s25+$0x0] =	vst.idx.msk $0xffff, v21;
	v10 =	vmovc v11;
	v11 =	vmovc v12  }
0x4b: {  	v34 =	vadd.s32 s8, v5;
	v35 =	vadd.s32 s8, v6;
	v12 =	vadd.s32 s8, v7;
	v21 =	vld [tilespmem:s5+$0xFFFFFF80];
	[tilespmem:v27+s25+$0x0] =	vst.idx.msk $0xffff, v25  }
0x4c: {  	[tilespmem:v19+s25+$0x0] =	vst.idx.msk $0xffff, v26;
	v25 =	vld [tilespmem:s6+$0x30];
	v26 =	vadd.s32 s4, v3;
	v19 =	vmov v30  }
0x4d: {  	v27 =	vld [tilespmem:s6+$0xFFFFFFB0];
	[tilespmem:v24+s25+$0x0] =	vst.idx.msk $0xffff, v23  }
0x4e: {  	v24 =	vadd.s32 s24, v6;
	[tilespmem:v15+s25+$0x0] =	vst.idx.msk $0xffff, v31;
	v23 =	vld [tilespmem:s2+$0x60];
	v15 =	vmov v16;
	v16 =	vmov v34  }
0x4f: {  	[tilespmem:v33+s25+$0x0] =	vst.idx.msk $0xffff, v22;
	v22 =	vld [tilespmem:s2+$0xFFFFFFE0]  }
0x50: {  	[tilespmem:v28+s25+$0x0] =	vst.idx.msk $0xffff, v21;
	v21 =	vld [tilespmem:s5+$0x10];
	v28 =	vadd.s32 s9, v1  }
0x51: {  	v30 =	vld [tilespmem:s5+$0xFFFFFF90];
	[tilespmem:v26+s25+$0x0] =	vst.idx.msk $0xffff, v25  }
0x52: {  	v33 =	vadd.s32 s4, v4;
	[tilespmem:v18+s25+$0x0] =	vst.idx.msk $0xffff, v27;
	v31 =	vld [tilespmem:s6+$0x40];
	v18 =	vmov v20  }
0x53: {  	v34 =	vld [tilespmem:s6+$0xFFFFFFC0];
	[tilespmem:v24+s25+$0x0] =	vst.idx.msk $0xffff, v23  }
.Ltmp0:
0x54: {  	[tilespmem:v13+s25+$0x0] =	vst.idx.msk $0xffff, v22;
	v20 =	vld [tilespmem:s2+$0x70];
	v22 =	vadd.s32 s24, v7;
	v13 =	vmov v14;
	v14 =	vmov v35;
	s24 =	smov.u32 s4;
	s4 =	smov.u32 s9;
	(pc) =	sbr.rel @p0 .LBB2_2-.Ltmp0, $4  }
0x55: {  	[tilespmem:v28+s25+$0x0] =	vst.idx.msk $0xffff, v21;
	v21 =	vld [tilespmem:s2+$0xFFFFFFF0];
	s2 =	smov.u32 s6;
	s6 =	smov.u32 s5  }
0x56: {  	v27 =	vadd.s32 s4, v2;
	[tilespmem:v29+s25+$0x0] =	vst.idx.msk $0xffff, v30;
	v25 =	vld [tilespmem:s5+$0x20]  }
0x57: {  	v26 =	vld [tilespmem:s5+$0xFFFFFFA0];
	[tilespmem:v33+s25+$0x0] =	vst.idx.msk $0xffff, v31  }
0x58: {  	s8 =	sadd.s32 $0x102, s8;
	v24 =	vadd.s32 s24, v5;
	[tilespmem:v17+s25+$0x0] =	vst.idx.msk $0xffff, v34;
	v23 =	vld [tilespmem:s2+$0x50];
	v17 =	vmov v32  }
0x59: {  	_ =	sdelay $0x3  }
0x5a: {  	[tilespmem:v27+s25+$0x0] =	vst.idx.msk $0xffff, v25  }
0x5b: {  	v48 =	vadd.s32 s4, v3;
	[tilespmem:v19+s25+$0x0] =	vst.idx.msk $0xffff, v26;
	v47 =	vld [tilespmem:s6+$0x30]  }
0x5c: {  	v26 =	vld [tilespmem:s6+$0xFFFFFFB0];
	_ =	sdelay $0x3  }
0x5d: {  	[tilespmem:v48+s25+$0x0] =	vst.idx.msk $0xffff, v47  }
0x5e: {  	v50 =	vadd.s32 s4, v4;
	[tilespmem:v18+s25+$0x0] =	vst.idx.msk $0xffff, v26;
	v49 =	vld [tilespmem:s6+$0x40]  }
0x5f: {  	v51 =	vld [tilespmem:s6+$0xFFFFFFC0];
	_ =	sdelay $0x3  }
0x60: {  	v52 =	vld [tilespmem:s2+$0xFFFFFFD0];
	[tilespmem:v50+s25+$0x0] =	vst.idx.msk $0xffff, v49  }
0x61: {  	v54 =	vadd.s32 s4, v5;
	[tilespmem:v17+s25+$0x0] =	vst.idx.msk $0xffff, v51;
	v53 =	vld [tilespmem:s6+$0x50]  }
0x62: {  	v55 =	vld [tilespmem:s6+$0xFFFFFFD0];
	_ =	sdelay $0x1  }
0x63: {  	[tilespmem:v24+s25+$0x0] =	vst.idx.msk $0xffff, v23  }
0x64: {  	v56 =	vadd.s32 s24, v6;
	[tilespmem:v15+s25+$0x0] =	vst.idx.msk $0xffff, v52;
	v15 =	vld [tilespmem:s2+$0x60]  }
0x65: {  	v57 =	vld [tilespmem:s2+$0xFFFFFFE0];
	[tilespmem:v54+s25+$0x0] =	vst.idx.msk $0xffff, v53  }
0x66: {  	v59 =	vadd.s32 s4, v6;
	[tilespmem:v16+s25+$0x0] =	vst.idx.msk $0xffff, v55;
	v58 =	vld [tilespmem:s6+$0x60]  }
0x67: {  	v60 =	vld [tilespmem:s6+$0xFFFFFFE0];
	_ =	sdelay $0x1  }
0x68: {  	[tilespmem:v56+s25+$0x0] =	vst.idx.msk $0xffff, v15  }
0x69: {  	v15 =	vadd.s32 s24, v7;
	[tilespmem:v13+s25+$0x0] =	vst.idx.msk $0xffff, v57;
	v13 =	vld [tilespmem:s2+$0x70]  }
0x6a: {  	v61 =	vld [tilespmem:s2+$0xFFFFFFF0];
	[tilespmem:v59+s25+$0x0] =	vst.idx.msk $0xffff, v58  }
0x6b: {  	v62 =	vadd.s32 s4, v7;
	[tilespmem:v14+s25+$0x0] =	vst.idx.msk $0xffff, v60;
	v14 =	vld [tilespmem:s6+$0x70]  }
0x6c: {  	[tilespmem:v22+s25+$0x0] =	vst.idx.msk $0xffff, v20;
	v63 =	vld [tilespmem:s6+$0xFFFFFFF0]  }
0x6d: {  	[tilespmem:v10+s25+$0x0] =	vst.idx.msk $0xffff, v21  }
0x6e: {  	[tilespmem:v15+s25+$0x0] =	vst.idx.msk $0xffff, v13  }
0x6f: {  	[tilespmem:v11+s25+$0x0] =	vst.idx.msk $0xffff, v61  }
0x70: {  	[tilespmem:v62+s25+$0x0] =	vst.idx.msk $0xffff, v14  }
0x71: {  	[tilespmem:v12+s25+$0x0] =	vst.idx.msk $0xffff, v63  }
0x72: {  	s24 =	simm.s32 $0x0;
	s6 =	rddreg [dreg:$0x7]  }
0x73: {  	[tilespmem:s26], [sflag:$0x1] =	stream.linear.gather [hbm4b:s6+s24], $0x2000, $0x38;
	[tilespmem:$0xE700] =	vst v63  }
0x74: {  	s7 =	rddreg [dreg:$0x8]  }
0x75: {  	[tilespmem:s28], [sflag:$0x1] =	stream.linear.gather [hbm4b:s7+s24], $0x2000, $0x38;
	[tilespmem:$0xE700] =	vst v63  }
0x76: {  	s8 =	rddreg [dreg:$0x9]  }
0x77: {  	[tilespmem:s29], [sflag:$0x2] =	stream.linear.gather [hbm4b:s8+s24], $0x2000, $0x38;
	[tilespmem:$0xE700] =	vst v63  }
0x78: {  	s9 =	rddreg [dreg:$0xa]  }
0x79: {  	[tilespmem:s30], [sflag:$0x2] =	stream.linear.gather [hbm4b:s9+s24], $0x2000, $0x38;
	[tilespmem:$0xE700] =	vst v63  }
0x7a: {  	_ =	swait.ge [sflag:s31], $0x2000  }
0x7b: {  	[sflag:s31] =	ssyncset.done $0x0  }
0x7c: {  	[sflag:s31] =	ssyncadd.s32 $0xFFFFE000  }
0x7d: {  	_ =	swait.ge [sflag:s31], $0x2000  }
0x7e: {  	[sflag:s31] =	ssyncset.done $0x0  }
0x7f: {  	v10 =	vimm.f32 $0.0e+00;
	s2 =	simm.s32 $0x0;
	v11 =	vimm.f32 $0.0e+00;
	v12 =	vimm.f32 $0.0e+00;
	[sflag:s31] =	ssyncadd.s32 $0xFFFFE000  }
.LBB2_4:
0x80: {  	s4 =	sshll.u32 s2, $0x4  }
0x81: {  	s5 =	simm.s32 $0x3;
	v13 =	vld [tilespmem:s4+$0x6480]  }
0x82: {  	s6 =	simm.s32 $0x2;
	v14 =	vmov s4;
	v17 =	vadd.s32 s5, v0  }
0x83: {  	s7 =	simm.s32 $0x1;
	v14 =	vshll.u32 v14, $0x7;
	v20 =	vand.u32 $0x7F, v17;
	v17 =	vadd.s32 s6, v0  }
0x84: {  	v21 =	vadd.s32 s7, v0;
	v19 =	vor.u32 v8, v14;
	v17 =	vand.u32 $0x7F, v17  }
0x85: {  	v21 =	vand.u32 $0x7F, v21;
	v22 =	vor.u32 v19, v17  }
0x86: {  	v15 =	vadd.s32 s24, v0;
	v24 =	vor.u32 v19, v21;
	vm2 =	vgt.s32 v13, $0x0  }
0x87: {  	v15 =	vand.u32 $0x7F, v15;
	v16 =	vnsel vm2, $0x0, v13  }
0x88: {  	v14 =	vmul.u32 $0x81, v16;
	v16 =	vor.u32 v19, v15;
	_ =	sdelay $0x1  }
0x89: {  	v18 =	vor.u32 v19, v20;
	v35 =	vld.idx.msk [tilespmem:v22+s26+$0x0], $0xffff  }
0x8a: {  	v32 =	vld.idx.msk [tilespmem:v24+s26+$0x0], $0xffff;
	v15 =	vadd.s32 v14, v15  }
0x8b: {  	v34 =	vld.idx.msk [tilespmem:v24+s28+$0x0], $0xffff  }
0x8c: {  	v23 =	vld.idx.msk [tilespmem:v16+s26+$0x0], $0xffff  }
0x8d: {  	s8 =	simm.s32 $0x4;
	s5 =	simm.s32 $0x6;
	v21 =	vadd.s32 v14, v21;
	v25 =	vld.idx.msk [tilespmem:v16+s28+$0x0], $0xffff  }
0x8e: {  	v27 =	vadd.s32 s8, v0;
	s6 =	simm.s32 $0x7;
	v29 =	vadd.s32 s5, v0;
	v16 =	vld.idx.msk [tilespmem:v18+s26+$0x0], $0xffff  }
0x8f: {  	v27 =	vand.u32 $0x7F, v27;
	v28 =	vadd.s32 v14, v17;
	v17 =	vadd.s32 s6, v0;
	v26 =	vld.idx.msk [tilespmem:v15+s25+$0x0], $0xffff  }
0x90: {  	v39 =	vor.u32 v19, v27;
	v33 =	vadd.s32 v14, v20;
	v17 =	vand.u32 $0x7F, v17;
	v15 =	vld.idx.msk [tilespmem:v18+s28+$0x0], $0xffff  }
0x91: {  	s9 =	simm.s32 $0x5;
	v20 =	vand.u32 $0x7F, v29;
	v24 =	vadd.s32 v14, v27;
	v27 =	vor.u32 v19, v17;
	v18 =	vld.idx.msk [tilespmem:v22+s28+$0x0], $0xffff  }
0x92: {  	v38 =	vmul.f32 v35, v35;
	v43 =	vmul.f32 v32, v32;
	v22 =	vadd.s32 s9, v0;
	v40 =	vld.idx.msk [tilespmem:v21+s25+$0x0], $0xffff  }
0x93: {  	v44 =	vmul.f32 v34, v34;
	v22 =	vand.u32 $0x7F, v22;
	v21 =	vmul.f32 v23, v23  }
0x94: {  	v29 =	vor.u32 v19, v22;
	v36 =	vmul.f32 v25, v25;
	v42 =	vmul.f32 v26, v25;
	v25 =	vld.idx.msk [tilespmem:v28+s25+$0x0], $0xffff  }
0x95: {  	v31 =	vmul.f32 v16, v16;
	v41 =	vmul.f32 v26, v23;
	v28 =	vor.u32 v19, v20  }
0x96: {  	v30 =	vmul.f32 v15, v15;
	v37 =	vmul.f32 v18, v18;
	v23 =	vadd.s32 v14, v22;
	v26 =	vld.idx.msk [tilespmem:v33+s25+$0x0], $0xffff  }
0x97: {  	v45 =	vadd.f32 v21, v12;
	v46 =	vadd.f32 v36, v12;
	v32 =	vmul.f32 v40, v32  }
0x98: {  	v21 =	vld.idx.msk [tilespmem:v39+s26+$0x0], $0xffff;
	v34 =	vmul.f32 v40, v34;
	v36 =	vadd.f32 v41, v12;
	v33 =	vadd.f32 v42, v12  }
0x99: {  	s4 =	simm.s32 $0x8;
	v22 =	vld.idx.msk [tilespmem:v39+s28+$0x0], $0xffff;
	v40 =	vadd.f32 v43, v45;
	v39 =	vadd.f32 v44, v46;
	v35 =	vmul.f32 v25, v35  }
.LBB2_5:
0x9a: {  	p0 =	slt.u32 s4, $0x7C;
	v41 =	vld.idx.msk [tilespmem:v24+s25+$0x0], $0xffff;
	v24 =	vadd.f32 v32, v36;
	v32 =	vadd.f32 v34, v33;
	v18 =	vmul.f32 v25, v18  }
0x9b: {  	v34 =	vmul.f32 v26, v16;
	v25 =	vadd.f32 v38, v40;
	v33 =	vadd.f32 v37, v39;
	v16 =	vld.idx.msk [tilespmem:v27+s26+$0x0], $0xffff  }
0x9c: {  	v26 =	vmul.f32 v26, v15;
	v24 =	vadd.f32 v35, v24;
	v32 =	vadd.f32 v18, v32;
	v15 =	vld.idx.msk [tilespmem:v27+s28+$0x0], $0xffff  }
0x9d: {  	v27 =	vadd.s32 s4, v0;
	v35 =	vld.idx.msk [tilespmem:v28+s26+$0x0], $0xffff;
	v36 =	vadd.f32 v31, v25;
	v33 =	vadd.f32 v30, v33  }
0x9e: {  	s5 =	sadd.s32 $0x1, s4;
	s6 =	sadd.s32 $0x2, s4;
	s7 =	sadd.s32 $0x3, s4;
	v25 =	vadd.s32 v14, v20;
	v18 =	vld.idx.msk [tilespmem:v28+s28+$0x0], $0xffff;
	v34 =	vadd.f32 v34, v24;
	v39 =	vadd.f32 v26, v32  }
0x9f: {  	v20 =	vadd.s32 s5, v0;
	v24 =	vadd.s32 s6, v0;
	v26 =	vadd.s32 s7, v0;
	v32 =	vld.idx.msk [tilespmem:v29+s26+$0x0], $0xffff  }
0xa0: {  	v42 =	vadd.s32 v14, v17;
	v27 =	vand.u32 $0x7F, v27;
	v17 =	vand.u32 $0x7F, v26;
	v40 =	vld.idx.msk [tilespmem:v29+s28+$0x0], $0xffff  }
0xa1: {  	v43 =	vor.u32 v19, v27;
	v44 =	vand.u32 $0x7F, v20;
	v20 =	vand.u32 $0x7F, v24;
	v45 =	vld.idx.msk [tilespmem:v23+s25+$0x0], $0xffff  }
0xa2: {  	v46 =	vmul.f32 v21, v21;
	v47 =	vmul.f32 v22, v22;
	v24 =	vadd.s32 v14, v27  }
0xa3: {  	v48 =	vmul.f32 v41, v21;
	v22 =	vmul.f32 v41, v22;
	v27 =	vor.u32 v19, v17;
	v25 =	vld.idx.msk [tilespmem:v25+s25+$0x0], $0xffff  }
0xa4: {  	v28 =	vor.u32 v19, v20;
	v31 =	vmul.f32 v16, v16;
	v30 =	vmul.f32 v15, v15  }
.Ltmp1:
0xa5: {  	v29 =	vor.u32 v19, v44;
	v38 =	vmul.f32 v35, v35;
	v37 =	vmul.f32 v18, v18;
	v26 =	vld.idx.msk [tilespmem:v42+s25+$0x0], $0xffff;
	(pc) =	sbr.rel @p0 .LBB2_5-.Ltmp1, $4  }
0xa6: {  	v23 =	vadd.s32 v14, v44;
	v41 =	vmul.f32 v32, v32;
	v42 =	vmul.f32 v40, v40  }
0xa7: {  	v44 =	vadd.f32 v46, v36;
	v46 =	vadd.f32 v47, v33;
	v32 =	vmul.f32 v45, v32  }
0xa8: {  	v36 =	vadd.f32 v48, v34;
	v33 =	vadd.f32 v22, v39;
	v34 =	vmul.f32 v45, v40;
	v21 =	vld.idx.msk [tilespmem:v43+s26+$0x0], $0xffff  }
0xa9: {  	s4 =	sadd.s32 $0x4, s4;
	v40 =	vadd.f32 v41, v44;
	v39 =	vadd.f32 v42, v46;
	v35 =	vmul.f32 v25, v35;
	v22 =	vld.idx.msk [tilespmem:v43+s28+$0x0], $0xffff  }
0xaa: {  	_ =	sdelay $0x3  }
0xab: {  	v19 =	vld.idx.msk [tilespmem:v29+s26+$0x0], $0xffff  }
0xac: {  	v29 =	vld.idx.msk [tilespmem:v29+s28+$0x0], $0xffff;
	v38 =	vadd.f32 v38, v40  }
0xad: {  	v56 =	vld.idx.msk [tilespmem:v28+s26+$0x0], $0xffff;
	v37 =	vadd.f32 v37, v39  }
0xae: {  	v28 =	vld.idx.msk [tilespmem:v28+s28+$0x0], $0xffff;
	v31 =	vadd.f32 v31, v38;
	v57 =	vmul.f32 v21, v21  }
0xaf: {  	v58 =	vld.idx.msk [tilespmem:v27+s26+$0x0], $0xffff;
	v30 =	vadd.f32 v30, v37;
	v59 =	vmul.f32 v22, v22  }
0xb0: {  	v27 =	vld.idx.msk [tilespmem:v27+s28+$0x0], $0xffff;
	v41 =	vmul.f32 v19, v19;
	v31 =	vadd.f32 v57, v31  }
0xb1: {  	v60 =	vmul.f32 v29, v29;
	v30 =	vadd.f32 v59, v30  }
0xb2: {  	v61 =	vmul.f32 v56, v56;
	v31 =	vadd.f32 v41, v31  }
0xb3: {  	v62 =	vmul.f32 v28, v28;
	v30 =	vadd.f32 v60, v30  }
0xb4: {  	v63 =	vmul.f32 v58, v58;
	v31 =	vadd.f32 v61, v31  }
0xb5: {  	v42 =	vmul.f32 v27, v27;
	v30 =	vadd.f32 v62, v30  }
0xb6: {  	v31 =	vadd.f32 v63, v31  }
0xb7: {  	v30 =	vadd.f32 v42, v30  }
0xb8: {  	v43 =	vshrl.u32 v31, $0x1  }
0xb9: {  	v31 =	vmul.f32 $5.000000000e-01, v31;
	v44 =	vshrl.u32 v30, $0x1;
	v30 =	vmul.f32 $5.000000000e-01, v30  }
0xba: {  	v37 =	vsub.s32 $0x5F3759DF, v43;
	v38 =	vsub.s32 $0x5F3759DF, v44  }
0xbb: {  	v45 =	vmul.f32 v37, v31;
	v42 =	vmul.f32 v38, v30;
	_ =	sdelay $0x1  }
0xbc: {  	v41 =	vmul.f32 v37, v45;
	v42 =	vmul.f32 v38, v42;
	_ =	sdelay $0x1  }
0xbd: {  	v41 =	vsub.f32 $1.500000000e+00, v41;
	v42 =	vsub.f32 $1.500000000e+00, v42;
	_ =	sdelay $0x1  }
0xbe: {  	v37 =	vmul.f32 v37, v41;
	v38 =	vmul.f32 v38, v42;
	_ =	sdelay $0x1  }
0xbf: {  	v24 =	vld.idx.msk [tilespmem:v24+s25+$0x0], $0xffff;
	v41 =	vmul.f32 v37, v31;
	v42 =	vmul.f32 v38, v30  }
0xc0: {  	v20 =	vadd.s32 v14, v20;
	v32 =	vadd.f32 v32, v36  }
0xc1: {  	v14 =	vadd.s32 v14, v17;
	v46 =	vld.idx.msk [tilespmem:v23+s25+$0x0], $0xffff;
	v47 =	vmul.f32 v41, v37;
	v48 =	vmul.f32 v42, v38  }
0xc2: {  	v33 =	vadd.f32 v34, v33;
	v18 =	vmul.f32 v25, v18;
	v49 =	vadd.f32 v35, v32  }
0xc3: {  	v16 =	vmul.f32 v26, v16;
	v23 =	vsub.f32 $1.500000000e+00, v47;
	v50 =	vsub.f32 $1.500000000e+00, v48  }
0xc4: {  	v15 =	vmul.f32 v26, v15;
	v18 =	vadd.f32 v18, v33;
	v51 =	vmul.f32 v24, v21  }
0xc5: {  	v16 =	vadd.f32 v16, v49;
	v20 =	vld.idx.msk [tilespmem:v20+s25+$0x0], $0xffff;
	v23 =	vmul.f32 v23, v37;
	v52 =	vmul.f32 v50, v38  }
0xc6: {  	v15 =	vadd.f32 v15, v18;
	v53 =	vmul.f32 v24, v22;
	v14 =	vld.idx.msk [tilespmem:v14+s25+$0x0], $0xffff;
	v19 =	vmul.f32 v46, v19  }
0xc7: {  	v16 =	vadd.f32 v51, v16;
	v54 =	vmul.f32 v23, v31;
	v55 =	vmul.f32 v52, v30  }
0xc8: {  	v17 =	vmul.f32 v46, v29;
	v15 =	vadd.f32 v53, v15  }
0xc9: {  	v16 =	vadd.f32 v19, v16;
	v21 =	vmul.f32 v54, v23;
	v22 =	vmul.f32 v55, v52  }
0xca: {  	v15 =	vadd.f32 v17, v15;
	v56 =	vmul.f32 v20, v56;
	v57 =	vmul.f32 v20, v28  }
0xcb: {  	v58 =	vmul.f32 v14, v58;
	v59 =	vsub.f32 $1.500000000e+00, v21;
	v60 =	vsub.f32 $1.500000000e+00, v22  }
0xcc: {  	v14 =	vmul.f32 v14, v27;
	v16 =	vadd.f32 v56, v16;
	v15 =	vadd.f32 v57, v15  }
0xcd: {  	v61 =	vmul.f32 v59, v23;
	v62 =	vmul.f32 v60, v52  }
0xce: {  	v16 =	vadd.f32 v58, v16;
	v14 =	vadd.f32 v14, v15  }
0xcf: {  	v15 =	vmin.f32 v61, $9.999999950e+11;
	v63 =	vmin.f32 v62, $9.999999950e+11  }
0xd0: {  	v15 =	vmul.f32 v15, v16;
	v14 =	vmul.f32 v63, v14;
	_ =	sdelay $0x1  }
0xd1: {  	v14 =	vadd.f32 v14, v15  }
0xd2: {  	s2 =	sadd.s32 $0x1, s2  }
0xd3: {  	p0 =	sne.s32 s2, $0x4;
	v14 =	vmul.f32 $5.000000000e-01, v14  }
.Ltmp2:
0xd4: {  	_ = 	snop;
	(pc) =	sbr.rel @p0 .LBB2_4-.Ltmp2, $4  }
0xd5: {  	v14 =	vsub.f32 $1.000000000e+00, v14  }
0xd6: {  	vm2 =	vgt.s32 v13, $0xFFFFFFFF  }
0xd7: {  	v13 =	vnsel vm2, $0x0, v14;
	v14 =	vsel vm2, $0x3F800000, v9  }
0xd8: {  	v11 =	vadd.f32 v13, v11;
	v10 =	vadd.f32 v14, v10  }
0xd9: {  	s24 =	simm.s32 $0x0;
	s2 =	rddreg [dreg:$0xb]  }
0xda: {  	[tilespmem:s26], [sflag:$0x1] =	stream.linear.gather [hbm4b:s2+s24], $0x2000, $0x38;
	[tilespmem:$0xE700] =	vst v63  }
0xdb: {  	_ = 	snop  }
0xdc: {  	[tilespmem:s28], [sflag:$0x1] =	stream.linear.gather [hbm4b:s10+s24], $0x2000, $0x38;
	[tilespmem:$0xE700] =	vst v63  }
0xdd: {  	_ =	swait.ge [sflag:s0], $0x2000  }
0xde: {  	[sflag:s0] =	ssyncset.done $0x0  }
0xdf: {  	[sflag:s0] =	ssyncadd.s32 $0xFFFFE000  }
0xe0: {  	_ =	swait.ge [sflag:s0], $0x2000  }
0xe1: {  	[sflag:s0] =	ssyncset.done $0x0  }
0xe2: {  	s2 =	simm.s32 $0x0;
	[sflag:s0] =	ssyncadd.s32 $0xFFFFE000  }
.LBB2_8:
0xe3: {  	s4 =	sshll.u32 s2, $0x4  }
0xe4: {  	s5 =	simm.s32 $0x3;
	v12 =	vld [tilespmem:s4+$0x64C0]  }
0xe5: {  	s6 =	simm.s32 $0x2;
	v13 =	vmov s4;
	v16 =	vadd.s32 s5, v0  }
0xe6: {  	s7 =	simm.s32 $0x1;
	v13 =	vshll.u32 v13, $0x7;
	v19 =	vand.u32 $0x7F, v16;
	v16 =	vadd.s32 s6, v0  }
0xe7: {  	v20 =	vadd.s32 s7, v0;
	v18 =	vor.u32 v8, v13;
	v16 =	vand.u32 $0x7F, v16  }
0xe8: {  	v20 =	vand.u32 $0x7F, v20;
	v21 =	vor.u32 v18, v16  }
0xe9: {  	v14 =	vadd.s32 s24, v0;
	v23 =	vor.u32 v18, v20;
	vm2 =	vgt.s32 v12, $0x0  }
0xea: {  	v14 =	vand.u32 $0x7F, v14;
	v15 =	vnsel vm2, $0x0, v12  }
0xeb: {  	v13 =	vmul.u32 $0x81, v15;
	v15 =	vor.u32 v18, v14;
	_ =	sdelay $0x1  }
0xec: {  	v17 =	vor.u32 v18, v19;
	v34 =	vld.idx.msk [tilespmem:v21+s29+$0x0], $0xffff  }
0xed: {  	v31 =	vld.idx.msk [tilespmem:v23+s29+$0x0], $0xffff;
	v14 =	vadd.s32 v13, v14  }
0xee: {  	v38 =	vld.idx.msk [tilespmem:v23+s30+$0x0], $0xffff  }
0xef: {  	v22 =	vld.idx.msk [tilespmem:v15+s29+$0x0], $0xffff  }
0xf0: {  	s8 =	simm.s32 $0x4;
	s5 =	simm.s32 $0x6;
	v20 =	vadd.s32 v13, v20;
	v24 =	vld.idx.msk [tilespmem:v15+s30+$0x0], $0xffff  }
0xf1: {  	v32 =	vimm.f32 $0.0e+00;
	v26 =	vadd.s32 s8, v0;
	s6 =	simm.s32 $0x7;
	v28 =	vadd.s32 s5, v0;
	v15 =	vld.idx.msk [tilespmem:v17+s29+$0x0], $0xffff  }
0xf2: {  	v26 =	vand.u32 $0x7F, v26;
	v27 =	vadd.s32 v13, v16;
	v16 =	vadd.s32 s6, v0;
	v25 =	vld.idx.msk [tilespmem:v14+s25+$0x0], $0xffff  }
0xf3: {  	v39 =	vor.u32 v18, v26;
	v33 =	vadd.s32 v13, v19;
	v16 =	vand.u32 $0x7F, v16;
	v14 =	vld.idx.msk [tilespmem:v17+s30+$0x0], $0xffff  }
0xf4: {  	s9 =	simm.s32 $0x5;
	v19 =	vand.u32 $0x7F, v28;
	v23 =	vadd.s32 v13, v26;
	v26 =	vor.u32 v18, v16;
	v17 =	vld.idx.msk [tilespmem:v21+s30+$0x0], $0xffff  }
0xf5: {  	v37 =	vmul.f32 v34, v34;
	v43 =	vmul.f32 v31, v31;
	v21 =	vadd.s32 s9, v0;
	v40 =	vld.idx.msk [tilespmem:v20+s25+$0x0], $0xffff  }
0xf6: {  	v44 =	vmul.f32 v38, v38;
	v21 =	vand.u32 $0x7F, v21;
	v20 =	vmul.f32 v22, v22  }
0xf7: {  	v28 =	vor.u32 v18, v21;
	v35 =	vmul.f32 v24, v24;
	v42 =	vmul.f32 v25, v24;
	v24 =	vld.idx.msk [tilespmem:v27+s25+$0x0], $0xffff  }
0xf8: {  	v30 =	vmul.f32 v15, v15;
	v41 =	vmul.f32 v25, v22;
	v27 =	vor.u32 v18, v19  }
0xf9: {  	v29 =	vmul.f32 v14, v14;
	v36 =	vmul.f32 v17, v17;
	v22 =	vadd.s32 v13, v21;
	v25 =	vld.idx.msk [tilespmem:v33+s25+$0x0], $0xffff  }
0xfa: {  	v45 =	vadd.f32 v20, v32;
	v46 =	vadd.f32 v35, v32;
	v31 =	vmul.f32 v40, v31  }
0xfb: {  	v20 =	vld.idx.msk [tilespmem:v39+s29+$0x0], $0xffff;
	v33 =	vmul.f32 v40, v38;
	v35 =	vadd.f32 v41, v32;
	v32 =	vadd.f32 v42, v32  }
0xfc: {  	s4 =	simm.s32 $0x8;
	v21 =	vld.idx.msk [tilespmem:v39+s30+$0x0], $0xffff;
	v39 =	vadd.f32 v43, v45;
	v38 =	vadd.f32 v44, v46;
	v34 =	vmul.f32 v24, v34  }
.LBB2_9:
0xfd: {  	p0 =	slt.u32 s4, $0x7C;
	v40 =	vld.idx.msk [tilespmem:v23+s25+$0x0], $0xffff;
	v23 =	vadd.f32 v31, v35;
	v31 =	vadd.f32 v33, v32;
	v17 =	vmul.f32 v24, v17  }
0xfe: {  	v33 =	vmul.f32 v25, v15;
	v24 =	vadd.f32 v37, v39;
	v32 =	vadd.f32 v36, v38;
	v15 =	vld.idx.msk [tilespmem:v26+s29+$0x0], $0xffff  }
0xff: {  	v25 =	vmul.f32 v25, v14;
	v23 =	vadd.f32 v34, v23;
	v31 =	vadd.f32 v17, v31;
	v14 =	vld.idx.msk [tilespmem:v26+s30+$0x0], $0xffff  }
0x100: {  	v26 =	vadd.s32 s4, v0;
	v34 =	vld.idx.msk [tilespmem:v27+s29+$0x0], $0xffff;
	v35 =	vadd.f32 v30, v24;
	v32 =	vadd.f32 v29, v32  }
0x101: {  	s5 =	sadd.s32 $0x1, s4;
	s6 =	sadd.s32 $0x2, s4;
	s7 =	sadd.s32 $0x3, s4;
	v24 =	vadd.s32 v13, v19;
	v17 =	vld.idx.msk [tilespmem:v27+s30+$0x0], $0xffff;
	v33 =	vadd.f32 v33, v23;
	v38 =	vadd.f32 v25, v31  }
0x102: {  	v19 =	vadd.s32 s5, v0;
	v23 =	vadd.s32 s6, v0;
	v25 =	vadd.s32 s7, v0;
	v31 =	vld.idx.msk [tilespmem:v28+s29+$0x0], $0xffff  }
0x103: {  	v41 =	vadd.s32 v13, v16;
	v26 =	vand.u32 $0x7F, v26;
	v16 =	vand.u32 $0x7F, v25;
	v39 =	vld.idx.msk [tilespmem:v28+s30+$0x0], $0xffff  }
0x104: {  	v42 =	vor.u32 v18, v26;
	v43 =	vand.u32 $0x7F, v19;
	v19 =	vand.u32 $0x7F, v23;
	v44 =	vld.idx.msk [tilespmem:v22+s25+$0x0], $0xffff  }
0x105: {  	v45 =	vmul.f32 v20, v20;
	v46 =	vmul.f32 v21, v21;
	v23 =	vadd.s32 v13, v26  }
0x106: {  	v47 =	vmul.f32 v40, v20;
	v21 =	vmul.f32 v40, v21;
	v26 =	vor.u32 v18, v16;
	v24 =	vld.idx.msk [tilespmem:v24+s25+$0x0], $0xffff  }
0x107: {  	v27 =	vor.u32 v18, v19;
	v30 =	vmul.f32 v15, v15;
	v29 =	vmul.f32 v14, v14  }
.Ltmp3:
0x108: {  	v28 =	vor.u32 v18, v43;
	v37 =	vmul.f32 v34, v34;
	v36 =	vmul.f32 v17, v17;
	v25 =	vld.idx.msk [tilespmem:v41+s25+$0x0], $0xffff;
	(pc) =	sbr.rel @p0 .LBB2_9-.Ltmp3, $4  }
0x109: {  	v22 =	vadd.s32 v13, v43;
	v40 =	vmul.f32 v31, v31;
	v41 =	vmul.f32 v39, v39  }
0x10a: {  	v43 =	vadd.f32 v45, v35;
	v45 =	vadd.f32 v46, v32;
	v31 =	vmul.f32 v44, v31  }
0x10b: {  	v35 =	vadd.f32 v47, v33;
	v32 =	vadd.f32 v21, v38;
	v33 =	vmul.f32 v44, v39;
	v20 =	vld.idx.msk [tilespmem:v42+s29+$0x0], $0xffff  }
0x10c: {  	s4 =	sadd.s32 $0x4, s4;
	v39 =	vadd.f32 v40, v43;
	v38 =	vadd.f32 v41, v45;
	v34 =	vmul.f32 v24, v34;
	v21 =	vld.idx.msk [tilespmem:v42+s30+$0x0], $0xffff  }
0x10d: {  	_ =	sdelay $0x3  }
0x10e: {  	v18 =	vld.idx.msk [tilespmem:v28+s29+$0x0], $0xffff  }
0x10f: {  	v28 =	vld.idx.msk [tilespmem:v28+s30+$0x0], $0xffff;
	v37 =	vadd.f32 v37, v39  }
0x110: {  	v36 =	vadd.f32 v36, v38;
	v38 =	vld.idx.msk [tilespmem:v27+s29+$0x0], $0xffff  }
0x111: {  	v27 =	vld.idx.msk [tilespmem:v27+s30+$0x0], $0xffff;
	v30 =	vadd.f32 v30, v37;
	v54 =	vmul.f32 v20, v20  }
0x112: {  	v39 =	vld.idx.msk [tilespmem:v26+s29+$0x0], $0xffff;
	v29 =	vadd.f32 v29, v36;
	v55 =	vmul.f32 v21, v21  }
0x113: {  	v26 =	vld.idx.msk [tilespmem:v26+s30+$0x0], $0xffff;
	v40 =	vmul.f32 v18, v18;
	v30 =	vadd.f32 v54, v30  }
0x114: {  	v56 =	vmul.f32 v28, v28;
	v29 =	vadd.f32 v55, v29  }
0x115: {  	v57 =	vmul.f32 v38, v38;
	v30 =	vadd.f32 v40, v30  }
0x116: {  	v58 =	vmul.f32 v27, v27;
	v29 =	vadd.f32 v56, v29  }
0x117: {  	v59 =	vmul.f32 v39, v39;
	v30 =	vadd.f32 v57, v30  }
0x118: {  	v60 =	vmul.f32 v26, v26;
	v29 =	vadd.f32 v58, v29  }
0x119: {  	v30 =	vadd.f32 v59, v30  }
0x11a: {  	v29 =	vadd.f32 v60, v29  }
0x11b: {  	v61 =	vshrl.u32 v30, $0x1  }
0x11c: {  	v30 =	vmul.f32 $5.000000000e-01, v30;
	v62 =	vshrl.u32 v29, $0x1;
	v29 =	vmul.f32 $5.000000000e-01, v29  }
0x11d: {  	v36 =	vsub.s32 $0x5F3759DF, v61;
	v37 =	vsub.s32 $0x5F3759DF, v62  }
0x11e: {  	v63 =	vmul.f32 v36, v30;
	v41 =	vmul.f32 v37, v29;
	_ =	sdelay $0x1  }
0x11f: {  	v40 =	vmul.f32 v36, v63;
	v41 =	vmul.f32 v37, v41;
	_ =	sdelay $0x1  }
0x120: {  	v40 =	vsub.f32 $1.500000000e+00, v40;
	v41 =	vsub.f32 $1.500000000e+00, v41;
	_ =	sdelay $0x1  }
0x121: {  	v36 =	vmul.f32 v36, v40;
	v37 =	vmul.f32 v37, v41;
	_ =	sdelay $0x1  }
0x122: {  	v23 =	vld.idx.msk [tilespmem:v23+s25+$0x0], $0xffff;
	v40 =	vmul.f32 v36, v30;
	v41 =	vmul.f32 v37, v29  }
0x123: {  	v19 =	vadd.s32 v13, v19;
	v31 =	vadd.f32 v31, v35  }
0x124: {  	v43 =	vadd.s32 v13, v16;
	v44 =	vld.idx.msk [tilespmem:v22+s25+$0x0], $0xffff;
	v45 =	vmul.f32 v40, v36;
	v46 =	vmul.f32 v41, v37  }
0x125: {  	v32 =	vadd.f32 v33, v32;
	v17 =	vmul.f32 v24, v17;
	v47 =	vadd.f32 v34, v31  }
0x126: {  	v15 =	vmul.f32 v25, v15;
	v22 =	vsub.f32 $1.500000000e+00, v45;
	v48 =	vsub.f32 $1.500000000e+00, v46  }
0x127: {  	v14 =	vmul.f32 v25, v14;
	v17 =	vadd.f32 v17, v32;
	v49 =	vmul.f32 v23, v20  }
0x128: {  	v15 =	vadd.f32 v15, v47;
	v19 =	vld.idx.msk [tilespmem:v19+s25+$0x0], $0xffff;
	v22 =	vmul.f32 v22, v36;
	v50 =	vmul.f32 v48, v37  }
0x129: {  	v14 =	vadd.f32 v14, v17;
	v51 =	vmul.f32 v23, v21;
	v13 =	vld.idx.msk [tilespmem:v43+s25+$0x0], $0xffff;
	v18 =	vmul.f32 v44, v18  }
0x12a: {  	v15 =	vadd.f32 v49, v15;
	v52 =	vmul.f32 v22, v30;
	v53 =	vmul.f32 v50, v29  }
0x12b: {  	v16 =	vmul.f32 v44, v28;
	v14 =	vadd.f32 v51, v14  }
0x12c: {  	v15 =	vadd.f32 v18, v15;
	v20 =	vmul.f32 v52, v22;
	v21 =	vmul.f32 v53, v50  }
0x12d: {  	v14 =	vadd.f32 v16, v14;
	v54 =	vmul.f32 v19, v38;
	v55 =	vmul.f32 v19, v27  }
0x12e: {  	v56 =	vmul.f32 v13, v39;
	v57 =	vsub.f32 $1.500000000e+00, v20;
	v58 =	vsub.f32 $1.500000000e+00, v21  }
0x12f: {  	v13 =	vmul.f32 v13, v26;
	v15 =	vadd.f32 v54, v15;
	v14 =	vadd.f32 v55, v14  }
0x130: {  	v59 =	vmul.f32 v57, v22;
	v60 =	vmul.f32 v58, v50  }
0x131: {  	v15 =	vadd.f32 v56, v15;
	v13 =	vadd.f32 v13, v14  }
0x132: {  	v61 =	vmin.f32 v59, $9.999999950e+11;
	v62 =	vmin.f32 v60, $9.999999950e+11  }
0x133: {  	v14 =	vmul.f32 v61, v15;
	v13 =	vmul.f32 v62, v13;
	_ =	sdelay $0x1  }
0x134: {  	v13 =	vadd.f32 v13, v14  }
0x135: {  	s2 =	sadd.s32 $0x1, s2  }
0x136: {  	p0 =	sne.s32 s2, $0x4;
	v13 =	vmul.f32 $5.000000000e-01, v13  }
.Ltmp4:
0x137: {  	_ = 	snop;
	(pc) =	sbr.rel @p0 .LBB2_8-.Ltmp4, $4  }
0x138: {  	v13 =	vsub.f32 $1.000000000e+00, v13  }
0x139: {  	vm2 =	vgt.s32 v12, $0xFFFFFFFF  }
0x13a: {  	v63 =	vsel vm2, $0x3F800000, v9;
	v12 =	vnsel vm2, $0x0, v13  }
0x13b: {  	v10 =	vadd.f32 v63, v10;
	v11 =	vadd.f32 v12, v11  }
0x13c: {  	s24 =	simm.s32 $0x0  }
0x13d: {  	[tilespmem:s29], [sflag:$0x2] =	stream.linear.gather [hbm4b:s11+s24], $0x2000, $0x38;
	[tilespmem:$0xE700] =	vst v63  }
0x13e: {  	_ = 	snop  }
0x13f: {  	[tilespmem:s30], [sflag:$0x2] =	stream.linear.gather [hbm4b:s12+s24], $0x2000, $0x38;
	[tilespmem:$0xE700] =	vst v63  }
0x140: {  	_ =	swait.ge [sflag:s31], $0x2000  }
0x141: {  	[sflag:s31] =	ssyncset.done $0x0  }
0x142: {  	[sflag:s31] =	ssyncadd.s32 $0xFFFFE000  }
0x143: {  	_ =	swait.ge [sflag:s31], $0x2000  }
0x144: {  	[sflag:s31] =	ssyncset.done $0x0  }
0x145: {  	s2 =	simm.s32 $0x0;
	[sflag:s31] =	ssyncadd.s32 $0xFFFFE000  }
.LBB2_12:
0x146: {  	s4 =	sshll.u32 s2, $0x4  }
0x147: {  	s5 =	simm.s32 $0x3;
	v12 =	vld [tilespmem:s4+$0x6500]  }
0x148: {  	s6 =	simm.s32 $0x2;
	v13 =	vmov s4;
	v16 =	vadd.s32 s5, v0  }
0x149: {  	s7 =	simm.s32 $0x1;
	v13 =	vshll.u32 v13, $0x7;
	v19 =	vand.u32 $0x7F, v16;
	v16 =	vadd.s32 s6, v0  }
0x14a: {  	v20 =	vadd.s32 s7, v0;
	v18 =	vor.u32 v8, v13;
	v16 =	vand.u32 $0x7F, v16  }
0x14b: {  	v20 =	vand.u32 $0x7F, v20;
	v21 =	vor.u32 v18, v16  }
0x14c: {  	v14 =	vadd.s32 s24, v0;
	v23 =	vor.u32 v18, v20;
	vm2 =	vgt.s32 v12, $0x0  }
0x14d: {  	v14 =	vand.u32 $0x7F, v14;
	v15 =	vnsel vm2, $0x0, v12  }
0x14e: {  	v13 =	vmul.u32 $0x81, v15;
	v15 =	vor.u32 v18, v14;
	_ =	sdelay $0x1  }
0x14f: {  	v17 =	vor.u32 v18, v19;
	v34 =	vld.idx.msk [tilespmem:v21+s26+$0x0], $0xffff  }
0x150: {  	v31 =	vld.idx.msk [tilespmem:v23+s26+$0x0], $0xffff;
	v14 =	vadd.s32 v13, v14  }
0x151: {  	v38 =	vld.idx.msk [tilespmem:v23+s28+$0x0], $0xffff  }
0x152: {  	v22 =	vld.idx.msk [tilespmem:v15+s26+$0x0], $0xffff  }
0x153: {  	s8 =	simm.s32 $0x4;
	s5 =	simm.s32 $0x6;
	v20 =	vadd.s32 v13, v20;
	v24 =	vld.idx.msk [tilespmem:v15+s28+$0x0], $0xffff  }
0x154: {  	v32 =	vimm.f32 $0.0e+00;
	v26 =	vadd.s32 s8, v0;
	s6 =	simm.s32 $0x7;
	v28 =	vadd.s32 s5, v0;
	v15 =	vld.idx.msk [tilespmem:v17+s26+$0x0], $0xffff  }
0x155: {  	v26 =	vand.u32 $0x7F, v26;
	v27 =	vadd.s32 v13, v16;
	v16 =	vadd.s32 s6, v0;
	v25 =	vld.idx.msk [tilespmem:v14+s25+$0x0], $0xffff  }
0x156: {  	v39 =	vor.u32 v18, v26;
	v33 =	vadd.s32 v13, v19;
	v16 =	vand.u32 $0x7F, v16;
	v14 =	vld.idx.msk [tilespmem:v17+s28+$0x0], $0xffff  }
0x157: {  	s9 =	simm.s32 $0x5;
	v19 =	vand.u32 $0x7F, v28;
	v23 =	vadd.s32 v13, v26;
	v26 =	vor.u32 v18, v16;
	v17 =	vld.idx.msk [tilespmem:v21+s28+$0x0], $0xffff  }
0x158: {  	v37 =	vmul.f32 v34, v34;
	v43 =	vmul.f32 v31, v31;
	v21 =	vadd.s32 s9, v0;
	v40 =	vld.idx.msk [tilespmem:v20+s25+$0x0], $0xffff  }
0x159: {  	v44 =	vmul.f32 v38, v38;
	v21 =	vand.u32 $0x7F, v21;
	v20 =	vmul.f32 v22, v22  }
0x15a: {  	v28 =	vor.u32 v18, v21;
	v35 =	vmul.f32 v24, v24;
	v42 =	vmul.f32 v25, v24;
	v24 =	vld.idx.msk [tilespmem:v27+s25+$0x0], $0xffff  }
0x15b: {  	v30 =	vmul.f32 v15, v15;
	v41 =	vmul.f32 v25, v22;
	v27 =	vor.u32 v18, v19  }
0x15c: {  	v29 =	vmul.f32 v14, v14;
	v36 =	vmul.f32 v17, v17;
	v22 =	vadd.s32 v13, v21;
	v25 =	vld.idx.msk [tilespmem:v33+s25+$0x0], $0xffff  }
0x15d: {  	v45 =	vadd.f32 v20, v32;
	v46 =	vadd.f32 v35, v32;
	v31 =	vmul.f32 v40, v31  }
0x15e: {  	v20 =	vld.idx.msk [tilespmem:v39+s26+$0x0], $0xffff;
	v33 =	vmul.f32 v40, v38;
	v35 =	vadd.f32 v41, v32;
	v32 =	vadd.f32 v42, v32  }
0x15f: {  	s4 =	simm.s32 $0x8;
	v21 =	vld.idx.msk [tilespmem:v39+s28+$0x0], $0xffff;
	v39 =	vadd.f32 v43, v45;
	v38 =	vadd.f32 v44, v46;
	v34 =	vmul.f32 v24, v34  }
.LBB2_13:
0x160: {  	p0 =	slt.u32 s4, $0x7C;
	v40 =	vld.idx.msk [tilespmem:v23+s25+$0x0], $0xffff;
	v23 =	vadd.f32 v31, v35;
	v31 =	vadd.f32 v33, v32;
	v17 =	vmul.f32 v24, v17  }
0x161: {  	v33 =	vmul.f32 v25, v15;
	v24 =	vadd.f32 v37, v39;
	v32 =	vadd.f32 v36, v38;
	v15 =	vld.idx.msk [tilespmem:v26+s26+$0x0], $0xffff  }
0x162: {  	v25 =	vmul.f32 v25, v14;
	v23 =	vadd.f32 v34, v23;
	v31 =	vadd.f32 v17, v31;
	v14 =	vld.idx.msk [tilespmem:v26+s28+$0x0], $0xffff  }
0x163: {  	v26 =	vadd.s32 s4, v0;
	v34 =	vld.idx.msk [tilespmem:v27+s26+$0x0], $0xffff;
	v35 =	vadd.f32 v30, v24;
	v32 =	vadd.f32 v29, v32  }
0x164: {  	s5 =	sadd.s32 $0x1, s4;
	s6 =	sadd.s32 $0x2, s4;
	s7 =	sadd.s32 $0x3, s4;
	v24 =	vadd.s32 v13, v19;
	v17 =	vld.idx.msk [tilespmem:v27+s28+$0x0], $0xffff;
	v33 =	vadd.f32 v33, v23;
	v38 =	vadd.f32 v25, v31  }
0x165: {  	v19 =	vadd.s32 s5, v0;
	v23 =	vadd.s32 s6, v0;
	v25 =	vadd.s32 s7, v0;
	v31 =	vld.idx.msk [tilespmem:v28+s26+$0x0], $0xffff  }
0x166: {  	v41 =	vadd.s32 v13, v16;
	v26 =	vand.u32 $0x7F, v26;
	v16 =	vand.u32 $0x7F, v25;
	v39 =	vld.idx.msk [tilespmem:v28+s28+$0x0], $0xffff  }
0x167: {  	v42 =	vor.u32 v18, v26;
	v43 =	vand.u32 $0x7F, v19;
	v19 =	vand.u32 $0x7F, v23;
	v44 =	vld.idx.msk [tilespmem:v22+s25+$0x0], $0xffff  }
0x168: {  	v45 =	vmul.f32 v20, v20;
	v46 =	vmul.f32 v21, v21;
	v23 =	vadd.s32 v13, v26  }
0x169: {  	v47 =	vmul.f32 v40, v20;
	v21 =	vmul.f32 v40, v21;
	v26 =	vor.u32 v18, v16;
	v24 =	vld.idx.msk [tilespmem:v24+s25+$0x0], $0xffff  }
0x16a: {  	v27 =	vor.u32 v18, v19;
	v30 =	vmul.f32 v15, v15;
	v29 =	vmul.f32 v14, v14  }
.Ltmp5:
0x16b: {  	v28 =	vor.u32 v18, v43;
	v37 =	vmul.f32 v34, v34;
	v36 =	vmul.f32 v17, v17;
	v25 =	vld.idx.msk [tilespmem:v41+s25+$0x0], $0xffff;
	(pc) =	sbr.rel @p0 .LBB2_13-.Ltmp5, $4  }
0x16c: {  	v22 =	vadd.s32 v13, v43;
	v40 =	vmul.f32 v31, v31;
	v41 =	vmul.f32 v39, v39  }
0x16d: {  	v43 =	vadd.f32 v45, v35;
	v45 =	vadd.f32 v46, v32;
	v31 =	vmul.f32 v44, v31  }
0x16e: {  	v35 =	vadd.f32 v47, v33;
	v32 =	vadd.f32 v21, v38;
	v33 =	vmul.f32 v44, v39;
	v20 =	vld.idx.msk [tilespmem:v42+s26+$0x0], $0xffff  }
0x16f: {  	s4 =	sadd.s32 $0x4, s4;
	v39 =	vadd.f32 v40, v43;
	v38 =	vadd.f32 v41, v45;
	v34 =	vmul.f32 v24, v34;
	v21 =	vld.idx.msk [tilespmem:v42+s28+$0x0], $0xffff  }
0x170: {  	_ =	sdelay $0x3  }
0x171: {  	v18 =	vld.idx.msk [tilespmem:v28+s26+$0x0], $0xffff  }
0x172: {  	v28 =	vld.idx.msk [tilespmem:v28+s28+$0x0], $0xffff;
	v37 =	vadd.f32 v37, v39  }
0x173: {  	v36 =	vadd.f32 v36, v38;
	v38 =	vld.idx.msk [tilespmem:v27+s26+$0x0], $0xffff  }
0x174: {  	v27 =	vld.idx.msk [tilespmem:v27+s28+$0x0], $0xffff;
	v30 =	vadd.f32 v30, v37;
	v54 =	vmul.f32 v20, v20  }
0x175: {  	v39 =	vld.idx.msk [tilespmem:v26+s26+$0x0], $0xffff;
	v29 =	vadd.f32 v29, v36;
	v55 =	vmul.f32 v21, v21  }
0x176: {  	v26 =	vld.idx.msk [tilespmem:v26+s28+$0x0], $0xffff;
	v40 =	vmul.f32 v18, v18;
	v30 =	vadd.f32 v54, v30  }
0x177: {  	v56 =	vmul.f32 v28, v28;
	v29 =	vadd.f32 v55, v29  }
0x178: {  	v57 =	vmul.f32 v38, v38;
	v30 =	vadd.f32 v40, v30  }
0x179: {  	v58 =	vmul.f32 v27, v27;
	v29 =	vadd.f32 v56, v29  }
0x17a: {  	v59 =	vmul.f32 v39, v39;
	v30 =	vadd.f32 v57, v30  }
0x17b: {  	v60 =	vmul.f32 v26, v26;
	v29 =	vadd.f32 v58, v29  }
0x17c: {  	v30 =	vadd.f32 v59, v30  }
0x17d: {  	v29 =	vadd.f32 v60, v29  }
0x17e: {  	v61 =	vshrl.u32 v30, $0x1  }
0x17f: {  	v30 =	vmul.f32 $5.000000000e-01, v30;
	v62 =	vshrl.u32 v29, $0x1;
	v29 =	vmul.f32 $5.000000000e-01, v29  }
0x180: {  	v36 =	vsub.s32 $0x5F3759DF, v61;
	v37 =	vsub.s32 $0x5F3759DF, v62  }
0x181: {  	v63 =	vmul.f32 v36, v30;
	v41 =	vmul.f32 v37, v29;
	_ =	sdelay $0x1  }
0x182: {  	v40 =	vmul.f32 v36, v63;
	v41 =	vmul.f32 v37, v41;
	_ =	sdelay $0x1  }
0x183: {  	v40 =	vsub.f32 $1.500000000e+00, v40;
	v41 =	vsub.f32 $1.500000000e+00, v41;
	_ =	sdelay $0x1  }
0x184: {  	v36 =	vmul.f32 v36, v40;
	v37 =	vmul.f32 v37, v41;
	_ =	sdelay $0x1  }
0x185: {  	v23 =	vld.idx.msk [tilespmem:v23+s25+$0x0], $0xffff;
	v40 =	vmul.f32 v36, v30;
	v41 =	vmul.f32 v37, v29  }
0x186: {  	v19 =	vadd.s32 v13, v19;
	v31 =	vadd.f32 v31, v35  }
0x187: {  	v43 =	vadd.s32 v13, v16;
	v44 =	vld.idx.msk [tilespmem:v22+s25+$0x0], $0xffff;
	v45 =	vmul.f32 v40, v36;
	v46 =	vmul.f32 v41, v37  }
0x188: {  	v32 =	vadd.f32 v33, v32;
	v17 =	vmul.f32 v24, v17;
	v47 =	vadd.f32 v34, v31  }
0x189: {  	v15 =	vmul.f32 v25, v15;
	v22 =	vsub.f32 $1.500000000e+00, v45;
	v48 =	vsub.f32 $1.500000000e+00, v46  }
0x18a: {  	v14 =	vmul.f32 v25, v14;
	v17 =	vadd.f32 v17, v32;
	v49 =	vmul.f32 v23, v20  }
0x18b: {  	v15 =	vadd.f32 v15, v47;
	v19 =	vld.idx.msk [tilespmem:v19+s25+$0x0], $0xffff;
	v22 =	vmul.f32 v22, v36;
	v50 =	vmul.f32 v48, v37  }
0x18c: {  	v14 =	vadd.f32 v14, v17;
	v51 =	vmul.f32 v23, v21;
	v13 =	vld.idx.msk [tilespmem:v43+s25+$0x0], $0xffff;
	v18 =	vmul.f32 v44, v18  }
0x18d: {  	v15 =	vadd.f32 v49, v15;
	v52 =	vmul.f32 v22, v30;
	v53 =	vmul.f32 v50, v29  }
0x18e: {  	v16 =	vmul.f32 v44, v28;
	v14 =	vadd.f32 v51, v14  }
0x18f: {  	v15 =	vadd.f32 v18, v15;
	v20 =	vmul.f32 v52, v22;
	v21 =	vmul.f32 v53, v50  }
0x190: {  	v14 =	vadd.f32 v16, v14;
	v54 =	vmul.f32 v19, v38;
	v55 =	vmul.f32 v19, v27  }
0x191: {  	v56 =	vmul.f32 v13, v39;
	v57 =	vsub.f32 $1.500000000e+00, v20;
	v58 =	vsub.f32 $1.500000000e+00, v21  }
0x192: {  	v13 =	vmul.f32 v13, v26;
	v15 =	vadd.f32 v54, v15;
	v14 =	vadd.f32 v55, v14  }
0x193: {  	v59 =	vmul.f32 v57, v22;
	v60 =	vmul.f32 v58, v50  }
0x194: {  	v15 =	vadd.f32 v56, v15;
	v13 =	vadd.f32 v13, v14  }
0x195: {  	v61 =	vmin.f32 v59, $9.999999950e+11;
	v62 =	vmin.f32 v60, $9.999999950e+11  }
0x196: {  	v14 =	vmul.f32 v61, v15;
	v13 =	vmul.f32 v62, v13;
	_ =	sdelay $0x1  }
0x197: {  	v13 =	vadd.f32 v13, v14  }
0x198: {  	s2 =	sadd.s32 $0x1, s2  }
0x199: {  	p0 =	sne.s32 s2, $0x4;
	v13 =	vmul.f32 $5.000000000e-01, v13  }
.Ltmp6:
0x19a: {  	_ = 	snop;
	(pc) =	sbr.rel @p0 .LBB2_12-.Ltmp6, $4  }
0x19b: {  	v13 =	vsub.f32 $1.000000000e+00, v13  }
0x19c: {  	vm2 =	vgt.s32 v12, $0xFFFFFFFF  }
0x19d: {  	v63 =	vsel vm2, $0x3F800000, v9;
	v12 =	vnsel vm2, $0x0, v13  }
0x19e: {  	v10 =	vadd.f32 v63, v10;
	v11 =	vadd.f32 v12, v11  }
0x19f: {  	s24 =	simm.s32 $0x0  }
0x1a0: {  	[tilespmem:s26], [sflag:$0x1] =	stream.linear.gather [hbm4b:s13+s24], $0x2000, $0x38;
	[tilespmem:$0xE700] =	vst v63  }
0x1a1: {  	_ = 	snop  }
0x1a2: {  	[tilespmem:s28], [sflag:$0x1] =	stream.linear.gather [hbm4b:s14+s24], $0x2000, $0x38;
	[tilespmem:$0xE700] =	vst v63  }
0x1a3: {  	_ =	swait.ge [sflag:s0], $0x2000  }
0x1a4: {  	[sflag:s0] =	ssyncset.done $0x0  }
0x1a5: {  	[sflag:s0] =	ssyncadd.s32 $0xFFFFE000  }
0x1a6: {  	_ =	swait.ge [sflag:s0], $0x2000  }
0x1a7: {  	[sflag:s0] =	ssyncset.done $0x0  }
0x1a8: {  	s2 =	simm.s32 $0x0;
	[sflag:s0] =	ssyncadd.s32 $0xFFFFE000  }
.LBB2_16:
0x1a9: {  	s4 =	sshll.u32 s2, $0x4  }
0x1aa: {  	s5 =	simm.s32 $0x3;
	v12 =	vld [tilespmem:s4+$0x6540]  }
0x1ab: {  	s6 =	simm.s32 $0x2;
	v13 =	vmov s4;
	v16 =	vadd.s32 s5, v0  }
0x1ac: {  	s7 =	simm.s32 $0x1;
	v13 =	vshll.u32 v13, $0x7;
	v19 =	vand.u32 $0x7F, v16;
	v16 =	vadd.s32 s6, v0  }
0x1ad: {  	v20 =	vadd.s32 s7, v0;
	v18 =	vor.u32 v8, v13;
	v16 =	vand.u32 $0x7F, v16  }
0x1ae: {  	v20 =	vand.u32 $0x7F, v20;
	v21 =	vor.u32 v18, v16  }
0x1af: {  	v14 =	vadd.s32 s24, v0;
	v23 =	vor.u32 v18, v20;
	vm2 =	vgt.s32 v12, $0x0  }
0x1b0: {  	v14 =	vand.u32 $0x7F, v14;
	v15 =	vnsel vm2, $0x0, v12  }
0x1b1: {  	v13 =	vmul.u32 $0x81, v15;
	v15 =	vor.u32 v18, v14;
	_ =	sdelay $0x1  }
0x1b2: {  	v17 =	vor.u32 v18, v19;
	v34 =	vld.idx.msk [tilespmem:v21+s29+$0x0], $0xffff  }
0x1b3: {  	v31 =	vld.idx.msk [tilespmem:v23+s29+$0x0], $0xffff;
	v14 =	vadd.s32 v13, v14  }
0x1b4: {  	v38 =	vld.idx.msk [tilespmem:v23+s30+$0x0], $0xffff  }
0x1b5: {  	v22 =	vld.idx.msk [tilespmem:v15+s29+$0x0], $0xffff  }
0x1b6: {  	s8 =	simm.s32 $0x4;
	s5 =	simm.s32 $0x6;
	v20 =	vadd.s32 v13, v20;
	v24 =	vld.idx.msk [tilespmem:v15+s30+$0x0], $0xffff  }
0x1b7: {  	v32 =	vimm.f32 $0.0e+00;
	v26 =	vadd.s32 s8, v0;
	s6 =	simm.s32 $0x7;
	v28 =	vadd.s32 s5, v0;
	v15 =	vld.idx.msk [tilespmem:v17+s29+$0x0], $0xffff  }
0x1b8: {  	v26 =	vand.u32 $0x7F, v26;
	v27 =	vadd.s32 v13, v16;
	v16 =	vadd.s32 s6, v0;
	v25 =	vld.idx.msk [tilespmem:v14+s25+$0x0], $0xffff  }
0x1b9: {  	v39 =	vor.u32 v18, v26;
	v33 =	vadd.s32 v13, v19;
	v16 =	vand.u32 $0x7F, v16;
	v14 =	vld.idx.msk [tilespmem:v17+s30+$0x0], $0xffff  }
0x1ba: {  	s9 =	simm.s32 $0x5;
	v19 =	vand.u32 $0x7F, v28;
	v23 =	vadd.s32 v13, v26;
	v26 =	vor.u32 v18, v16;
	v17 =	vld.idx.msk [tilespmem:v21+s30+$0x0], $0xffff  }
0x1bb: {  	v37 =	vmul.f32 v34, v34;
	v43 =	vmul.f32 v31, v31;
	v21 =	vadd.s32 s9, v0;
	v40 =	vld.idx.msk [tilespmem:v20+s25+$0x0], $0xffff  }
0x1bc: {  	v44 =	vmul.f32 v38, v38;
	v21 =	vand.u32 $0x7F, v21;
	v20 =	vmul.f32 v22, v22  }
0x1bd: {  	v28 =	vor.u32 v18, v21;
	v35 =	vmul.f32 v24, v24;
	v42 =	vmul.f32 v25, v24;
	v24 =	vld.idx.msk [tilespmem:v27+s25+$0x0], $0xffff  }
0x1be: {  	v30 =	vmul.f32 v15, v15;
	v41 =	vmul.f32 v25, v22;
	v27 =	vor.u32 v18, v19  }
0x1bf: {  	v29 =	vmul.f32 v14, v14;
	v36 =	vmul.f32 v17, v17;
	v22 =	vadd.s32 v13, v21;
	v25 =	vld.idx.msk [tilespmem:v33+s25+$0x0], $0xffff  }
0x1c0: {  	v45 =	vadd.f32 v20, v32;
	v46 =	vadd.f32 v35, v32;
	v31 =	vmul.f32 v40, v31  }
0x1c1: {  	v20 =	vld.idx.msk [tilespmem:v39+s29+$0x0], $0xffff;
	v33 =	vmul.f32 v40, v38;
	v35 =	vadd.f32 v41, v32;
	v32 =	vadd.f32 v42, v32  }
0x1c2: {  	s4 =	simm.s32 $0x8;
	v21 =	vld.idx.msk [tilespmem:v39+s30+$0x0], $0xffff;
	v39 =	vadd.f32 v43, v45;
	v38 =	vadd.f32 v44, v46;
	v34 =	vmul.f32 v24, v34  }
.LBB2_17:
0x1c3: {  	p0 =	slt.u32 s4, $0x7C;
	v40 =	vld.idx.msk [tilespmem:v23+s25+$0x0], $0xffff;
	v23 =	vadd.f32 v31, v35;
	v31 =	vadd.f32 v33, v32;
	v17 =	vmul.f32 v24, v17  }
0x1c4: {  	v33 =	vmul.f32 v25, v15;
	v24 =	vadd.f32 v37, v39;
	v32 =	vadd.f32 v36, v38;
	v15 =	vld.idx.msk [tilespmem:v26+s29+$0x0], $0xffff  }
0x1c5: {  	v25 =	vmul.f32 v25, v14;
	v23 =	vadd.f32 v34, v23;
	v31 =	vadd.f32 v17, v31;
	v14 =	vld.idx.msk [tilespmem:v26+s30+$0x0], $0xffff  }
0x1c6: {  	v26 =	vadd.s32 s4, v0;
	v34 =	vld.idx.msk [tilespmem:v27+s29+$0x0], $0xffff;
	v35 =	vadd.f32 v30, v24;
	v32 =	vadd.f32 v29, v32  }
0x1c7: {  	s5 =	sadd.s32 $0x1, s4;
	s6 =	sadd.s32 $0x2, s4;
	s7 =	sadd.s32 $0x3, s4;
	v24 =	vadd.s32 v13, v19;
	v17 =	vld.idx.msk [tilespmem:v27+s30+$0x0], $0xffff;
	v33 =	vadd.f32 v33, v23;
	v38 =	vadd.f32 v25, v31  }
0x1c8: {  	v19 =	vadd.s32 s5, v0;
	v23 =	vadd.s32 s6, v0;
	v25 =	vadd.s32 s7, v0;
	v31 =	vld.idx.msk [tilespmem:v28+s29+$0x0], $0xffff  }
0x1c9: {  	v41 =	vadd.s32 v13, v16;
	v26 =	vand.u32 $0x7F, v26;
	v16 =	vand.u32 $0x7F, v25;
	v39 =	vld.idx.msk [tilespmem:v28+s30+$0x0], $0xffff  }
0x1ca: {  	v42 =	vor.u32 v18, v26;
	v43 =	vand.u32 $0x7F, v19;
	v19 =	vand.u32 $0x7F, v23;
	v44 =	vld.idx.msk [tilespmem:v22+s25+$0x0], $0xffff  }
0x1cb: {  	v45 =	vmul.f32 v20, v20;
	v46 =	vmul.f32 v21, v21;
	v23 =	vadd.s32 v13, v26  }
0x1cc: {  	v47 =	vmul.f32 v40, v20;
	v21 =	vmul.f32 v40, v21;
	v26 =	vor.u32 v18, v16;
	v24 =	vld.idx.msk [tilespmem:v24+s25+$0x0], $0xffff  }
0x1cd: {  	v27 =	vor.u32 v18, v19;
	v30 =	vmul.f32 v15, v15;
	v29 =	vmul.f32 v14, v14  }
.Ltmp7:
0x1ce: {  	v28 =	vor.u32 v18, v43;
	v37 =	vmul.f32 v34, v34;
	v36 =	vmul.f32 v17, v17;
	v25 =	vld.idx.msk [tilespmem:v41+s25+$0x0], $0xffff;
	(pc) =	sbr.rel @p0 .LBB2_17-.Ltmp7, $4  }
0x1cf: {  	v22 =	vadd.s32 v13, v43;
	v40 =	vmul.f32 v31, v31;
	v41 =	vmul.f32 v39, v39  }
0x1d0: {  	v43 =	vadd.f32 v45, v35;
	v45 =	vadd.f32 v46, v32;
	v31 =	vmul.f32 v44, v31  }
0x1d1: {  	v35 =	vadd.f32 v47, v33;
	v32 =	vadd.f32 v21, v38;
	v33 =	vmul.f32 v44, v39;
	v20 =	vld.idx.msk [tilespmem:v42+s29+$0x0], $0xffff  }
0x1d2: {  	s4 =	sadd.s32 $0x4, s4;
	v39 =	vadd.f32 v40, v43;
	v38 =	vadd.f32 v41, v45;
	v34 =	vmul.f32 v24, v34;
	v21 =	vld.idx.msk [tilespmem:v42+s30+$0x0], $0xffff  }
0x1d3: {  	_ =	sdelay $0x3  }
0x1d4: {  	v18 =	vld.idx.msk [tilespmem:v28+s29+$0x0], $0xffff  }
0x1d5: {  	v28 =	vld.idx.msk [tilespmem:v28+s30+$0x0], $0xffff;
	v37 =	vadd.f32 v37, v39  }
0x1d6: {  	v36 =	vadd.f32 v36, v38;
	v38 =	vld.idx.msk [tilespmem:v27+s29+$0x0], $0xffff  }
0x1d7: {  	v27 =	vld.idx.msk [tilespmem:v27+s30+$0x0], $0xffff;
	v30 =	vadd.f32 v30, v37;
	v54 =	vmul.f32 v20, v20  }
0x1d8: {  	v39 =	vld.idx.msk [tilespmem:v26+s29+$0x0], $0xffff;
	v29 =	vadd.f32 v29, v36;
	v55 =	vmul.f32 v21, v21  }
0x1d9: {  	v26 =	vld.idx.msk [tilespmem:v26+s30+$0x0], $0xffff;
	v40 =	vmul.f32 v18, v18;
	v30 =	vadd.f32 v54, v30  }
0x1da: {  	v56 =	vmul.f32 v28, v28;
	v29 =	vadd.f32 v55, v29  }
0x1db: {  	v57 =	vmul.f32 v38, v38;
	v30 =	vadd.f32 v40, v30  }
0x1dc: {  	v58 =	vmul.f32 v27, v27;
	v29 =	vadd.f32 v56, v29  }
0x1dd: {  	v59 =	vmul.f32 v39, v39;
	v30 =	vadd.f32 v57, v30  }
0x1de: {  	v60 =	vmul.f32 v26, v26;
	v29 =	vadd.f32 v58, v29  }
0x1df: {  	v30 =	vadd.f32 v59, v30  }
0x1e0: {  	v29 =	vadd.f32 v60, v29  }
0x1e1: {  	v61 =	vshrl.u32 v30, $0x1  }
0x1e2: {  	v30 =	vmul.f32 $5.000000000e-01, v30;
	v62 =	vshrl.u32 v29, $0x1;
	v29 =	vmul.f32 $5.000000000e-01, v29  }
0x1e3: {  	v36 =	vsub.s32 $0x5F3759DF, v61;
	v37 =	vsub.s32 $0x5F3759DF, v62  }
0x1e4: {  	v63 =	vmul.f32 v36, v30;
	v41 =	vmul.f32 v37, v29;
	_ =	sdelay $0x1  }
0x1e5: {  	v40 =	vmul.f32 v36, v63;
	v41 =	vmul.f32 v37, v41;
	_ =	sdelay $0x1  }
0x1e6: {  	v40 =	vsub.f32 $1.500000000e+00, v40;
	v41 =	vsub.f32 $1.500000000e+00, v41;
	_ =	sdelay $0x1  }
0x1e7: {  	v36 =	vmul.f32 v36, v40;
	v37 =	vmul.f32 v37, v41;
	_ =	sdelay $0x1  }
0x1e8: {  	v23 =	vld.idx.msk [tilespmem:v23+s25+$0x0], $0xffff;
	v40 =	vmul.f32 v36, v30;
	v41 =	vmul.f32 v37, v29  }
0x1e9: {  	v19 =	vadd.s32 v13, v19;
	v31 =	vadd.f32 v31, v35  }
0x1ea: {  	v43 =	vadd.s32 v13, v16;
	v44 =	vld.idx.msk [tilespmem:v22+s25+$0x0], $0xffff;
	v45 =	vmul.f32 v40, v36;
	v46 =	vmul.f32 v41, v37  }
0x1eb: {  	v32 =	vadd.f32 v33, v32;
	v17 =	vmul.f32 v24, v17;
	v47 =	vadd.f32 v34, v31  }
0x1ec: {  	v15 =	vmul.f32 v25, v15;
	v22 =	vsub.f32 $1.500000000e+00, v45;
	v48 =	vsub.f32 $1.500000000e+00, v46  }
0x1ed: {  	v14 =	vmul.f32 v25, v14;
	v17 =	vadd.f32 v17, v32;
	v49 =	vmul.f32 v23, v20  }
0x1ee: {  	v15 =	vadd.f32 v15, v47;
	v19 =	vld.idx.msk [tilespmem:v19+s25+$0x0], $0xffff;
	v22 =	vmul.f32 v22, v36;
	v50 =	vmul.f32 v48, v37  }
0x1ef: {  	v14 =	vadd.f32 v14, v17;
	v51 =	vmul.f32 v23, v21;
	v13 =	vld.idx.msk [tilespmem:v43+s25+$0x0], $0xffff;
	v18 =	vmul.f32 v44, v18  }
0x1f0: {  	v15 =	vadd.f32 v49, v15;
	v52 =	vmul.f32 v22, v30;
	v53 =	vmul.f32 v50, v29  }
0x1f1: {  	v16 =	vmul.f32 v44, v28;
	v14 =	vadd.f32 v51, v14  }
0x1f2: {  	v15 =	vadd.f32 v18, v15;
	v20 =	vmul.f32 v52, v22;
	v21 =	vmul.f32 v53, v50  }
0x1f3: {  	v14 =	vadd.f32 v16, v14;
	v54 =	vmul.f32 v19, v38;
	v55 =	vmul.f32 v19, v27  }
0x1f4: {  	v56 =	vmul.f32 v13, v39;
	v57 =	vsub.f32 $1.500000000e+00, v20;
	v58 =	vsub.f32 $1.500000000e+00, v21  }
0x1f5: {  	v13 =	vmul.f32 v13, v26;
	v15 =	vadd.f32 v54, v15;
	v14 =	vadd.f32 v55, v14  }
0x1f6: {  	v59 =	vmul.f32 v57, v22;
	v60 =	vmul.f32 v58, v50  }
0x1f7: {  	v15 =	vadd.f32 v56, v15;
	v13 =	vadd.f32 v13, v14  }
0x1f8: {  	v61 =	vmin.f32 v59, $9.999999950e+11;
	v62 =	vmin.f32 v60, $9.999999950e+11  }
0x1f9: {  	v14 =	vmul.f32 v61, v15;
	v13 =	vmul.f32 v62, v13;
	_ =	sdelay $0x1  }
0x1fa: {  	v13 =	vadd.f32 v13, v14  }
0x1fb: {  	s2 =	sadd.s32 $0x1, s2  }
0x1fc: {  	p0 =	sne.s32 s2, $0x4;
	v13 =	vmul.f32 $5.000000000e-01, v13  }
.Ltmp8:
0x1fd: {  	_ = 	snop;
	(pc) =	sbr.rel @p0 .LBB2_16-.Ltmp8, $4  }
0x1fe: {  	v13 =	vsub.f32 $1.000000000e+00, v13  }
0x1ff: {  	vm2 =	vgt.s32 v12, $0xFFFFFFFF  }
0x200: {  	v63 =	vsel vm2, $0x3F800000, v9;
	v12 =	vnsel vm2, $0x0, v13  }
0x201: {  	v10 =	vadd.f32 v63, v10;
	v11 =	vadd.f32 v12, v11  }
0x202: {  	s24 =	simm.s32 $0x0  }
0x203: {  	[tilespmem:s29], [sflag:$0x2] =	stream.linear.gather [hbm4b:s15+s24], $0x2000, $0x38;
	[tilespmem:$0xE700] =	vst v63  }
0x204: {  	_ = 	snop  }
0x205: {  	[tilespmem:s30], [sflag:$0x2] =	stream.linear.gather [hbm4b:s16+s24], $0x2000, $0x38;
	[tilespmem:$0xE700] =	vst v63  }
0x206: {  	_ =	swait.ge [sflag:s31], $0x2000  }
0x207: {  	[sflag:s31] =	ssyncset.done $0x0  }
0x208: {  	[sflag:s31] =	ssyncadd.s32 $0xFFFFE000  }
0x209: {  	_ =	swait.ge [sflag:s31], $0x2000  }
0x20a: {  	[sflag:s31] =	ssyncset.done $0x0  }
0x20b: {  	s2 =	simm.s32 $0x0;
	[sflag:s31] =	ssyncadd.s32 $0xFFFFE000  }
.LBB2_20:
0x20c: {  	s4 =	sshll.u32 s2, $0x4  }
0x20d: {  	s5 =	simm.s32 $0x3;
	v12 =	vld [tilespmem:s4+$0x6580]  }
0x20e: {  	s6 =	simm.s32 $0x2;
	v13 =	vmov s4;
	v16 =	vadd.s32 s5, v0  }
0x20f: {  	s7 =	simm.s32 $0x1;
	v13 =	vshll.u32 v13, $0x7;
	v19 =	vand.u32 $0x7F, v16;
	v16 =	vadd.s32 s6, v0  }
0x210: {  	v20 =	vadd.s32 s7, v0;
	v18 =	vor.u32 v8, v13;
	v16 =	vand.u32 $0x7F, v16  }
0x211: {  	v20 =	vand.u32 $0x7F, v20;
	v21 =	vor.u32 v18, v16  }
0x212: {  	v14 =	vadd.s32 s24, v0;
	v23 =	vor.u32 v18, v20;
	vm2 =	vgt.s32 v12, $0x0  }
0x213: {  	v14 =	vand.u32 $0x7F, v14;
	v15 =	vnsel vm2, $0x0, v12  }
0x214: {  	v13 =	vmul.u32 $0x81, v15;
	v15 =	vor.u32 v18, v14;
	_ =	sdelay $0x1  }
0x215: {  	v17 =	vor.u32 v18, v19;
	v34 =	vld.idx.msk [tilespmem:v21+s26+$0x0], $0xffff  }
0x216: {  	v31 =	vld.idx.msk [tilespmem:v23+s26+$0x0], $0xffff;
	v14 =	vadd.s32 v13, v14  }
0x217: {  	v38 =	vld.idx.msk [tilespmem:v23+s28+$0x0], $0xffff  }
0x218: {  	v22 =	vld.idx.msk [tilespmem:v15+s26+$0x0], $0xffff  }
0x219: {  	s8 =	simm.s32 $0x4;
	s5 =	simm.s32 $0x6;
	v20 =	vadd.s32 v13, v20;
	v24 =	vld.idx.msk [tilespmem:v15+s28+$0x0], $0xffff  }
0x21a: {  	v32 =	vimm.f32 $0.0e+00;
	v26 =	vadd.s32 s8, v0;
	s6 =	simm.s32 $0x7;
	v28 =	vadd.s32 s5, v0;
	v15 =	vld.idx.msk [tilespmem:v17+s26+$0x0], $0xffff  }
0x21b: {  	v26 =	vand.u32 $0x7F, v26;
	v27 =	vadd.s32 v13, v16;
	v16 =	vadd.s32 s6, v0;
	v25 =	vld.idx.msk [tilespmem:v14+s25+$0x0], $0xffff  }
0x21c: {  	v39 =	vor.u32 v18, v26;
	v33 =	vadd.s32 v13, v19;
	v16 =	vand.u32 $0x7F, v16;
	v14 =	vld.idx.msk [tilespmem:v17+s28+$0x0], $0xffff  }
0x21d: {  	s9 =	simm.s32 $0x5;
	v19 =	vand.u32 $0x7F, v28;
	v23 =	vadd.s32 v13, v26;
	v26 =	vor.u32 v18, v16;
	v17 =	vld.idx.msk [tilespmem:v21+s28+$0x0], $0xffff  }
0x21e: {  	v37 =	vmul.f32 v34, v34;
	v43 =	vmul.f32 v31, v31;
	v21 =	vadd.s32 s9, v0;
	v40 =	vld.idx.msk [tilespmem:v20+s25+$0x0], $0xffff  }
0x21f: {  	v44 =	vmul.f32 v38, v38;
	v21 =	vand.u32 $0x7F, v21;
	v20 =	vmul.f32 v22, v22  }
0x220: {  	v28 =	vor.u32 v18, v21;
	v35 =	vmul.f32 v24, v24;
	v42 =	vmul.f32 v25, v24;
	v24 =	vld.idx.msk [tilespmem:v27+s25+$0x0], $0xffff  }
0x221: {  	v30 =	vmul.f32 v15, v15;
	v41 =	vmul.f32 v25, v22;
	v27 =	vor.u32 v18, v19  }
0x222: {  	v29 =	vmul.f32 v14, v14;
	v36 =	vmul.f32 v17, v17;
	v22 =	vadd.s32 v13, v21;
	v25 =	vld.idx.msk [tilespmem:v33+s25+$0x0], $0xffff  }
0x223: {  	v45 =	vadd.f32 v20, v32;
	v46 =	vadd.f32 v35, v32;
	v31 =	vmul.f32 v40, v31  }
0x224: {  	v20 =	vld.idx.msk [tilespmem:v39+s26+$0x0], $0xffff;
	v33 =	vmul.f32 v40, v38;
	v35 =	vadd.f32 v41, v32;
	v32 =	vadd.f32 v42, v32  }
0x225: {  	s4 =	simm.s32 $0x8;
	v21 =	vld.idx.msk [tilespmem:v39+s28+$0x0], $0xffff;
	v39 =	vadd.f32 v43, v45;
	v38 =	vadd.f32 v44, v46;
	v34 =	vmul.f32 v24, v34  }
.LBB2_21:
0x226: {  	p0 =	slt.u32 s4, $0x7C;
	v40 =	vld.idx.msk [tilespmem:v23+s25+$0x0], $0xffff;
	v23 =	vadd.f32 v31, v35;
	v31 =	vadd.f32 v33, v32;
	v17 =	vmul.f32 v24, v17  }
0x227: {  	v33 =	vmul.f32 v25, v15;
	v24 =	vadd.f32 v37, v39;
	v32 =	vadd.f32 v36, v38;
	v15 =	vld.idx.msk [tilespmem:v26+s26+$0x0], $0xffff  }
0x228: {  	v25 =	vmul.f32 v25, v14;
	v23 =	vadd.f32 v34, v23;
	v31 =	vadd.f32 v17, v31;
	v14 =	vld.idx.msk [tilespmem:v26+s28+$0x0], $0xffff  }
0x229: {  	v26 =	vadd.s32 s4, v0;
	v34 =	vld.idx.msk [tilespmem:v27+s26+$0x0], $0xffff;
	v35 =	vadd.f32 v30, v24;
	v32 =	vadd.f32 v29, v32  }
0x22a: {  	s5 =	sadd.s32 $0x1, s4;
	s6 =	sadd.s32 $0x2, s4;
	s7 =	sadd.s32 $0x3, s4;
	v24 =	vadd.s32 v13, v19;
	v17 =	vld.idx.msk [tilespmem:v27+s28+$0x0], $0xffff;
	v33 =	vadd.f32 v33, v23;
	v38 =	vadd.f32 v25, v31  }
0x22b: {  	v19 =	vadd.s32 s5, v0;
	v23 =	vadd.s32 s6, v0;
	v25 =	vadd.s32 s7, v0;
	v31 =	vld.idx.msk [tilespmem:v28+s26+$0x0], $0xffff  }
0x22c: {  	v41 =	vadd.s32 v13, v16;
	v26 =	vand.u32 $0x7F, v26;
	v16 =	vand.u32 $0x7F, v25;
	v39 =	vld.idx.msk [tilespmem:v28+s28+$0x0], $0xffff  }
0x22d: {  	v42 =	vor.u32 v18, v26;
	v43 =	vand.u32 $0x7F, v19;
	v19 =	vand.u32 $0x7F, v23;
	v44 =	vld.idx.msk [tilespmem:v22+s25+$0x0], $0xffff  }
0x22e: {  	v45 =	vmul.f32 v20, v20;
	v46 =	vmul.f32 v21, v21;
	v23 =	vadd.s32 v13, v26  }
0x22f: {  	v47 =	vmul.f32 v40, v20;
	v21 =	vmul.f32 v40, v21;
	v26 =	vor.u32 v18, v16;
	v24 =	vld.idx.msk [tilespmem:v24+s25+$0x0], $0xffff  }
0x230: {  	v27 =	vor.u32 v18, v19;
	v30 =	vmul.f32 v15, v15;
	v29 =	vmul.f32 v14, v14  }
.Ltmp9:
0x231: {  	v28 =	vor.u32 v18, v43;
	v37 =	vmul.f32 v34, v34;
	v36 =	vmul.f32 v17, v17;
	v25 =	vld.idx.msk [tilespmem:v41+s25+$0x0], $0xffff;
	(pc) =	sbr.rel @p0 .LBB2_21-.Ltmp9, $4  }
0x232: {  	v22 =	vadd.s32 v13, v43;
	v40 =	vmul.f32 v31, v31;
	v41 =	vmul.f32 v39, v39  }
0x233: {  	v43 =	vadd.f32 v45, v35;
	v45 =	vadd.f32 v46, v32;
	v31 =	vmul.f32 v44, v31  }
0x234: {  	v35 =	vadd.f32 v47, v33;
	v32 =	vadd.f32 v21, v38;
	v33 =	vmul.f32 v44, v39;
	v20 =	vld.idx.msk [tilespmem:v42+s26+$0x0], $0xffff  }
0x235: {  	s4 =	sadd.s32 $0x4, s4;
	v39 =	vadd.f32 v40, v43;
	v38 =	vadd.f32 v41, v45;
	v34 =	vmul.f32 v24, v34;
	v21 =	vld.idx.msk [tilespmem:v42+s28+$0x0], $0xffff  }
0x236: {  	_ =	sdelay $0x3  }
0x237: {  	v18 =	vld.idx.msk [tilespmem:v28+s26+$0x0], $0xffff  }
0x238: {  	v28 =	vld.idx.msk [tilespmem:v28+s28+$0x0], $0xffff;
	v37 =	vadd.f32 v37, v39  }
0x239: {  	v36 =	vadd.f32 v36, v38;
	v38 =	vld.idx.msk [tilespmem:v27+s26+$0x0], $0xffff  }
0x23a: {  	v27 =	vld.idx.msk [tilespmem:v27+s28+$0x0], $0xffff;
	v30 =	vadd.f32 v30, v37;
	v54 =	vmul.f32 v20, v20  }
0x23b: {  	v39 =	vld.idx.msk [tilespmem:v26+s26+$0x0], $0xffff;
	v29 =	vadd.f32 v29, v36;
	v55 =	vmul.f32 v21, v21  }
0x23c: {  	v26 =	vld.idx.msk [tilespmem:v26+s28+$0x0], $0xffff;
	v40 =	vmul.f32 v18, v18;
	v30 =	vadd.f32 v54, v30  }
0x23d: {  	v56 =	vmul.f32 v28, v28;
	v29 =	vadd.f32 v55, v29  }
0x23e: {  	v57 =	vmul.f32 v38, v38;
	v30 =	vadd.f32 v40, v30  }
0x23f: {  	v58 =	vmul.f32 v27, v27;
	v29 =	vadd.f32 v56, v29  }
0x240: {  	v59 =	vmul.f32 v39, v39;
	v30 =	vadd.f32 v57, v30  }
0x241: {  	v60 =	vmul.f32 v26, v26;
	v29 =	vadd.f32 v58, v29  }
0x242: {  	v30 =	vadd.f32 v59, v30  }
0x243: {  	v29 =	vadd.f32 v60, v29  }
0x244: {  	v61 =	vshrl.u32 v30, $0x1  }
0x245: {  	v30 =	vmul.f32 $5.000000000e-01, v30;
	v62 =	vshrl.u32 v29, $0x1;
	v29 =	vmul.f32 $5.000000000e-01, v29  }
0x246: {  	v36 =	vsub.s32 $0x5F3759DF, v61;
	v37 =	vsub.s32 $0x5F3759DF, v62  }
0x247: {  	v63 =	vmul.f32 v36, v30;
	v41 =	vmul.f32 v37, v29;
	_ =	sdelay $0x1  }
0x248: {  	v40 =	vmul.f32 v36, v63;
	v41 =	vmul.f32 v37, v41;
	_ =	sdelay $0x1  }
0x249: {  	v40 =	vsub.f32 $1.500000000e+00, v40;
	v41 =	vsub.f32 $1.500000000e+00, v41;
	_ =	sdelay $0x1  }
0x24a: {  	v36 =	vmul.f32 v36, v40;
	v37 =	vmul.f32 v37, v41;
	_ =	sdelay $0x1  }
0x24b: {  	v23 =	vld.idx.msk [tilespmem:v23+s25+$0x0], $0xffff;
	v40 =	vmul.f32 v36, v30;
	v41 =	vmul.f32 v37, v29  }
0x24c: {  	v19 =	vadd.s32 v13, v19;
	v31 =	vadd.f32 v31, v35  }
0x24d: {  	v43 =	vadd.s32 v13, v16;
	v44 =	vld.idx.msk [tilespmem:v22+s25+$0x0], $0xffff;
	v45 =	vmul.f32 v40, v36;
	v46 =	vmul.f32 v41, v37  }
0x24e: {  	v32 =	vadd.f32 v33, v32;
	v17 =	vmul.f32 v24, v17;
	v47 =	vadd.f32 v34, v31  }
0x24f: {  	v15 =	vmul.f32 v25, v15;
	v22 =	vsub.f32 $1.500000000e+00, v45;
	v48 =	vsub.f32 $1.500000000e+00, v46  }
0x250: {  	v14 =	vmul.f32 v25, v14;
	v17 =	vadd.f32 v17, v32;
	v49 =	vmul.f32 v23, v20  }
0x251: {  	v15 =	vadd.f32 v15, v47;
	v19 =	vld.idx.msk [tilespmem:v19+s25+$0x0], $0xffff;
	v22 =	vmul.f32 v22, v36;
	v50 =	vmul.f32 v48, v37  }
0x252: {  	v14 =	vadd.f32 v14, v17;
	v51 =	vmul.f32 v23, v21;
	v13 =	vld.idx.msk [tilespmem:v43+s25+$0x0], $0xffff;
	v18 =	vmul.f32 v44, v18  }
0x253: {  	v15 =	vadd.f32 v49, v15;
	v52 =	vmul.f32 v22, v30;
	v53 =	vmul.f32 v50, v29  }
0x254: {  	v16 =	vmul.f32 v44, v28;
	v14 =	vadd.f32 v51, v14  }
0x255: {  	v15 =	vadd.f32 v18, v15;
	v20 =	vmul.f32 v52, v22;
	v21 =	vmul.f32 v53, v50  }
0x256: {  	v14 =	vadd.f32 v16, v14;
	v54 =	vmul.f32 v19, v38;
	v55 =	vmul.f32 v19, v27  }
0x257: {  	v56 =	vmul.f32 v13, v39;
	v57 =	vsub.f32 $1.500000000e+00, v20;
	v58 =	vsub.f32 $1.500000000e+00, v21  }
0x258: {  	v13 =	vmul.f32 v13, v26;
	v15 =	vadd.f32 v54, v15;
	v14 =	vadd.f32 v55, v14  }
0x259: {  	v59 =	vmul.f32 v57, v22;
	v60 =	vmul.f32 v58, v50  }
0x25a: {  	v15 =	vadd.f32 v56, v15;
	v13 =	vadd.f32 v13, v14  }
0x25b: {  	v61 =	vmin.f32 v59, $9.999999950e+11;
	v62 =	vmin.f32 v60, $9.999999950e+11  }
0x25c: {  	v14 =	vmul.f32 v61, v15;
	v13 =	vmul.f32 v62, v13;
	_ =	sdelay $0x1  }
0x25d: {  	v13 =	vadd.f32 v13, v14  }
0x25e: {  	s2 =	sadd.s32 $0x1, s2  }
0x25f: {  	p0 =	sne.s32 s2, $0x4;
	v13 =	vmul.f32 $5.000000000e-01, v13  }
.Ltmp10:
0x260: {  	_ = 	snop;
	(pc) =	sbr.rel @p0 .LBB2_20-.Ltmp10, $4  }
0x261: {  	v13 =	vsub.f32 $1.000000000e+00, v13  }
0x262: {  	vm2 =	vgt.s32 v12, $0xFFFFFFFF  }
0x263: {  	v63 =	vsel vm2, $0x3F800000, v9;
	v12 =	vnsel vm2, $0x0, v13  }
0x264: {  	v10 =	vadd.f32 v63, v10;
	v11 =	vadd.f32 v12, v11  }
0x265: {  	s24 =	simm.s32 $0x0  }
0x266: {  	[tilespmem:s26], [sflag:$0x1] =	stream.linear.gather [hbm4b:s17+s24], $0x2000, $0x38;
	[tilespmem:$0xE700] =	vst v63  }
0x267: {  	_ = 	snop  }
0x268: {  	[tilespmem:s28], [sflag:$0x1] =	stream.linear.gather [hbm4b:s18+s24], $0x2000, $0x38;
	[tilespmem:$0xE700] =	vst v63  }
0x269: {  	_ =	swait.ge [sflag:s0], $0x2000  }
0x26a: {  	[sflag:s0] =	ssyncset.done $0x0  }
0x26b: {  	[sflag:s0] =	ssyncadd.s32 $0xFFFFE000  }
0x26c: {  	_ =	swait.ge [sflag:s0], $0x2000  }
0x26d: {  	[sflag:s0] =	ssyncset.done $0x0  }
0x26e: {  	s2 =	simm.s32 $0x0;
	[sflag:s0] =	ssyncadd.s32 $0xFFFFE000  }
.LBB2_24:
0x26f: {  	s4 =	sshll.u32 s2, $0x4  }
0x270: {  	s5 =	simm.s32 $0x3;
	v12 =	vld [tilespmem:s4+$0x65C0]  }
0x271: {  	s6 =	simm.s32 $0x2;
	v13 =	vmov s4;
	v16 =	vadd.s32 s5, v0  }
0x272: {  	s7 =	simm.s32 $0x1;
	v13 =	vshll.u32 v13, $0x7;
	v19 =	vand.u32 $0x7F, v16;
	v16 =	vadd.s32 s6, v0  }
0x273: {  	v20 =	vadd.s32 s7, v0;
	v18 =	vor.u32 v8, v13;
	v16 =	vand.u32 $0x7F, v16  }
0x274: {  	v20 =	vand.u32 $0x7F, v20;
	v21 =	vor.u32 v18, v16  }
0x275: {  	v14 =	vadd.s32 s24, v0;
	v23 =	vor.u32 v18, v20;
	vm2 =	vgt.s32 v12, $0x0  }
0x276: {  	v14 =	vand.u32 $0x7F, v14;
	v15 =	vnsel vm2, $0x0, v12  }
0x277: {  	v13 =	vmul.u32 $0x81, v15;
	v15 =	vor.u32 v18, v14;
	_ =	sdelay $0x1  }
0x278: {  	v17 =	vor.u32 v18, v19;
	v34 =	vld.idx.msk [tilespmem:v21+s29+$0x0], $0xffff  }
0x279: {  	v31 =	vld.idx.msk [tilespmem:v23+s29+$0x0], $0xffff;
	v14 =	vadd.s32 v13, v14  }
0x27a: {  	v38 =	vld.idx.msk [tilespmem:v23+s30+$0x0], $0xffff  }
0x27b: {  	v22 =	vld.idx.msk [tilespmem:v15+s29+$0x0], $0xffff  }
0x27c: {  	s8 =	simm.s32 $0x4;
	s5 =	simm.s32 $0x6;
	v20 =	vadd.s32 v13, v20;
	v24 =	vld.idx.msk [tilespmem:v15+s30+$0x0], $0xffff  }
0x27d: {  	v32 =	vimm.f32 $0.0e+00;
	v26 =	vadd.s32 s8, v0;
	s6 =	simm.s32 $0x7;
	v28 =	vadd.s32 s5, v0;
	v15 =	vld.idx.msk [tilespmem:v17+s29+$0x0], $0xffff  }
0x27e: {  	v26 =	vand.u32 $0x7F, v26;
	v27 =	vadd.s32 v13, v16;
	v16 =	vadd.s32 s6, v0;
	v25 =	vld.idx.msk [tilespmem:v14+s25+$0x0], $0xffff  }
0x27f: {  	v39 =	vor.u32 v18, v26;
	v33 =	vadd.s32 v13, v19;
	v16 =	vand.u32 $0x7F, v16;
	v14 =	vld.idx.msk [tilespmem:v17+s30+$0x0], $0xffff  }
0x280: {  	s9 =	simm.s32 $0x5;
	v19 =	vand.u32 $0x7F, v28;
	v23 =	vadd.s32 v13, v26;
	v26 =	vor.u32 v18, v16;
	v17 =	vld.idx.msk [tilespmem:v21+s30+$0x0], $0xffff  }
0x281: {  	v37 =	vmul.f32 v34, v34;
	v43 =	vmul.f32 v31, v31;
	v21 =	vadd.s32 s9, v0;
	v40 =	vld.idx.msk [tilespmem:v20+s25+$0x0], $0xffff  }
0x282: {  	v44 =	vmul.f32 v38, v38;
	v21 =	vand.u32 $0x7F, v21;
	v20 =	vmul.f32 v22, v22  }
0x283: {  	v28 =	vor.u32 v18, v21;
	v35 =	vmul.f32 v24, v24;
	v42 =	vmul.f32 v25, v24;
	v24 =	vld.idx.msk [tilespmem:v27+s25+$0x0], $0xffff  }
0x284: {  	v30 =	vmul.f32 v15, v15;
	v41 =	vmul.f32 v25, v22;
	v27 =	vor.u32 v18, v19  }
0x285: {  	v29 =	vmul.f32 v14, v14;
	v36 =	vmul.f32 v17, v17;
	v22 =	vadd.s32 v13, v21;
	v25 =	vld.idx.msk [tilespmem:v33+s25+$0x0], $0xffff  }
0x286: {  	v45 =	vadd.f32 v20, v32;
	v46 =	vadd.f32 v35, v32;
	v31 =	vmul.f32 v40, v31  }
0x287: {  	v20 =	vld.idx.msk [tilespmem:v39+s29+$0x0], $0xffff;
	v33 =	vmul.f32 v40, v38;
	v35 =	vadd.f32 v41, v32;
	v32 =	vadd.f32 v42, v32  }
0x288: {  	s4 =	simm.s32 $0x8;
	v21 =	vld.idx.msk [tilespmem:v39+s30+$0x0], $0xffff;
	v39 =	vadd.f32 v43, v45;
	v38 =	vadd.f32 v44, v46;
	v34 =	vmul.f32 v24, v34  }
.LBB2_25:
0x289: {  	p0 =	slt.u32 s4, $0x7C;
	v40 =	vld.idx.msk [tilespmem:v23+s25+$0x0], $0xffff;
	v23 =	vadd.f32 v31, v35;
	v31 =	vadd.f32 v33, v32;
	v17 =	vmul.f32 v24, v17  }
0x28a: {  	v33 =	vmul.f32 v25, v15;
	v24 =	vadd.f32 v37, v39;
	v32 =	vadd.f32 v36, v38;
	v15 =	vld.idx.msk [tilespmem:v26+s29+$0x0], $0xffff  }
0x28b: {  	v25 =	vmul.f32 v25, v14;
	v23 =	vadd.f32 v34, v23;
	v31 =	vadd.f32 v17, v31;
	v14 =	vld.idx.msk [tilespmem:v26+s30+$0x0], $0xffff  }
0x28c: {  	v26 =	vadd.s32 s4, v0;
	v34 =	vld.idx.msk [tilespmem:v27+s29+$0x0], $0xffff;
	v35 =	vadd.f32 v30, v24;
	v32 =	vadd.f32 v29, v32  }
0x28d: {  	s5 =	sadd.s32 $0x1, s4;
	s6 =	sadd.s32 $0x2, s4;
	s7 =	sadd.s32 $0x3, s4;
	v24 =	vadd.s32 v13, v19;
	v17 =	vld.idx.msk [tilespmem:v27+s30+$0x0], $0xffff;
	v33 =	vadd.f32 v33, v23;
	v38 =	vadd.f32 v25, v31  }
0x28e: {  	v19 =	vadd.s32 s5, v0;
	v23 =	vadd.s32 s6, v0;
	v25 =	vadd.s32 s7, v0;
	v31 =	vld.idx.msk [tilespmem:v28+s29+$0x0], $0xffff  }
0x28f: {  	v41 =	vadd.s32 v13, v16;
	v26 =	vand.u32 $0x7F, v26;
	v16 =	vand.u32 $0x7F, v25;
	v39 =	vld.idx.msk [tilespmem:v28+s30+$0x0], $0xffff  }
0x290: {  	v42 =	vor.u32 v18, v26;
	v43 =	vand.u32 $0x7F, v19;
	v19 =	vand.u32 $0x7F, v23;
	v44 =	vld.idx.msk [tilespmem:v22+s25+$0x0], $0xffff  }
0x291: {  	v45 =	vmul.f32 v20, v20;
	v46 =	vmul.f32 v21, v21;
	v23 =	vadd.s32 v13, v26  }
0x292: {  	v47 =	vmul.f32 v40, v20;
	v21 =	vmul.f32 v40, v21;
	v26 =	vor.u32 v18, v16;
	v24 =	vld.idx.msk [tilespmem:v24+s25+$0x0], $0xffff  }
0x293: {  	v27 =	vor.u32 v18, v19;
	v30 =	vmul.f32 v15, v15;
	v29 =	vmul.f32 v14, v14  }
.Ltmp11:
0x294: {  	v28 =	vor.u32 v18, v43;
	v37 =	vmul.f32 v34, v34;
	v36 =	vmul.f32 v17, v17;
	v25 =	vld.idx.msk [tilespmem:v41+s25+$0x0], $0xffff;
	(pc) =	sbr.rel @p0 .LBB2_25-.Ltmp11, $4  }
0x295: {  	v22 =	vadd.s32 v13, v43;
	v40 =	vmul.f32 v31, v31;
	v41 =	vmul.f32 v39, v39  }
0x296: {  	v43 =	vadd.f32 v45, v35;
	v45 =	vadd.f32 v46, v32;
	v31 =	vmul.f32 v44, v31  }
0x297: {  	v35 =	vadd.f32 v47, v33;
	v32 =	vadd.f32 v21, v38;
	v33 =	vmul.f32 v44, v39;
	v20 =	vld.idx.msk [tilespmem:v42+s29+$0x0], $0xffff  }
0x298: {  	s4 =	sadd.s32 $0x4, s4;
	v39 =	vadd.f32 v40, v43;
	v38 =	vadd.f32 v41, v45;
	v34 =	vmul.f32 v24, v34;
	v21 =	vld.idx.msk [tilespmem:v42+s30+$0x0], $0xffff  }
0x299: {  	_ =	sdelay $0x3  }
0x29a: {  	v18 =	vld.idx.msk [tilespmem:v28+s29+$0x0], $0xffff  }
0x29b: {  	v28 =	vld.idx.msk [tilespmem:v28+s30+$0x0], $0xffff;
	v37 =	vadd.f32 v37, v39  }
0x29c: {  	v36 =	vadd.f32 v36, v38;
	v38 =	vld.idx.msk [tilespmem:v27+s29+$0x0], $0xffff  }
0x29d: {  	v27 =	vld.idx.msk [tilespmem:v27+s30+$0x0], $0xffff;
	v30 =	vadd.f32 v30, v37;
	v54 =	vmul.f32 v20, v20  }
0x29e: {  	v39 =	vld.idx.msk [tilespmem:v26+s29+$0x0], $0xffff;
	v29 =	vadd.f32 v29, v36;
	v55 =	vmul.f32 v21, v21  }
0x29f: {  	v26 =	vld.idx.msk [tilespmem:v26+s30+$0x0], $0xffff;
	v40 =	vmul.f32 v18, v18;
	v30 =	vadd.f32 v54, v30  }
0x2a0: {  	v56 =	vmul.f32 v28, v28;
	v29 =	vadd.f32 v55, v29  }
0x2a1: {  	v57 =	vmul.f32 v38, v38;
	v30 =	vadd.f32 v40, v30  }
0x2a2: {  	v58 =	vmul.f32 v27, v27;
	v29 =	vadd.f32 v56, v29  }
0x2a3: {  	v59 =	vmul.f32 v39, v39;
	v30 =	vadd.f32 v57, v30  }
0x2a4: {  	v60 =	vmul.f32 v26, v26;
	v29 =	vadd.f32 v58, v29  }
0x2a5: {  	v30 =	vadd.f32 v59, v30  }
0x2a6: {  	v29 =	vadd.f32 v60, v29  }
0x2a7: {  	v61 =	vshrl.u32 v30, $0x1  }
0x2a8: {  	v30 =	vmul.f32 $5.000000000e-01, v30;
	v62 =	vshrl.u32 v29, $0x1;
	v29 =	vmul.f32 $5.000000000e-01, v29  }
0x2a9: {  	v36 =	vsub.s32 $0x5F3759DF, v61;
	v37 =	vsub.s32 $0x5F3759DF, v62  }
0x2aa: {  	v63 =	vmul.f32 v36, v30;
	v41 =	vmul.f32 v37, v29;
	_ =	sdelay $0x1  }
0x2ab: {  	v40 =	vmul.f32 v36, v63;
	v41 =	vmul.f32 v37, v41;
	_ =	sdelay $0x1  }
0x2ac: {  	v40 =	vsub.f32 $1.500000000e+00, v40;
	v41 =	vsub.f32 $1.500000000e+00, v41;
	_ =	sdelay $0x1  }
0x2ad: {  	v36 =	vmul.f32 v36, v40;
	v37 =	vmul.f32 v37, v41;
	_ =	sdelay $0x1  }
0x2ae: {  	v23 =	vld.idx.msk [tilespmem:v23+s25+$0x0], $0xffff;
	v40 =	vmul.f32 v36, v30;
	v41 =	vmul.f32 v37, v29  }
0x2af: {  	v19 =	vadd.s32 v13, v19;
	v31 =	vadd.f32 v31, v35  }
0x2b0: {  	v43 =	vadd.s32 v13, v16;
	v44 =	vld.idx.msk [tilespmem:v22+s25+$0x0], $0xffff;
	v45 =	vmul.f32 v40, v36;
	v46 =	vmul.f32 v41, v37  }
0x2b1: {  	v32 =	vadd.f32 v33, v32;
	v17 =	vmul.f32 v24, v17;
	v47 =	vadd.f32 v34, v31  }
0x2b2: {  	v15 =	vmul.f32 v25, v15;
	v22 =	vsub.f32 $1.500000000e+00, v45;
	v48 =	vsub.f32 $1.500000000e+00, v46  }
0x2b3: {  	v14 =	vmul.f32 v25, v14;
	v17 =	vadd.f32 v17, v32;
	v49 =	vmul.f32 v23, v20  }
0x2b4: {  	v15 =	vadd.f32 v15, v47;
	v19 =	vld.idx.msk [tilespmem:v19+s25+$0x0], $0xffff;
	v22 =	vmul.f32 v22, v36;
	v50 =	vmul.f32 v48, v37  }
0x2b5: {  	v14 =	vadd.f32 v14, v17;
	v51 =	vmul.f32 v23, v21;
	v13 =	vld.idx.msk [tilespmem:v43+s25+$0x0], $0xffff;
	v18 =	vmul.f32 v44, v18  }
0x2b6: {  	v15 =	vadd.f32 v49, v15;
	v52 =	vmul.f32 v22, v30;
	v53 =	vmul.f32 v50, v29  }
0x2b7: {  	v16 =	vmul.f32 v44, v28;
	v14 =	vadd.f32 v51, v14  }
0x2b8: {  	v15 =	vadd.f32 v18, v15;
	v20 =	vmul.f32 v52, v22;
	v21 =	vmul.f32 v53, v50  }
0x2b9: {  	v14 =	vadd.f32 v16, v14;
	v54 =	vmul.f32 v19, v38;
	v55 =	vmul.f32 v19, v27  }
0x2ba: {  	v56 =	vmul.f32 v13, v39;
	v57 =	vsub.f32 $1.500000000e+00, v20;
	v58 =	vsub.f32 $1.500000000e+00, v21  }
0x2bb: {  	v13 =	vmul.f32 v13, v26;
	v15 =	vadd.f32 v54, v15;
	v14 =	vadd.f32 v55, v14  }
0x2bc: {  	v59 =	vmul.f32 v57, v22;
	v60 =	vmul.f32 v58, v50  }
0x2bd: {  	v15 =	vadd.f32 v56, v15;
	v13 =	vadd.f32 v13, v14  }
0x2be: {  	v61 =	vmin.f32 v59, $9.999999950e+11;
	v62 =	vmin.f32 v60, $9.999999950e+11  }
0x2bf: {  	v14 =	vmul.f32 v61, v15;
	v13 =	vmul.f32 v62, v13;
	_ =	sdelay $0x1  }
0x2c0: {  	v13 =	vadd.f32 v13, v14  }
0x2c1: {  	s2 =	sadd.s32 $0x1, s2  }
0x2c2: {  	p0 =	sne.s32 s2, $0x4;
	v13 =	vmul.f32 $5.000000000e-01, v13  }
.Ltmp12:
0x2c3: {  	_ = 	snop;
	(pc) =	sbr.rel @p0 .LBB2_24-.Ltmp12, $4  }
0x2c4: {  	v13 =	vsub.f32 $1.000000000e+00, v13  }
0x2c5: {  	vm2 =	vgt.s32 v12, $0xFFFFFFFF  }
0x2c6: {  	v63 =	vsel vm2, $0x3F800000, v9;
	v12 =	vnsel vm2, $0x0, v13  }
0x2c7: {  	v10 =	vadd.f32 v63, v10;
	v11 =	vadd.f32 v12, v11  }
0x2c8: {  	s24 =	simm.s32 $0x0  }
0x2c9: {  	[tilespmem:s29], [sflag:$0x2] =	stream.linear.gather [hbm4b:s19+s24], $0x2000, $0x38;
	[tilespmem:$0xE700] =	vst v63  }
0x2ca: {  	_ = 	snop  }
0x2cb: {  	[tilespmem:s30], [sflag:$0x2] =	stream.linear.gather [hbm4b:s20+s24], $0x2000, $0x38;
	[tilespmem:$0xE700] =	vst v63  }
0x2cc: {  	_ =	swait.ge [sflag:s31], $0x2000  }
0x2cd: {  	[sflag:s31] =	ssyncset.done $0x0  }
0x2ce: {  	[sflag:s31] =	ssyncadd.s32 $0xFFFFE000  }
0x2cf: {  	_ =	swait.ge [sflag:s31], $0x2000  }
0x2d0: {  	[sflag:s31] =	ssyncset.done $0x0  }
0x2d1: {  	s2 =	simm.s32 $0x0;
	[sflag:s31] =	ssyncadd.s32 $0xFFFFE000  }
.LBB2_28:
0x2d2: {  	s4 =	sshll.u32 s2, $0x4  }
0x2d3: {  	s5 =	simm.s32 $0x3;
	v12 =	vld [tilespmem:s4+$0x6600]  }
0x2d4: {  	s6 =	simm.s32 $0x2;
	v13 =	vmov s4;
	v16 =	vadd.s32 s5, v0  }
0x2d5: {  	s7 =	simm.s32 $0x1;
	v13 =	vshll.u32 v13, $0x7;
	v19 =	vand.u32 $0x7F, v16;
	v16 =	vadd.s32 s6, v0  }
0x2d6: {  	v20 =	vadd.s32 s7, v0;
	v18 =	vor.u32 v8, v13;
	v16 =	vand.u32 $0x7F, v16  }
0x2d7: {  	v20 =	vand.u32 $0x7F, v20;
	v21 =	vor.u32 v18, v16  }
0x2d8: {  	v14 =	vadd.s32 s24, v0;
	v23 =	vor.u32 v18, v20;
	vm2 =	vgt.s32 v12, $0x0  }
0x2d9: {  	v14 =	vand.u32 $0x7F, v14;
	v15 =	vnsel vm2, $0x0, v12  }
0x2da: {  	v13 =	vmul.u32 $0x81, v15;
	v15 =	vor.u32 v18, v14;
	_ =	sdelay $0x1  }
0x2db: {  	v17 =	vor.u32 v18, v19;
	v34 =	vld.idx.msk [tilespmem:v21+s26+$0x0], $0xffff  }
0x2dc: {  	v31 =	vld.idx.msk [tilespmem:v23+s26+$0x0], $0xffff;
	v14 =	vadd.s32 v13, v14  }
0x2dd: {  	v38 =	vld.idx.msk [tilespmem:v23+s28+$0x0], $0xffff  }
0x2de: {  	v22 =	vld.idx.msk [tilespmem:v15+s26+$0x0], $0xffff  }
0x2df: {  	s8 =	simm.s32 $0x4;
	s5 =	simm.s32 $0x6;
	v20 =	vadd.s32 v13, v20;
	v24 =	vld.idx.msk [tilespmem:v15+s28+$0x0], $0xffff  }
0x2e0: {  	v32 =	vimm.f32 $0.0e+00;
	v26 =	vadd.s32 s8, v0;
	s6 =	simm.s32 $0x7;
	v28 =	vadd.s32 s5, v0;
	v15 =	vld.idx.msk [tilespmem:v17+s26+$0x0], $0xffff  }
0x2e1: {  	v26 =	vand.u32 $0x7F, v26;
	v27 =	vadd.s32 v13, v16;
	v16 =	vadd.s32 s6, v0;
	v25 =	vld.idx.msk [tilespmem:v14+s25+$0x0], $0xffff  }
0x2e2: {  	v39 =	vor.u32 v18, v26;
	v33 =	vadd.s32 v13, v19;
	v16 =	vand.u32 $0x7F, v16;
	v14 =	vld.idx.msk [tilespmem:v17+s28+$0x0], $0xffff  }
0x2e3: {  	s9 =	simm.s32 $0x5;
	v19 =	vand.u32 $0x7F, v28;
	v23 =	vadd.s32 v13, v26;
	v26 =	vor.u32 v18, v16;
	v17 =	vld.idx.msk [tilespmem:v21+s28+$0x0], $0xffff  }
0x2e4: {  	v37 =	vmul.f32 v34, v34;
	v43 =	vmul.f32 v31, v31;
	v21 =	vadd.s32 s9, v0;
	v40 =	vld.idx.msk [tilespmem:v20+s25+$0x0], $0xffff  }
0x2e5: {  	v44 =	vmul.f32 v38, v38;
	v21 =	vand.u32 $0x7F, v21;
	v20 =	vmul.f32 v22, v22  }
0x2e6: {  	v28 =	vor.u32 v18, v21;
	v35 =	vmul.f32 v24, v24;
	v42 =	vmul.f32 v25, v24;
	v24 =	vld.idx.msk [tilespmem:v27+s25+$0x0], $0xffff  }
0x2e7: {  	v30 =	vmul.f32 v15, v15;
	v41 =	vmul.f32 v25, v22;
	v27 =	vor.u32 v18, v19  }
0x2e8: {  	v29 =	vmul.f32 v14, v14;
	v36 =	vmul.f32 v17, v17;
	v22 =	vadd.s32 v13, v21;
	v25 =	vld.idx.msk [tilespmem:v33+s25+$0x0], $0xffff  }
0x2e9: {  	v45 =	vadd.f32 v20, v32;
	v46 =	vadd.f32 v35, v32;
	v31 =	vmul.f32 v40, v31  }
0x2ea: {  	v20 =	vld.idx.msk [tilespmem:v39+s26+$0x0], $0xffff;
	v33 =	vmul.f32 v40, v38;
	v35 =	vadd.f32 v41, v32;
	v32 =	vadd.f32 v42, v32  }
0x2eb: {  	s4 =	simm.s32 $0x8;
	v21 =	vld.idx.msk [tilespmem:v39+s28+$0x0], $0xffff;
	v39 =	vadd.f32 v43, v45;
	v38 =	vadd.f32 v44, v46;
	v34 =	vmul.f32 v24, v34  }
.LBB2_29:
0x2ec: {  	p0 =	slt.u32 s4, $0x7C;
	v40 =	vld.idx.msk [tilespmem:v23+s25+$0x0], $0xffff;
	v23 =	vadd.f32 v31, v35;
	v31 =	vadd.f32 v33, v32;
	v17 =	vmul.f32 v24, v17  }
0x2ed: {  	v33 =	vmul.f32 v25, v15;
	v24 =	vadd.f32 v37, v39;
	v32 =	vadd.f32 v36, v38;
	v15 =	vld.idx.msk [tilespmem:v26+s26+$0x0], $0xffff  }
0x2ee: {  	v25 =	vmul.f32 v25, v14;
	v23 =	vadd.f32 v34, v23;
	v31 =	vadd.f32 v17, v31;
	v14 =	vld.idx.msk [tilespmem:v26+s28+$0x0], $0xffff  }
0x2ef: {  	v26 =	vadd.s32 s4, v0;
	v34 =	vld.idx.msk [tilespmem:v27+s26+$0x0], $0xffff;
	v35 =	vadd.f32 v30, v24;
	v32 =	vadd.f32 v29, v32  }
0x2f0: {  	s5 =	sadd.s32 $0x1, s4;
	s6 =	sadd.s32 $0x2, s4;
	s7 =	sadd.s32 $0x3, s4;
	v24 =	vadd.s32 v13, v19;
	v17 =	vld.idx.msk [tilespmem:v27+s28+$0x0], $0xffff;
	v33 =	vadd.f32 v33, v23;
	v38 =	vadd.f32 v25, v31  }
0x2f1: {  	v19 =	vadd.s32 s5, v0;
	v23 =	vadd.s32 s6, v0;
	v25 =	vadd.s32 s7, v0;
	v31 =	vld.idx.msk [tilespmem:v28+s26+$0x0], $0xffff  }
0x2f2: {  	v41 =	vadd.s32 v13, v16;
	v26 =	vand.u32 $0x7F, v26;
	v16 =	vand.u32 $0x7F, v25;
	v39 =	vld.idx.msk [tilespmem:v28+s28+$0x0], $0xffff  }
0x2f3: {  	v42 =	vor.u32 v18, v26;
	v43 =	vand.u32 $0x7F, v19;
	v19 =	vand.u32 $0x7F, v23;
	v44 =	vld.idx.msk [tilespmem:v22+s25+$0x0], $0xffff  }
0x2f4: {  	v45 =	vmul.f32 v20, v20;
	v46 =	vmul.f32 v21, v21;
	v23 =	vadd.s32 v13, v26  }
0x2f5: {  	v47 =	vmul.f32 v40, v20;
	v21 =	vmul.f32 v40, v21;
	v26 =	vor.u32 v18, v16;
	v24 =	vld.idx.msk [tilespmem:v24+s25+$0x0], $0xffff  }
0x2f6: {  	v27 =	vor.u32 v18, v19;
	v30 =	vmul.f32 v15, v15;
	v29 =	vmul.f32 v14, v14  }
.Ltmp13:
0x2f7: {  	v28 =	vor.u32 v18, v43;
	v37 =	vmul.f32 v34, v34;
	v36 =	vmul.f32 v17, v17;
	v25 =	vld.idx.msk [tilespmem:v41+s25+$0x0], $0xffff;
	(pc) =	sbr.rel @p0 .LBB2_29-.Ltmp13, $4  }
0x2f8: {  	v22 =	vadd.s32 v13, v43;
	v40 =	vmul.f32 v31, v31;
	v41 =	vmul.f32 v39, v39  }
0x2f9: {  	v43 =	vadd.f32 v45, v35;
	v45 =	vadd.f32 v46, v32;
	v31 =	vmul.f32 v44, v31  }
0x2fa: {  	v35 =	vadd.f32 v47, v33;
	v32 =	vadd.f32 v21, v38;
	v33 =	vmul.f32 v44, v39;
	v20 =	vld.idx.msk [tilespmem:v42+s26+$0x0], $0xffff  }
0x2fb: {  	s4 =	sadd.s32 $0x4, s4;
	v39 =	vadd.f32 v40, v43;
	v38 =	vadd.f32 v41, v45;
	v34 =	vmul.f32 v24, v34;
	v21 =	vld.idx.msk [tilespmem:v42+s28+$0x0], $0xffff  }
0x2fc: {  	_ =	sdelay $0x3  }
0x2fd: {  	v18 =	vld.idx.msk [tilespmem:v28+s26+$0x0], $0xffff  }
0x2fe: {  	v28 =	vld.idx.msk [tilespmem:v28+s28+$0x0], $0xffff;
	v37 =	vadd.f32 v37, v39  }
0x2ff: {  	v36 =	vadd.f32 v36, v38;
	v38 =	vld.idx.msk [tilespmem:v27+s26+$0x0], $0xffff  }
0x300: {  	v27 =	vld.idx.msk [tilespmem:v27+s28+$0x0], $0xffff;
	v30 =	vadd.f32 v30, v37;
	v54 =	vmul.f32 v20, v20  }
0x301: {  	v39 =	vld.idx.msk [tilespmem:v26+s26+$0x0], $0xffff;
	v29 =	vadd.f32 v29, v36;
	v55 =	vmul.f32 v21, v21  }
0x302: {  	v26 =	vld.idx.msk [tilespmem:v26+s28+$0x0], $0xffff;
	v40 =	vmul.f32 v18, v18;
	v30 =	vadd.f32 v54, v30  }
0x303: {  	v56 =	vmul.f32 v28, v28;
	v29 =	vadd.f32 v55, v29  }
0x304: {  	v57 =	vmul.f32 v38, v38;
	v30 =	vadd.f32 v40, v30  }
0x305: {  	v58 =	vmul.f32 v27, v27;
	v29 =	vadd.f32 v56, v29  }
0x306: {  	v59 =	vmul.f32 v39, v39;
	v30 =	vadd.f32 v57, v30  }
0x307: {  	v60 =	vmul.f32 v26, v26;
	v29 =	vadd.f32 v58, v29  }
0x308: {  	v30 =	vadd.f32 v59, v30  }
0x309: {  	v29 =	vadd.f32 v60, v29  }
0x30a: {  	v61 =	vshrl.u32 v30, $0x1  }
0x30b: {  	v30 =	vmul.f32 $5.000000000e-01, v30;
	v62 =	vshrl.u32 v29, $0x1;
	v29 =	vmul.f32 $5.000000000e-01, v29  }
0x30c: {  	v36 =	vsub.s32 $0x5F3759DF, v61;
	v37 =	vsub.s32 $0x5F3759DF, v62  }
0x30d: {  	v63 =	vmul.f32 v36, v30;
	v41 =	vmul.f32 v37, v29;
	_ =	sdelay $0x1  }
0x30e: {  	v40 =	vmul.f32 v36, v63;
	v41 =	vmul.f32 v37, v41;
	_ =	sdelay $0x1  }
0x30f: {  	v40 =	vsub.f32 $1.500000000e+00, v40;
	v41 =	vsub.f32 $1.500000000e+00, v41;
	_ =	sdelay $0x1  }
0x310: {  	v36 =	vmul.f32 v36, v40;
	v37 =	vmul.f32 v37, v41;
	_ =	sdelay $0x1  }
0x311: {  	v23 =	vld.idx.msk [tilespmem:v23+s25+$0x0], $0xffff;
	v40 =	vmul.f32 v36, v30;
	v41 =	vmul.f32 v37, v29  }
0x312: {  	v19 =	vadd.s32 v13, v19;
	v31 =	vadd.f32 v31, v35  }
0x313: {  	v43 =	vadd.s32 v13, v16;
	v44 =	vld.idx.msk [tilespmem:v22+s25+$0x0], $0xffff;
	v45 =	vmul.f32 v40, v36;
	v46 =	vmul.f32 v41, v37  }
0x314: {  	v32 =	vadd.f32 v33, v32;
	v17 =	vmul.f32 v24, v17;
	v47 =	vadd.f32 v34, v31  }
0x315: {  	v15 =	vmul.f32 v25, v15;
	v22 =	vsub.f32 $1.500000000e+00, v45;
	v48 =	vsub.f32 $1.500000000e+00, v46  }
0x316: {  	v14 =	vmul.f32 v25, v14;
	v17 =	vadd.f32 v17, v32;
	v49 =	vmul.f32 v23, v20  }
0x317: {  	v15 =	vadd.f32 v15, v47;
	v19 =	vld.idx.msk [tilespmem:v19+s25+$0x0], $0xffff;
	v22 =	vmul.f32 v22, v36;
	v50 =	vmul.f32 v48, v37  }
0x318: {  	v14 =	vadd.f32 v14, v17;
	v51 =	vmul.f32 v23, v21;
	v13 =	vld.idx.msk [tilespmem:v43+s25+$0x0], $0xffff;
	v18 =	vmul.f32 v44, v18  }
0x319: {  	v15 =	vadd.f32 v49, v15;
	v52 =	vmul.f32 v22, v30;
	v53 =	vmul.f32 v50, v29  }
0x31a: {  	v16 =	vmul.f32 v44, v28;
	v14 =	vadd.f32 v51, v14  }
0x31b: {  	v15 =	vadd.f32 v18, v15;
	v20 =	vmul.f32 v52, v22;
	v21 =	vmul.f32 v53, v50  }
0x31c: {  	v14 =	vadd.f32 v16, v14;
	v54 =	vmul.f32 v19, v38;
	v55 =	vmul.f32 v19, v27  }
0x31d: {  	v56 =	vmul.f32 v13, v39;
	v57 =	vsub.f32 $1.500000000e+00, v20;
	v58 =	vsub.f32 $1.500000000e+00, v21  }
0x31e: {  	v13 =	vmul.f32 v13, v26;
	v15 =	vadd.f32 v54, v15;
	v14 =	vadd.f32 v55, v14  }
0x31f: {  	v59 =	vmul.f32 v57, v22;
	v60 =	vmul.f32 v58, v50  }
0x320: {  	v15 =	vadd.f32 v56, v15;
	v13 =	vadd.f32 v13, v14  }
0x321: {  	v61 =	vmin.f32 v59, $9.999999950e+11;
	v62 =	vmin.f32 v60, $9.999999950e+11  }
0x322: {  	v14 =	vmul.f32 v61, v15;
	v13 =	vmul.f32 v62, v13;
	_ =	sdelay $0x1  }
0x323: {  	v13 =	vadd.f32 v13, v14  }
0x324: {  	s2 =	sadd.s32 $0x1, s2  }
0x325: {  	p0 =	sne.s32 s2, $0x4;
	v13 =	vmul.f32 $5.000000000e-01, v13  }
.Ltmp14:
0x326: {  	_ = 	snop;
	(pc) =	sbr.rel @p0 .LBB2_28-.Ltmp14, $4  }
0x327: {  	v13 =	vsub.f32 $1.000000000e+00, v13  }
0x328: {  	vm2 =	vgt.s32 v12, $0xFFFFFFFF  }
0x329: {  	v63 =	vsel vm2, $0x3F800000, v9;
	v12 =	vnsel vm2, $0x0, v13  }
0x32a: {  	v10 =	vadd.f32 v63, v10;
	v11 =	vadd.f32 v12, v11  }
0x32b: {  	_ =	swait.ge [sflag:s0], $0x2000  }
0x32c: {  	[sflag:s0] =	ssyncset.done $0x0  }
0x32d: {  	[sflag:s0] =	ssyncadd.s32 $0xFFFFE000  }
0x32e: {  	_ =	swait.ge [sflag:s0], $0x2000  }
0x32f: {  	[sflag:s0] =	ssyncset.done $0x0  }
0x330: {  	s24 =	simm.s32 $0x0;
	s2 =	simm.s32 $0x0;
	[sflag:s0] =	ssyncadd.s32 $0xFFFFE000  }
.LBB2_32:
0x331: {  	s4 =	sshll.u32 s2, $0x4  }
0x332: {  	s5 =	simm.s32 $0x3;
	v12 =	vld [tilespmem:s4+$0x6640]  }
0x333: {  	s6 =	simm.s32 $0x2;
	v13 =	vmov s4;
	v16 =	vadd.s32 s5, v0  }
0x334: {  	s7 =	simm.s32 $0x1;
	v13 =	vshll.u32 v13, $0x7;
	v19 =	vand.u32 $0x7F, v16;
	v16 =	vadd.s32 s6, v0  }
0x335: {  	v20 =	vadd.s32 s7, v0;
	v18 =	vor.u32 v8, v13;
	v16 =	vand.u32 $0x7F, v16  }
0x336: {  	v20 =	vand.u32 $0x7F, v20;
	v21 =	vor.u32 v18, v16  }
0x337: {  	v14 =	vadd.s32 s24, v0;
	v23 =	vor.u32 v18, v20;
	vm2 =	vgt.s32 v12, $0x0  }
0x338: {  	v14 =	vand.u32 $0x7F, v14;
	v15 =	vnsel vm2, $0x0, v12  }
0x339: {  	v13 =	vmul.u32 $0x81, v15;
	v15 =	vor.u32 v18, v14;
	_ =	sdelay $0x1  }
0x33a: {  	v17 =	vor.u32 v18, v19;
	v34 =	vld.idx.msk [tilespmem:v21+s29+$0x0], $0xffff  }
0x33b: {  	v31 =	vld.idx.msk [tilespmem:v23+s29+$0x0], $0xffff;
	v14 =	vadd.s32 v13, v14  }
0x33c: {  	v38 =	vld.idx.msk [tilespmem:v23+s30+$0x0], $0xffff  }
0x33d: {  	v22 =	vld.idx.msk [tilespmem:v15+s29+$0x0], $0xffff  }
0x33e: {  	s8 =	simm.s32 $0x4;
	s5 =	simm.s32 $0x6;
	v20 =	vadd.s32 v13, v20;
	v24 =	vld.idx.msk [tilespmem:v15+s30+$0x0], $0xffff  }
0x33f: {  	v32 =	vimm.f32 $0.0e+00;
	v26 =	vadd.s32 s8, v0;
	s6 =	simm.s32 $0x7;
	v28 =	vadd.s32 s5, v0;
	v15 =	vld.idx.msk [tilespmem:v17+s29+$0x0], $0xffff  }
0x340: {  	v26 =	vand.u32 $0x7F, v26;
	v27 =	vadd.s32 v13, v16;
	v16 =	vadd.s32 s6, v0;
	v25 =	vld.idx.msk [tilespmem:v14+s25+$0x0], $0xffff  }
0x341: {  	v39 =	vor.u32 v18, v26;
	v33 =	vadd.s32 v13, v19;
	v16 =	vand.u32 $0x7F, v16;
	v14 =	vld.idx.msk [tilespmem:v17+s30+$0x0], $0xffff  }
0x342: {  	s9 =	simm.s32 $0x5;
	v19 =	vand.u32 $0x7F, v28;
	v23 =	vadd.s32 v13, v26;
	v26 =	vor.u32 v18, v16;
	v17 =	vld.idx.msk [tilespmem:v21+s30+$0x0], $0xffff  }
0x343: {  	v37 =	vmul.f32 v34, v34;
	v43 =	vmul.f32 v31, v31;
	v21 =	vadd.s32 s9, v0;
	v40 =	vld.idx.msk [tilespmem:v20+s25+$0x0], $0xffff  }
0x344: {  	v44 =	vmul.f32 v38, v38;
	v21 =	vand.u32 $0x7F, v21;
	v20 =	vmul.f32 v22, v22  }
0x345: {  	v28 =	vor.u32 v18, v21;
	v35 =	vmul.f32 v24, v24;
	v42 =	vmul.f32 v25, v24;
	v24 =	vld.idx.msk [tilespmem:v27+s25+$0x0], $0xffff  }
0x346: {  	v30 =	vmul.f32 v15, v15;
	v41 =	vmul.f32 v25, v22;
	v27 =	vor.u32 v18, v19  }
0x347: {  	v29 =	vmul.f32 v14, v14;
	v36 =	vmul.f32 v17, v17;
	v22 =	vadd.s32 v13, v21;
	v25 =	vld.idx.msk [tilespmem:v33+s25+$0x0], $0xffff  }
0x348: {  	v45 =	vadd.f32 v20, v32;
	v46 =	vadd.f32 v35, v32;
	v31 =	vmul.f32 v40, v31  }
0x349: {  	v20 =	vld.idx.msk [tilespmem:v39+s29+$0x0], $0xffff;
	v33 =	vmul.f32 v40, v38;
	v35 =	vadd.f32 v41, v32;
	v32 =	vadd.f32 v42, v32  }
0x34a: {  	s4 =	simm.s32 $0x8;
	v21 =	vld.idx.msk [tilespmem:v39+s30+$0x0], $0xffff;
	v39 =	vadd.f32 v43, v45;
	v38 =	vadd.f32 v44, v46;
	v34 =	vmul.f32 v24, v34  }
.LBB2_33:
0x34b: {  	p0 =	slt.u32 s4, $0x7C;
	v40 =	vld.idx.msk [tilespmem:v23+s25+$0x0], $0xffff;
	v23 =	vadd.f32 v31, v35;
	v31 =	vadd.f32 v33, v32;
	v17 =	vmul.f32 v24, v17  }
0x34c: {  	v33 =	vmul.f32 v25, v15;
	v24 =	vadd.f32 v37, v39;
	v32 =	vadd.f32 v36, v38;
	v15 =	vld.idx.msk [tilespmem:v26+s29+$0x0], $0xffff  }
0x34d: {  	v25 =	vmul.f32 v25, v14;
	v23 =	vadd.f32 v34, v23;
	v31 =	vadd.f32 v17, v31;
	v14 =	vld.idx.msk [tilespmem:v26+s30+$0x0], $0xffff  }
0x34e: {  	v26 =	vadd.s32 s4, v0;
	v34 =	vld.idx.msk [tilespmem:v27+s29+$0x0], $0xffff;
	v35 =	vadd.f32 v30, v24;
	v32 =	vadd.f32 v29, v32  }
0x34f: {  	s5 =	sadd.s32 $0x1, s4;
	s6 =	sadd.s32 $0x2, s4;
	s7 =	sadd.s32 $0x3, s4;
	v24 =	vadd.s32 v13, v19;
	v17 =	vld.idx.msk [tilespmem:v27+s30+$0x0], $0xffff;
	v33 =	vadd.f32 v33, v23;
	v38 =	vadd.f32 v25, v31  }
0x350: {  	v19 =	vadd.s32 s5, v0;
	v23 =	vadd.s32 s6, v0;
	v25 =	vadd.s32 s7, v0;
	v31 =	vld.idx.msk [tilespmem:v28+s29+$0x0], $0xffff  }
0x351: {  	v41 =	vadd.s32 v13, v16;
	v26 =	vand.u32 $0x7F, v26;
	v16 =	vand.u32 $0x7F, v25;
	v39 =	vld.idx.msk [tilespmem:v28+s30+$0x0], $0xffff  }
0x352: {  	v42 =	vor.u32 v18, v26;
	v43 =	vand.u32 $0x7F, v19;
	v19 =	vand.u32 $0x7F, v23;
	v44 =	vld.idx.msk [tilespmem:v22+s25+$0x0], $0xffff  }
0x353: {  	v45 =	vmul.f32 v20, v20;
	v46 =	vmul.f32 v21, v21;
	v23 =	vadd.s32 v13, v26  }
0x354: {  	v47 =	vmul.f32 v40, v20;
	v21 =	vmul.f32 v40, v21;
	v26 =	vor.u32 v18, v16;
	v24 =	vld.idx.msk [tilespmem:v24+s25+$0x0], $0xffff  }
0x355: {  	v27 =	vor.u32 v18, v19;
	v30 =	vmul.f32 v15, v15;
	v29 =	vmul.f32 v14, v14  }
.Ltmp15:
0x356: {  	v28 =	vor.u32 v18, v43;
	v37 =	vmul.f32 v34, v34;
	v36 =	vmul.f32 v17, v17;
	v25 =	vld.idx.msk [tilespmem:v41+s25+$0x0], $0xffff;
	(pc) =	sbr.rel @p0 .LBB2_33-.Ltmp15, $4  }
0x357: {  	v22 =	vadd.s32 v13, v43;
	v40 =	vmul.f32 v31, v31;
	v41 =	vmul.f32 v39, v39  }
0x358: {  	v43 =	vadd.f32 v45, v35;
	v45 =	vadd.f32 v46, v32;
	v31 =	vmul.f32 v44, v31  }
0x359: {  	v35 =	vadd.f32 v47, v33;
	v32 =	vadd.f32 v21, v38;
	v33 =	vmul.f32 v44, v39;
	v20 =	vld.idx.msk [tilespmem:v42+s29+$0x0], $0xffff  }
0x35a: {  	s4 =	sadd.s32 $0x4, s4;
	v39 =	vadd.f32 v40, v43;
	v38 =	vadd.f32 v41, v45;
	v34 =	vmul.f32 v24, v34;
	v21 =	vld.idx.msk [tilespmem:v42+s30+$0x0], $0xffff  }
0x35b: {  	_ =	sdelay $0x3  }
0x35c: {  	v18 =	vld.idx.msk [tilespmem:v28+s29+$0x0], $0xffff  }
0x35d: {  	v28 =	vld.idx.msk [tilespmem:v28+s30+$0x0], $0xffff;
	v37 =	vadd.f32 v37, v39  }
0x35e: {  	v36 =	vadd.f32 v36, v38;
	v38 =	vld.idx.msk [tilespmem:v27+s29+$0x0], $0xffff  }
0x35f: {  	v27 =	vld.idx.msk [tilespmem:v27+s30+$0x0], $0xffff;
	v30 =	vadd.f32 v30, v37;
	v54 =	vmul.f32 v20, v20  }
0x360: {  	v39 =	vld.idx.msk [tilespmem:v26+s29+$0x0], $0xffff;
	v29 =	vadd.f32 v29, v36;
	v55 =	vmul.f32 v21, v21  }
0x361: {  	v26 =	vld.idx.msk [tilespmem:v26+s30+$0x0], $0xffff;
	v40 =	vmul.f32 v18, v18;
	v30 =	vadd.f32 v54, v30  }
0x362: {  	v56 =	vmul.f32 v28, v28;
	v29 =	vadd.f32 v55, v29  }
0x363: {  	v57 =	vmul.f32 v38, v38;
	v30 =	vadd.f32 v40, v30  }
0x364: {  	v58 =	vmul.f32 v27, v27;
	v29 =	vadd.f32 v56, v29  }
0x365: {  	v59 =	vmul.f32 v39, v39;
	v30 =	vadd.f32 v57, v30  }
0x366: {  	v60 =	vmul.f32 v26, v26;
	v29 =	vadd.f32 v58, v29  }
0x367: {  	v30 =	vadd.f32 v59, v30  }
0x368: {  	v29 =	vadd.f32 v60, v29  }
0x369: {  	v61 =	vshrl.u32 v30, $0x1  }
0x36a: {  	v30 =	vmul.f32 $5.000000000e-01, v30;
	v62 =	vshrl.u32 v29, $0x1;
	v29 =	vmul.f32 $5.000000000e-01, v29  }
0x36b: {  	v36 =	vsub.s32 $0x5F3759DF, v61;
	v37 =	vsub.s32 $0x5F3759DF, v62  }
0x36c: {  	v63 =	vmul.f32 v36, v30;
	v41 =	vmul.f32 v37, v29;
	_ =	sdelay $0x1  }
0x36d: {  	v40 =	vmul.f32 v36, v63;
	v41 =	vmul.f32 v37, v41;
	_ =	sdelay $0x1  }
0x36e: {  	v40 =	vsub.f32 $1.500000000e+00, v40;
	v41 =	vsub.f32 $1.500000000e+00, v41;
	_ =	sdelay $0x1  }
0x36f: {  	v36 =	vmul.f32 v36, v40;
	v37 =	vmul.f32 v37, v41;
	_ =	sdelay $0x1  }
0x370: {  	v23 =	vld.idx.msk [tilespmem:v23+s25+$0x0], $0xffff;
	v40 =	vmul.f32 v36, v30;
	v41 =	vmul.f32 v37, v29  }
0x371: {  	v19 =	vadd.s32 v13, v19;
	v31 =	vadd.f32 v31, v35  }
0x372: {  	v43 =	vadd.s32 v13, v16;
	v44 =	vld.idx.msk [tilespmem:v22+s25+$0x0], $0xffff;
	v45 =	vmul.f32 v40, v36;
	v46 =	vmul.f32 v41, v37  }
0x373: {  	v32 =	vadd.f32 v33, v32;
	v17 =	vmul.f32 v24, v17;
	v47 =	vadd.f32 v34, v31  }
0x374: {  	v15 =	vmul.f32 v25, v15;
	v22 =	vsub.f32 $1.500000000e+00, v45;
	v48 =	vsub.f32 $1.500000000e+00, v46  }
0x375: {  	v14 =	vmul.f32 v25, v14;
	v17 =	vadd.f32 v17, v32;
	v49 =	vmul.f32 v23, v20  }
0x376: {  	v15 =	vadd.f32 v15, v47;
	v19 =	vld.idx.msk [tilespmem:v19+s25+$0x0], $0xffff;
	v22 =	vmul.f32 v22, v36;
	v50 =	vmul.f32 v48, v37  }
0x377: {  	v14 =	vadd.f32 v14, v17;
	v51 =	vmul.f32 v23, v21;
	v13 =	vld.idx.msk [tilespmem:v43+s25+$0x0], $0xffff;
	v18 =	vmul.f32 v44, v18  }
0x378: {  	v15 =	vadd.f32 v49, v15;
	v52 =	vmul.f32 v22, v30;
	v53 =	vmul.f32 v50, v29  }
0x379: {  	v16 =	vmul.f32 v44, v28;
	v14 =	vadd.f32 v51, v14  }
0x37a: {  	v15 =	vadd.f32 v18, v15;
	v20 =	vmul.f32 v52, v22;
	v21 =	vmul.f32 v53, v50  }
0x37b: {  	v14 =	vadd.f32 v16, v14;
	v54 =	vmul.f32 v19, v38;
	v55 =	vmul.f32 v19, v27  }
0x37c: {  	v56 =	vmul.f32 v13, v39;
	v57 =	vsub.f32 $1.500000000e+00, v20;
	v58 =	vsub.f32 $1.500000000e+00, v21  }
0x37d: {  	v13 =	vmul.f32 v13, v26;
	v15 =	vadd.f32 v54, v15;
	v14 =	vadd.f32 v55, v14  }
0x37e: {  	v59 =	vmul.f32 v57, v22;
	v60 =	vmul.f32 v58, v50  }
0x37f: {  	v15 =	vadd.f32 v56, v15;
	v13 =	vadd.f32 v13, v14  }
0x380: {  	v61 =	vmin.f32 v59, $9.999999950e+11;
	v62 =	vmin.f32 v60, $9.999999950e+11  }
0x381: {  	v14 =	vmul.f32 v61, v15;
	v13 =	vmul.f32 v62, v13;
	_ =	sdelay $0x1  }
0x382: {  	v13 =	vadd.f32 v13, v14  }
0x383: {  	s2 =	sadd.s32 $0x1, s2  }
0x384: {  	p0 =	sne.s32 s2, $0x4;
	v13 =	vmul.f32 $5.000000000e-01, v13  }
.Ltmp16:
0x385: {  	_ = 	snop;
	(pc) =	sbr.rel @p0 .LBB2_32-.Ltmp16, $4  }
0x386: {  	v13 =	vsub.f32 $1.000000000e+00, v13  }
0x387: {  	vm2 =	vgt.s32 v12, $0xFFFFFFFF  }
0x388: {  	v63 =	vsel vm2, $0x3F800000, v9;
	v12 =	vnsel vm2, $0x0, v13  }
0x389: {  	v10 =	vadd.f32 v63, v10;
	v11 =	vadd.f32 v12, v11  }
0x38a: {  	_ = 	snop  }
0x38b: {  	(xrf2) =	vadd.scan.msk.f32 $0xffff, v11  }
0x38c: {  	(xrf2) =	vadd.scan.msk.f32 $0xffff, v10;
	_ =	sdelay $0x8  }
0x38d: {  	v10, _, _ =	vpop (xrf2)  }
0x38e: {  	v11, _, _ =	vpop (xrf2)  }
0x38f: {  	v11 =	vbroadcast v11, $0xF  }
0x390: {  	v10 =	vbroadcast v10, $0xF  }
0x391: {  	s1 =	sadd.s32 $0x1, s1;
	v11 =	vnsel vm0, $0x0, v11  }
0x392: {  	p0 =	sne.s32 s1, s22;
	v10 =	vsel vm1, v11, v10  }
.Ltmp17:
0x393: {  	s2 =	simm.s32 $0xE680;
	[tilespmem:$0xE680] =	vst v10;
	(pc) =	sbr.rel @p0 .LBB2_1-.Ltmp17, $4  }
0x394: {  	[hbm4b:s21+s3] =	stream.linear.scatter [tilespmem:s2], [sflag:$0x3], $0x80, $0x38;
	[tilespmem:$0xE700] =	vst v63  }
0x395: {  	_ =	swait.ge [sflag:s23], $0x80  }
0x396: {  	[sflag:s23] =	ssyncset.done $0x0  }
0x397: {  	[sflag:s23] =	ssyncadd.s32 $0xFFFFFF80  }
0x398: {  	_ =	sfence.sel $0x180000  }
0x399: {  	[bflag:$0x0] =	sbarrier.arrive $0xFFFF  }
0x39a: {  	_ =	strace $0x90000047  }
0x39b: {  	s0 =	stileid.u32;
	[bflag:$0x2] =	sbarrier.arrive $0xFFFF  }
0x39c: {  	p0 =	sne.s32 s0, $0x0;
	s0 =	rddreg [dreg:$0x5]  }
0x39d: {  	s0 =	sadd.s32 @!p0 $0x100000, s0  }
0x39e: {  	[sflag:s0] =	ssyncadd.tile.s32 @!p0 $0x1;
	_ =	shalt  }
.Lfunc_end2:
_tile_overlayer_lowered:
.L_overlay_start_2:
0x39f: {  	(tag) =	ssettag $0x2  }
0x3a0: {  	s0 =	rddreg [dreg:$0x0];
	s2 =	stileid.u32  }
0x3a1: {  	s1 =	rddreg [dreg:$0x1];
	p0 =	sne.s32 s2, $0x0  }
0x3a2: {  	s3 =	rddreg [dreg:$0x2];
	[bflag:$0x3] =	sbarrier.arrive $0xFFFF;
	s2 =	simm.s32 @!p0 $0x1C03  }
0x3a3: {  	[timem:s3], [sflag:s2] =	dma.local @!p0 [hbm:s0], s1  }
0x3a4: {  	s0 =	simm.s32 @!p0 $0x3  }
0x3a5: {  	_ =	swait.ge @!p0 [sflag:s0], s1  }
0x3a6: {  	s1 =	ssub.s32 @!p0 $0x0, s1;
	[sflag:s0] =	ssyncset.done @!p0 $0x0  }
0x3a7: {  	[sflag:s0] =	ssyncadd.s32 @!p0 s1  }
0x3a8: {  	[bflag:$0x3] =	sbarrier.arrive $0xFFFF  }
0x3a9: {  	_ =	shalt  }

</sc_bundles>
